<compile_context>
chip_gen: v7x
topology: tpu7x:2x2x1
jax: 0.10.2.dev20260603
libtpu: 0.0.44.dev20260713+nightly
codegen_flags: <defaults>
</compile_context>

<pallas_src>
import functools

import jax
import jax.numpy as jnp
from jax import lax
from jax.experimental import pallas as pl
from jax.experimental.pallas import tpu as pltpu
from jax.experimental.pallas import tpu_sc as plsc

B, H, W = 8, 512, 512
NW = 32
ROWS_PER_W = (B * H) // NW
CHUNK_ROWS = 4
CHUNK_PX = CHUNK_ROWS * W
NCHUNK = ROWS_PER_W // CHUNK_ROWS
GRP = CHUNK_PX // 16
NSTREAM = CHUNK_PX // 128


def _body(xt, d2l, gxh, gyh, out,
          stage0, idx012, idx022, g012, g022, wib0, d1b0, ob0,
          stage1, idx112, idx122, g112, g122, wib1, d1b1, ob1,
          gxb, gyb, tbl, ssem0, gsem0, osem0, ssem1, gsem1, osem1):
    cax = lax.axis_index("c")
    sax = lax.axis_index("s")
    wid = cax * 16 + sax
    pltpu.sync_copy(gxh, gxb)
    pltpu.sync_copy(gyh, gyb)
    tslice = 4 * H * W // 16
    pltpu.sync_copy(d2l.at[pl.ds(cax * (4 * H * W) + sax * tslice, tslice)],
                    tbl.at[pl.ds(sax * tslice, tslice)])
    plsc.subcore_barrier()
    wpx0 = wid * (ROWS_PER_W * W)
    b = wid // 4
    pix_off = (sax // 4) * (H * W)
    h0w = (wid % 4) * ROWS_PER_W
    lane = lax.iota(jnp.int32, 16)

    sets = [
        dict(stage=stage0, i12=idx012, i22=idx022, g12=g012, g22=g022,
             wib=wib0, d1b=d1b0, ob=ob0,
             ssem=ssem0, gsem=gsem0, osem=osem0),
        dict(stage=stage1, i12=idx112, i22=idx122, g12=g112, g22=g122,
             wib=wib1, d1b=d1b1, ob=ob1,
             ssem=ssem1, gsem=gsem1, osem=osem1),
    ]

    def s_copy(c, s):
        return pltpu.make_async_copy(
            xt.at[b, pl.ds(h0w + c * CHUNK_ROWS, CHUNK_ROWS)],
            s["stage"], s["ssem"])

    def o_copy(c, s):
        return pltpu.make_async_copy(
            s["ob"], out.at[pl.ds(wpx0 + c * CHUNK_PX, CHUNK_PX)], s["osem"])

    def p1(c, s):
        stage, i12r, i22r = s["stage"], s["i12"], s["i22"]
        wibr, d1br = s["wib"], s["d1b"]
        hrow0 = h0w + c * CHUNK_ROWS

        def row_body(r, _):
            h = hrow0 + r
            gy_s = plsc.load_gather(gyb, [jnp.full((16,), h, jnp.int32)])

            def grp_body(k, _):
                base = r * W + k * 16
                fx = stage[r, 0, pl.ds(k * 16, 16)]
                fy = stage[r, 1, pl.ds(k * 16, 16)]
                d1 = stage[r, 2, pl.ds(k * 16, 16)]
                gx_v = gxb[pl.ds(k * 16, 16)]

                i_ = (((gy_s + fy) + 1.0) * 511.0) * 0.5
                j_ = (((gx_v + fx) + 1.0) * 511.0) * 0.5
                icl = jnp.minimum(jnp.maximum(i_, -1.0), 512.0)
                jcl = jnp.minimum(jnp.maximum(j_, -1.0), 512.0)
                ti = icl.astype(jnp.int32)
                tj = jcl.astype(jnp.int32)
                fl_i = ti - jnp.where(ti.astype(jnp.float32) > icl, 1, 0)
                fl_j = tj - jnp.where(tj.astype(jnp.float32) > jcl, 1, 0)
                i_f = jnp.clip(fl_i, 0, H - 1)
                i_c = jnp.clip(fl_i + 1, 0, H - 1)
                j_c = jnp.clip(fl_j + 1, 0, W - 1)
                wi = 1.0 - (i_ - i_f.astype(jnp.float32))

                col = j_c + pix_off
                i12r[pl.ds(base, 16)] = i_f * W + col
                i22r[pl.ds(base, 16)] = i_c * W + col
                wibr[pl.ds(base, 16)] = wi
                d1br[pl.ds(base, 16)] = d1
                return 0

            plsc.parallel_loop(0, W // 16, 1, unroll=8)(
                lambda k: grp_body(k, 0) and None)
            return 0

        lax.fori_loop(0, CHUNK_ROWS, row_body, 0)

    def fire_g(s):
        pltpu.make_async_copy(tbl.at[s["i12"]], s["g12"], s["gsem"]).start()
        pltpu.make_async_copy(tbl.at[s["i22"]], s["g22"], s["gsem"]).start()

    def wait_g(s):
        pltpu.make_async_copy(tbl.at[s["i12"]], s["g12"], s["gsem"]).wait()
        pltpu.make_async_copy(tbl.at[s["i22"]], s["g22"], s["gsem"]).wait()

    def p2(s):
        g12r, g22r = s["g12"], s["g22"]
        wibr, d1br, obr = s["wib"], s["d1b"], s["ob"]

        def comb(g, _):
            q12 = g12r[pl.ds(g * 16, 16)]
            q22 = g22r[pl.ds(g * 16, 16)]
            wi = wibr[pl.ds(g * 16, 16)]
            d1 = d1br[pl.ds(g * 16, 16)]
            qi2 = q12 * wi + q22 * (1.0 - wi)
            obr[pl.ds(g * 16, 16)] = qi2 - d1
            return 0

        plsc.parallel_loop(0, GRP, 1, unroll=8)(
            lambda g: comb(g, 0) and None)

    s_copy(0, sets[0]).start()

    s_copy(0, sets[0]).wait()
    p1(0, sets[0])
    fire_g(sets[0])
    s_copy(1, sets[1]).start()

    def step(c, cur, prv):
        s_copy(c, cur).wait()
        p1(c, cur)
        fire_g(cur)
        s_copy(c + 1, prv).start()
        wait_g(prv)

        @pl.when(c >= 3)
        def _():
            o_copy(c - 3, prv).wait()
        p2(prv)
        o_copy(c - 1, prv).start()

    def loop_body(c2, _):
        step(2 * c2 + 1, sets[1], sets[0])
        step(2 * c2 + 2, sets[0], sets[1])
        return 0

    lax.fori_loop(0, (NCHUNK - 2) // 2, loop_body, 0)

    cL = NCHUNK - 1
    s_copy(cL, sets[1]).wait()
    p1(cL, sets[1])
    fire_g(sets[1])
    wait_g(sets[0])
    o_copy(cL - 3, sets[0]).wait()
    p2(sets[0])
    o_copy(cL - 1, sets[0]).start()
    wait_g(sets[1])
    o_copy(cL - 2, sets[1]).wait()
    p2(sets[1])
    o_copy(cL, sets[1]).start()
    o_copy(cL - 1, sets[0]).wait()
    o_copy(cL, sets[1]).wait()


@jax.jit
def _assoc(x):
    gx = jnp.linspace(-1.0, 1.0, W)
    gy = jnp.linspace(-1.0, 1.0, H)
    xt = jnp.transpose(x, (0, 1, 3, 2))
    d2l = x[..., 3].reshape(-1)

    def bufset():
        return [
            pltpu.VMEM((CHUNK_ROWS, 4, W), jnp.float32),
            pltpu.VMEM((CHUNK_PX,), jnp.int32),
            pltpu.VMEM((CHUNK_PX,), jnp.int32),
            pltpu.VMEM((CHUNK_PX,), jnp.float32),
            pltpu.VMEM((CHUNK_PX,), jnp.float32),
            pltpu.VMEM((CHUNK_PX,), jnp.float32),
            pltpu.VMEM((CHUNK_PX,), jnp.float32),
            pltpu.VMEM((CHUNK_PX,), jnp.float32),
        ]

    run = pl.kernel(
        _body,
        out_type=jax.ShapeDtypeStruct((B * H * W,), jnp.float32),
        mesh=plsc.VectorSubcoreMesh(
            core_axis_name="c", subcore_axis_name="s",
            num_cores=2, num_subcores=16),
        compiler_params=pltpu.CompilerParams(needs_layout_passes=False),
        scratch_types=(
            bufset() + bufset() + [
                pltpu.VMEM((W,), jnp.float32),
                pltpu.VMEM((H,), jnp.float32),
                pltpu.VMEM_SHARED((4 * H * W,), jnp.float32),
            ] + [pltpu.SemaphoreType.DMA] * 6
        ),
    )
    return run(xt, d2l, gx, gy).reshape(B, H, W, 1)


def kernel(x):
    return _assoc(x)

# --- scband reference (transcript-rebuilt; emitter-appended) ---
"""Pipeline reference for scband-association-layer-87514253623519 (READ-ONLY COPY).

The authoritative reference and input builder live on the scoring server;
editing this copy changes nothing except your own understanding.
"""

import jax, jax.numpy as jnp
import numpy as np


def _association_forward(x):
    B, H, W, C = x.shape
    xx = jnp.linspace(-1.0, 1.0, W)
    yy = jnp.linspace(-1.0, 1.0, H)
    grid_x, grid_y = jnp.meshgrid(xx, yy)  # each [H, W], matching tf.meshgrid default 'xy'
    flow_x = x[..., 0]
    flow_y = x[..., 1]
    depth_first = x[..., -2:-1]
    depth_second = x[..., -1:]
    shifted_grid_x = grid_x[None, :, :] + flow_x
    shifted_grid_y = grid_y[None, :, :] + flow_y
    shifted_grid = jnp.stack([shifted_grid_y, shifted_grid_x], axis=3)
    i = shifted_grid[..., 0]
    j = shifted_grid[..., 1]
    i = (H - 1) * (i + 1.0) / 2.0
    j = (W - 1) * (j + 1.0) / 2.0
    i_floor = jnp.floor(i).astype(jnp.int32)
    j_floor = jnp.floor(j).astype(jnp.int32)
    i_ceil = jnp.clip(i_floor + 1, 0, H - 1)
    i_floor = jnp.clip(i_floor, 0, H - 1)
    j_ceil = jnp.clip(j_floor + 1, 0, W - 1)
    j_floor = jnp.clip(j_floor, 0, W - 1)
    n_idx = jnp.broadcast_to(jnp.arange(B)[:, None, None], (B, H, W))
    # The original TF code passes n_idx as the channel index into a [B,H,W,1]
    # tensor; with clamped gather semantics (TF-GPU / JAX default) this
    # resolves to channel 0, which we replicate explicitly here.
    ch_idx = jnp.zeros_like(n_idx)
    q_11 = depth_second[n_idx, i_floor, j_floor, ch_idx]
    q_12 = depth_second[n_idx, i_floor, j_ceil, ch_idx]
    q_21 = depth_second[n_idx, i_ceil, j_floor, ch_idx]
    q_22 = depth_second[n_idx, i_ceil, j_ceil, ch_idx]
    dtype = x.dtype
    distance_i_floor = i.astype(dtype) - i_floor.astype(dtype)
    weight_i_floor = 1.0 - distance_i_floor
    distance_j_floor = j.astype(dtype) - j_floor.astype(dtype)
    weight_j_floor = 1.0 - distance_j_floor
    q_i1 = q_11 * weight_i_floor + q_21 * (1.0 - weight_i_floor)
    q_i2 = q_12 * weight_i_floor + q_22 * (1.0 - weight_i_floor)
    # NOTE: original code uses q_i2 in both terms (a bug in the source); kept faithful.
    q_ij = q_i2 * weight_j_floor + q_i2 * (1.0 - weight_j_floor)
    q_ij = q_ij[..., None]
    flow_depth = q_ij - depth_first
    return flow_depth


def setup_inputs(seed: int = 0) -> dict:
    key = jax.random.key(seed)
    x = jax.random.normal(key, (8, 512, 512, 4), dtype=jnp.float32)
    return {"x": x}


def reference(x):
    return _association_forward(x)

if __name__ == "__main__":
    import jax
    _d = setup_inputs()
    print(jax.jit(kernel)(*tuple(_d.values())))

</pallas_src>

<mosaic_0001>
#map = affine_map<(d0, d1) -> (0, 0, 0, 0)>
#map1 = affine_map<(d0, d1) -> (0)>
module attributes {stable_mosaic.version = 14 : i64} {
  func.func @_body(%arg0: i32, %arg1: i32, %arg2: memref<8x512x4x512xf32, #tpu.memory_space<hbm>>, %arg3: memref<2097152xf32, #tpu.memory_space<hbm>>, %arg4: memref<512xf32, #tpu.memory_space<hbm>>, %arg5: memref<512xf32, #tpu.memory_space<hbm>>, %arg6: memref<2097152xf32, #tpu.memory_space<hbm>>, %arg7: memref<4x4x512xf32, #tpu.memory_space<vmem>>, %arg8: memref<2048xi32, #tpu.memory_space<vmem>>, %arg9: memref<2048xi32, #tpu.memory_space<vmem>>, %arg10: memref<2048xf32, #tpu.memory_space<vmem>>, %arg11: memref<2048xf32, #tpu.memory_space<vmem>>, %arg12: memref<2048xf32, #tpu.memory_space<vmem>>, %arg13: memref<2048xf32, #tpu.memory_space<vmem>>, %arg14: memref<2048xf32, #tpu.memory_space<vmem>>, %arg15: memref<4x4x512xf32, #tpu.memory_space<vmem>>, %arg16: memref<2048xi32, #tpu.memory_space<vmem>>, %arg17: memref<2048xi32, #tpu.memory_space<vmem>>, %arg18: memref<2048xf32, #tpu.memory_space<vmem>>, %arg19: memref<2048xf32, #tpu.memory_space<vmem>>, %arg20: memref<2048xf32, #tpu.memory_space<vmem>>, %arg21: memref<2048xf32, #tpu.memory_space<vmem>>, %arg22: memref<2048xf32, #tpu.memory_space<vmem>>, %arg23: memref<512xf32, #tpu.memory_space<vmem>>, %arg24: memref<512xf32, #tpu.memory_space<vmem>>, %arg25: memref<1048576xf32, #tpu.memory_space<vmem_shared>>, %arg26: memref<!tpu.dma_semaphore, #tpu.memory_space<semaphore_mem>>, %arg27: memref<!tpu.dma_semaphore, #tpu.memory_space<semaphore_mem>>, %arg28: memref<!tpu.dma_semaphore, #tpu.memory_space<semaphore_mem>>, %arg29: memref<!tpu.dma_semaphore, #tpu.memory_space<semaphore_mem>>, %arg30: memref<!tpu.dma_semaphore, #tpu.memory_space<semaphore_mem>>, %arg31: memref<!tpu.dma_semaphore, #tpu.memory_space<semaphore_mem>>) attributes {dimension_semantics = [#tpu.dimension_semantics<core_parallel>, #tpu.dimension_semantics<subcore_parallel>], iteration_bounds = array<i64: 2, 16>, scalar_prefetch = 0 : i64, scratch_operands = 25 : i64, tpu.core_type = #tpu.core_type<sc_vector_subcore>, window_params = [{transform_indices = #map}, {transform_indices = #map1}, {transform_indices = #map1}, {transform_indices = #map1}, {transform_indices = #map1}]} {
    %mul3A = arith.constant 16 : i32
    %mul3A_0 = arith.muli %arg0, %mul3A : i32
    %add3A = arith.addi %mul3A_0, %arg1 : i32
    "tpu.region"() ({
      %run_scoped3A = tpu.sem_alloc : memref<!tpu.dma_semaphore, #tpu.memory_space<semaphore_mem>>
      tpu.enqueue_dma source(%arg4 : memref<512xf32, #tpu.memory_space<hbm>>) target(%arg23 : memref<512xf32, #tpu.memory_space<vmem>>) target_semaphore(%run_scoped3A : memref<!tpu.dma_semaphore, #tpu.memory_space<semaphore_mem>>)
      tpu.wait_dma2 semaphore(%run_scoped3A : memref<!tpu.dma_semaphore, #tpu.memory_space<semaphore_mem>>) src(%arg4 : memref<512xf32, #tpu.memory_space<hbm>>) dst(%arg23 : memref<512xf32, #tpu.memory_space<vmem>>)
      tpu.yield
    }) : () -> ()
    "tpu.region"() ({
      %run_scoped3A = tpu.sem_alloc : memref<!tpu.dma_semaphore, #tpu.memory_space<semaphore_mem>>
      tpu.enqueue_dma source(%arg5 : memref<512xf32, #tpu.memory_space<hbm>>) target(%arg24 : memref<512xf32, #tpu.memory_space<vmem>>) target_semaphore(%run_scoped3A : memref<!tpu.dma_semaphore, #tpu.memory_space<semaphore_mem>>)
      tpu.wait_dma2 semaphore(%run_scoped3A : memref<!tpu.dma_semaphore, #tpu.memory_space<semaphore_mem>>) src(%arg5 : memref<512xf32, #tpu.memory_space<hbm>>) dst(%arg24 : memref<512xf32, #tpu.memory_space<vmem>>)
      tpu.yield
    }) : () -> ()
    %mul3A_1 = arith.constant 1048576 : i32
    %mul3A_2 = arith.muli %arg0, %mul3A_1 : i32
    %mul3A_3 = arith.constant 65536 : i32
    %mul3A_4 = arith.muli %arg1, %mul3A_3 : i32
    %add3A_5 = arith.addi %mul3A_2, %mul3A_4 : i32
    %mul3A_6 = arith.constant 65536 : i32
    %mul3A_7 = arith.muli %arg1, %mul3A_6 : i32
    "tpu.region"() ({
      %run_scoped3A = tpu.sem_alloc : memref<!tpu.dma_semaphore, #tpu.memory_space<semaphore_mem>>
      %dma_start3A_175 = tpu.memref_slice %arg25[%mul3A_7] : memref<1048576xf32, #tpu.memory_space<vmem_shared>> -> memref<65536xf32, #tpu.memory_space<vmem_shared>>
      %dma_start3A_176 = tpu.memref_slice %arg3[%add3A_5] : memref<2097152xf32, #tpu.memory_space<hbm>> -> memref<65536xf32, #tpu.memory_space<hbm>>
      tpu.enqueue_dma source(%dma_start3A_176 : memref<65536xf32, #tpu.memory_space<hbm>>) target(%dma_start3A_175 : memref<65536xf32, #tpu.memory_space<vmem_shared>>) target_semaphore(%run_scoped3A : memref<!tpu.dma_semaphore, #tpu.memory_space<semaphore_mem>>)
      %dma_wait3A_177 = tpu.memref_slice %arg25[%mul3A_7] : memref<1048576xf32, #tpu.memory_space<vmem_shared>> -> memref<65536xf32, #tpu.memory_space<vmem_shared>>
      %dma_wait3A_178 = tpu.memref_slice %arg3[%add3A_5] : memref<2097152xf32, #tpu.memory_space<hbm>> -> memref<65536xf32, #tpu.memory_space<hbm>>
      tpu.wait_dma2 semaphore(%run_scoped3A : memref<!tpu.dma_semaphore, #tpu.memory_space<semaphore_mem>>) src(%dma_wait3A_178 : memref<65536xf32, #tpu.memory_space<hbm>>) dst(%dma_wait3A_177 : memref<65536xf32, #tpu.memory_space<vmem_shared>>)
      tpu.yield
    }) : () -> ()
    %barrier3A = arith.constant 0 : index
    tpu.barrier barrier_id(%barrier3A)
    %mul3A_8 = arith.constant 65536 : i32
    %mul3A_9 = arith.muli %add3A, %mul3A_8 : i32
    %jit3A = arith.constant 4 : i32
    %div3A = arith.divsi %add3A, %jit3A : i32
    %sign3A = arith.constant 0 : i32
    %sign3A_10 = arith.cmpi sgt, %add3A, %sign3A : i32
    %sign3A_11 = arith.extui %sign3A_10 : i1 to i32
    %sign3A_12 = arith.constant 0 : i32
    %sign3A_13 = arith.cmpi slt, %add3A, %sign3A_12 : i32
    %sign3A_14 = arith.extui %sign3A_13 : i1 to i32
    %sign3A_15 = arith.subi %sign3A_11, %sign3A_14 : i32
    %sign3A_16 = arith.constant 0 : i32
    %sign3A_17 = arith.cmpi sgt, %jit3A, %sign3A_16 : i32
    %sign3A_18 = arith.extui %sign3A_17 : i1 to i32
    %sign3A_19 = arith.constant 0 : i32
    %sign3A_20 = arith.cmpi slt, %jit3A, %sign3A_19 : i32
    %sign3A_21 = arith.extui %sign3A_20 : i1 to i32
    %sign3A_22 = arith.subi %sign3A_18, %sign3A_21 : i32
    %ne3A = arith.cmpi ne, %sign3A_15, %sign3A_22 : i32
    %rem3A = arith.remsi %add3A, %jit3A : i32
    %ne3A_23 = arith.constant 0 : i32
    %ne3A_24 = arith.cmpi ne, %rem3A, %ne3A_23 : i32
    %and3A = arith.andi %ne3A, %ne3A_24 : i1
    %sub3A = arith.constant 1 : i32
    %sub3A_25 = arith.subi %div3A, %sub3A : i32
    %select_n3A = arith.select %and3A, %sub3A_25, %div3A : i32
    %jit3A_26 = arith.constant 4 : i32
    %div3A_27 = arith.divsi %arg1, %jit3A_26 : i32
    %sign3A_28 = arith.constant 0 : i32
    %sign3A_29 = arith.cmpi sgt, %arg1, %sign3A_28 : i32
    %sign3A_30 = arith.extui %sign3A_29 : i1 to i32
    %sign3A_31 = arith.constant 0 : i32
    %sign3A_32 = arith.cmpi slt, %arg1, %sign3A_31 : i32
    %sign3A_33 = arith.extui %sign3A_32 : i1 to i32
    %sign3A_34 = arith.subi %sign3A_30, %sign3A_33 : i32
    %sign3A_35 = arith.constant 0 : i32
    %sign3A_36 = arith.cmpi sgt, %jit3A_26, %sign3A_35 : i32
    %sign3A_37 = arith.extui %sign3A_36 : i1 to i32
    %sign3A_38 = arith.constant 0 : i32
    %sign3A_39 = arith.cmpi slt, %jit3A_26, %sign3A_38 : i32
    %sign3A_40 = arith.extui %sign3A_39 : i1 to i32
    %sign3A_41 = arith.subi %sign3A_37, %sign3A_40 : i32
    %ne3A_42 = arith.cmpi ne, %sign3A_34, %sign3A_41 : i32
    %rem3A_43 = arith.remsi %arg1, %jit3A_26 : i32
    %ne3A_44 = arith.constant 0 : i32
    %ne3A_45 = arith.cmpi ne, %rem3A_43, %ne3A_44 : i32
    %and3A_46 = arith.andi %ne3A_42, %ne3A_45 : i1
    %sub3A_47 = arith.constant 1 : i32
    %sub3A_48 = arith.subi %div3A_27, %sub3A_47 : i32
    %select_n3A_49 = arith.select %and3A_46, %sub3A_48, %div3A_27 : i32
    %mul3A_50 = arith.constant 262144 : i32
    %mul3A_51 = arith.muli %select_n3A_49, %mul3A_50 : i32
    %jit3A_52 = arith.constant 4 : i32
    %eq3A = arith.constant 0 : i32
    %eq3A_53 = arith.cmpi eq, %jit3A_52, %eq3A : i32
    %jit3A_54 = arith.constant 1 : i32
    %select_n3A_55 = arith.select %eq3A_53, %jit3A_54, %jit3A_52 : i32
    %rem3A_56 = arith.remsi %add3A, %select_n3A_55 : i32
    %ne3A_57 = arith.constant 0 : i32
    %ne3A_58 = arith.cmpi ne, %rem3A_56, %ne3A_57 : i32
    %lt3A = arith.constant 0 : i32
    %lt3A_59 = arith.cmpi slt, %rem3A_56, %lt3A : i32
    %lt3A_60 = arith.constant 0 : i32
    %lt3A_61 = arith.cmpi slt, %select_n3A_55, %lt3A_60 : i32
    %ne3A_62 = arith.xori %lt3A_59, %lt3A_61 : i1
    %and3A_63 = arith.andi %ne3A_62, %ne3A_58 : i1
    %add3A_64 = arith.addi %rem3A_56, %select_n3A_55 : i32
    %select_n3A_65 = arith.select %and3A_63, %add3A_64, %rem3A_56 : i32
    %mul3A_66 = arith.constant 128 : i32
    %mul3A_67 = arith.muli %select_n3A_65, %mul3A_66 : i32
    %iota3A = tpu.iota {dimensions = array<i32: 0>} : vector<16xi32>
    %add3A_68 = arith.constant 0 : i32
    %add3A_69 = arith.addi %mul3A_67, %add3A_68 : i32
    %dma_start3A = arith.constant 0 : i32
    %dma_start3A_70 = arith.constant 0 : i32
    %dma_start3A_71 = tpu.memref_slice %arg2[%select_n3A, %add3A_69, %dma_start3A, %dma_start3A_70] : memref<8x512x4x512xf32, #tpu.memory_space<hbm>> -> memref<1x4x4x512xf32, #tpu.memory_space<hbm>>
    %dma_start3A_72 = tpu.memref_squeeze %dma_start3A_71 : memref<1x4x4x512xf32, #tpu.memory_space<hbm>> -> memref<4x4x512xf32, #tpu.memory_space<hbm>>
    %dma_start3A_73 = arith.constant 0 : i32
    %dma_start3A_74 = arith.constant 0 : i32
    %dma_start3A_75 = tpu.memref_slice %arg2[%select_n3A, %add3A_69, %dma_start3A_73, %dma_start3A_74] : memref<8x512x4x512xf32, #tpu.memory_space<hbm>> -> memref<1x4x4x512xf32, #tpu.memory_space<hbm>>
    %dma_start3A_76 = tpu.memref_squeeze %dma_start3A_75 : memref<1x4x4x512xf32, #tpu.memory_space<hbm>> -> memref<4x4x512xf32, #tpu.memory_space<hbm>>
    tpu.enqueue_dma source(%dma_start3A_76 : memref<4x4x512xf32, #tpu.memory_space<hbm>>) target(%arg7 : memref<4x4x512xf32, #tpu.memory_space<vmem>>) target_semaphore(%arg26 : memref<!tpu.dma_semaphore, #tpu.memory_space<semaphore_mem>>)
    %add3A_77 = arith.constant 0 : i32
    %add3A_78 = arith.addi %mul3A_67, %add3A_77 : i32
    %dma_wait3A = arith.constant 0 : i32
    %dma_wait3A_79 = arith.constant 0 : i32
    %dma_wait3A_80 = tpu.memref_slice %arg2[%select_n3A, %add3A_78, %dma_wait3A, %dma_wait3A_79] : memref<8x512x4x512xf32, #tpu.memory_space<hbm>> -> memref<1x4x4x512xf32, #tpu.memory_space<hbm>>
    %dma_wait3A_81 = tpu.memref_squeeze %dma_wait3A_80 : memref<1x4x4x512xf32, #tpu.memory_space<hbm>> -> memref<4x4x512xf32, #tpu.memory_space<hbm>>
    %dma_wait3A_82 = arith.constant 0 : i32
    %dma_wait3A_83 = arith.constant 0 : i32
    %dma_wait3A_84 = tpu.memref_slice %arg2[%select_n3A, %add3A_78, %dma_wait3A_82, %dma_wait3A_83] : memref<8x512x4x512xf32, #tpu.memory_space<hbm>> -> memref<1x4x4x512xf32, #tpu.memory_space<hbm>>
    %dma_wait3A_85 = tpu.memref_squeeze %dma_wait3A_84 : memref<1x4x4x512xf32, #tpu.memory_space<hbm>> -> memref<4x4x512xf32, #tpu.memory_space<hbm>>
    tpu.wait_dma2 semaphore(%arg26 : memref<!tpu.dma_semaphore, #tpu.memory_space<semaphore_mem>>) src(%dma_wait3A_85 : memref<4x4x512xf32, #tpu.memory_space<hbm>>) dst(%arg7 : memref<4x4x512xf32, #tpu.memory_space<vmem>>)
    %add3A_86 = arith.constant 0 : i32
    %add3A_87 = arith.addi %mul3A_67, %add3A_86 : i32
    %scan3A = arith.constant 0 : i32
    %scan3A_88 = arith.constant 0 : i32
    %scan3A_89 = arith.constant 4 : i32
    %scan3A_90 = arith.addi %scan3A_88, %scan3A_89 : i32
    %scan3A_91 = arith.constant 1 : i32
    %scan3A_92 = scf.for %scan3A_175 = %scan3A_88 to %scan3A_90 step %scan3A_91 iter_args(%scan3A_176 = %scan3A) -> (i32)  : i32 {
      %add3A_177 = arith.addi %add3A_87, %scan3A_175 : i32
      %broadcast_in_dim3A = vector.broadcast %add3A_177 : i32 to vector<16xi32>
      %gather3A = tpu.vector_load_idx %arg24[%broadcast_in_dim3A] : memref<512xf32, #tpu.memory_space<vmem>>[vector<16xi32>], vector<16xf32>,
      %parallel_loop3A_178 = arith.constant 0 : i32
      %parallel_loop3A_179 = arith.constant 32 : i32
      %parallel_loop3A_180 = arith.constant 1 : i32
      scf.for %parallel_loop3A_182 = %parallel_loop3A_178 to %parallel_loop3A_179 step %parallel_loop3A_180  : i32 {
        %parallel_loop3A_183 = arith.constant 512 : i32
        %parallel_loop3A_184 = arith.muli %scan3A_175, %parallel_loop3A_183 : i32
        %parallel_loop3A_185 = arith.constant 16 : i32
        %parallel_loop3A_186 = arith.muli %parallel_loop3A_182, %parallel_loop3A_185 : i32
        %parallel_loop3A_187 = arith.addi %parallel_loop3A_184, %parallel_loop3A_186 : i32
        %parallel_loop3A_188 = arith.constant 16 : i32
        %parallel_loop3A_189 = arith.muli %parallel_loop3A_182, %parallel_loop3A_188 : i32
        %parallel_loop3A_190 = arith.constant 0 : i32
        %parallel_loop3A_191 = arith.index_cast %scan3A_175 : i32 to index
        %parallel_loop3A_192 = arith.index_cast %parallel_loop3A_190 : i32 to index
        %parallel_loop3A_193 = arith.index_cast %parallel_loop3A_189 : i32 to index
        %parallel_loop3A_194 = tpu.vector_load %arg7[%parallel_loop3A_191, %parallel_loop3A_192, %parallel_loop3A_193] {strides = array<i32>} : memref<4x4x512xf32, #tpu.memory_space<vmem>>, vector<16xf32>,
        %parallel_loop3A_195 = arith.constant 16 : i32
        %parallel_loop3A_196 = arith.muli %parallel_loop3A_182, %parallel_loop3A_195 : i32
        %parallel_loop3A_197 = arith.constant 1 : i32
        %parallel_loop3A_198 = arith.index_cast %scan3A_175 : i32 to index
        %parallel_loop3A_199 = arith.index_cast %parallel_loop3A_197 : i32 to index
        %parallel_loop3A_200 = arith.index_cast %parallel_loop3A_196 : i32 to index
        %parallel_loop3A_201 = tpu.vector_load %arg7[%parallel_loop3A_198, %parallel_loop3A_199, %parallel_loop3A_200] {strides = array<i32>} : memref<4x4x512xf32, #tpu.memory_space<vmem>>, vector<16xf32>,
        %parallel_loop3A_202 = arith.constant 16 : i32
        %parallel_loop3A_203 = arith.muli %parallel_loop3A_182, %parallel_loop3A_202 : i32
        %parallel_loop3A_204 = arith.constant 2 : i32
        %parallel_loop3A_205 = arith.index_cast %scan3A_175 : i32 to index
        %parallel_loop3A_206 = arith.index_cast %parallel_loop3A_204 : i32 to index
        %parallel_loop3A_207 = arith.index_cast %parallel_loop3A_203 : i32 to index
        %parallel_loop3A_208 = tpu.vector_load %arg7[%parallel_loop3A_205, %parallel_loop3A_206, %parallel_loop3A_207] {strides = array<i32>} : memref<4x4x512xf32, #tpu.memory_space<vmem>>, vector<16xf32>,
        %parallel_loop3A_209 = arith.constant 16 : i32
        %parallel_loop3A_210 = arith.muli %parallel_loop3A_182, %parallel_loop3A_209 : i32
        %parallel_loop3A_211 = arith.index_cast %parallel_loop3A_210 : i32 to index
        %parallel_loop3A_212 = tpu.vector_load %arg23[%parallel_loop3A_211] {strides = array<i32>} : memref<512xf32, #tpu.memory_space<vmem>>, vector<16xf32>,
        %parallel_loop3A_213 = arith.addf %gather3A, %parallel_loop3A_201 : vector<16xf32>
        %parallel_loop3A_214 = arith.constant 1.000000e+00 : f32
        %parallel_loop3A_215 = vector.broadcast %parallel_loop3A_214 : f32 to vector<16xf32>
        %parallel_loop3A_216 = arith.addf %parallel_loop3A_213, %parallel_loop3A_215 : vector<16xf32>
        %parallel_loop3A_217 = arith.constant 5.110000e+02 : f32
        %parallel_loop3A_218 = vector.broadcast %parallel_loop3A_217 : f32 to vector<16xf32>
        %parallel_loop3A_219 = arith.mulf %parallel_loop3A_216, %parallel_loop3A_218 : vector<16xf32>
        %parallel_loop3A_220 = arith.constant 5.000000e-01 : f32
        %parallel_loop3A_221 = vector.broadcast %parallel_loop3A_220 : f32 to vector<16xf32>
        %parallel_loop3A_222 = arith.mulf %parallel_loop3A_219, %parallel_loop3A_221 : vector<16xf32>
        %parallel_loop3A_223 = arith.addf %parallel_loop3A_212, %parallel_loop3A_194 : vector<16xf32>
        %parallel_loop3A_224 = arith.constant 1.000000e+00 : f32
        %parallel_loop3A_225 = vector.broadcast %parallel_loop3A_224 : f32 to vector<16xf32>
        %parallel_loop3A_226 = arith.addf %parallel_loop3A_223, %parallel_loop3A_225 : vector<16xf32>
        %parallel_loop3A_227 = arith.constant 5.110000e+02 : f32
        %parallel_loop3A_228 = vector.broadcast %parallel_loop3A_227 : f32 to vector<16xf32>
        %parallel_loop3A_229 = arith.mulf %parallel_loop3A_226, %parallel_loop3A_228 : vector<16xf32>
        %parallel_loop3A_230 = arith.constant 5.000000e-01 : f32
        %parallel_loop3A_231 = vector.broadcast %parallel_loop3A_230 : f32 to vector<16xf32>
        %parallel_loop3A_232 = arith.mulf %parallel_loop3A_229, %parallel_loop3A_231 : vector<16xf32>
        %parallel_loop3A_233 = arith.constant -1.000000e+00 : f32
        %parallel_loop3A_234 = vector.broadcast %parallel_loop3A_233 : f32 to vector<16xf32>
        %parallel_loop3A_235 = arith.maximumf %parallel_loop3A_222, %parallel_loop3A_234 : vector<16xf32>
        %parallel_loop3A_236 = arith.constant 5.120000e+02 : f32
        %parallel_loop3A_237 = vector.broadcast %parallel_loop3A_236 : f32 to vector<16xf32>
        %parallel_loop3A_238 = arith.minimumf %parallel_loop3A_235, %parallel_loop3A_237 : vector<16xf32>
        %parallel_loop3A_239 = arith.constant -1.000000e+00 : f32
        %parallel_loop3A_240 = vector.broadcast %parallel_loop3A_239 : f32 to vector<16xf32>
        %parallel_loop3A_241 = arith.maximumf %parallel_loop3A_232, %parallel_loop3A_240 : vector<16xf32>
        %parallel_loop3A_242 = arith.constant 5.120000e+02 : f32
        %parallel_loop3A_243 = vector.broadcast %parallel_loop3A_242 : f32 to vector<16xf32>
        %parallel_loop3A_244 = arith.minimumf %parallel_loop3A_241, %parallel_loop3A_243 : vector<16xf32>
        %parallel_loop3A_245 = arith.fptosi %parallel_loop3A_238 : vector<16xf32> to vector<16xi32>
        %parallel_loop3A_246 = arith.fptosi %parallel_loop3A_244 : vector<16xf32> to vector<16xi32>
        %parallel_loop3A_247 = arith.sitofp %parallel_loop3A_245 : vector<16xi32> to vector<16xf32>
        %parallel_loop3A_248 = arith.cmpf ogt, %parallel_loop3A_247, %parallel_loop3A_238 : vector<16xf32>
        %parallel_loop3A_249 = arith.constant 1 : i32
        %parallel_loop3A_250 = arith.constant 0 : i32
        %parallel_loop3A_251 = vector.broadcast %parallel_loop3A_249 : i32 to vector<16xi32>
        %parallel_loop3A_252 = vector.broadcast %parallel_loop3A_250 : i32 to vector<16xi32>
        %parallel_loop3A_253 = arith.select %parallel_loop3A_248, %parallel_loop3A_251, %parallel_loop3A_252 : vector<16xi1>, vector<16xi32>
        %parallel_loop3A_254 = arith.subi %parallel_loop3A_245, %parallel_loop3A_253 : vector<16xi32>
        %parallel_loop3A_255 = arith.sitofp %parallel_loop3A_246 : vector<16xi32> to vector<16xf32>
        %parallel_loop3A_256 = arith.cmpf ogt, %parallel_loop3A_255, %parallel_loop3A_244 : vector<16xf32>
        %parallel_loop3A_257 = arith.constant 1 : i32
        %parallel_loop3A_258 = arith.constant 0 : i32
        %parallel_loop3A_259 = vector.broadcast %parallel_loop3A_257 : i32 to vector<16xi32>
        %parallel_loop3A_260 = vector.broadcast %parallel_loop3A_258 : i32 to vector<16xi32>
        %parallel_loop3A_261 = arith.select %parallel_loop3A_256, %parallel_loop3A_259, %parallel_loop3A_260 : vector<16xi1>, vector<16xi32>
        %parallel_loop3A_262 = arith.subi %parallel_loop3A_246, %parallel_loop3A_261 : vector<16xi32>
        %parallel_loop3A_263 = arith.constant 0 : i32
        %parallel_loop3A_264 = arith.constant 511 : i32
        %parallel_loop3A_265 = vector.broadcast %parallel_loop3A_263 : i32 to vector<16xi32>
        %parallel_loop3A_266 = arith.maxsi %parallel_loop3A_265, %parallel_loop3A_254 : vector<16xi32>
        %parallel_loop3A_267 = vector.broadcast %parallel_loop3A_264 : i32 to vector<16xi32>
        %parallel_loop3A_268 = arith.minsi %parallel_loop3A_267, %parallel_loop3A_266 : vector<16xi32>
        %parallel_loop3A_269 = arith.constant 1 : i32
        %parallel_loop3A_270 = vector.broadcast %parallel_loop3A_269 : i32 to vector<16xi32>
        %parallel_loop3A_271 = arith.addi %parallel_loop3A_254, %parallel_loop3A_270 : vector<16xi32>
        %parallel_loop3A_272 = arith.constant 0 : i32
        %parallel_loop3A_273 = arith.constant 511 : i32
        %parallel_loop3A_274 = vector.broadcast %parallel_loop3A_272 : i32 to vector<16xi32>
        %parallel_loop3A_275 = arith.maxsi %parallel_loop3A_274, %parallel_loop3A_271 : vector<16xi32>
        %parallel_loop3A_276 = vector.broadcast %parallel_loop3A_273 : i32 to vector<16xi32>
        %parallel_loop3A_277 = arith.minsi %parallel_loop3A_276, %parallel_loop3A_275 : vector<16xi32>
        %parallel_loop3A_278 = arith.constant 1 : i32
        %parallel_loop3A_279 = vector.broadcast %parallel_loop3A_278 : i32 to vector<16xi32>
        %parallel_loop3A_280 = arith.addi %parallel_loop3A_262, %parallel_loop3A_279 : vector<16xi32>
        %parallel_loop3A_281 = arith.constant 0 : i32
        %parallel_loop3A_282 = arith.constant 511 : i32
        %parallel_loop3A_283 = vector.broadcast %parallel_loop3A_281 : i32 to vector<16xi32>
        %parallel_loop3A_284 = arith.maxsi %parallel_loop3A_283, %parallel_loop3A_280 : vector<16xi32>
        %parallel_loop3A_285 = vector.broadcast %parallel_loop3A_282 : i32 to vector<16xi32>
        %parallel_loop3A_286 = arith.minsi %parallel_loop3A_285, %parallel_loop3A_284 : vector<16xi32>
        %parallel_loop3A_287 = arith.sitofp %parallel_loop3A_268 : vector<16xi32> to vector<16xf32>
        %parallel_loop3A_288 = arith.subf %parallel_loop3A_222, %parallel_loop3A_287 : vector<16xf32>
        %parallel_loop3A_289 = arith.constant 1.000000e+00 : f32
        %parallel_loop3A_290 = vector.broadcast %parallel_loop3A_289 : f32 to vector<16xf32>
        %parallel_loop3A_291 = arith.subf %parallel_loop3A_290, %parallel_loop3A_288 : vector<16xf32>
        %parallel_loop3A_292 = vector.broadcast %mul3A_51 : i32 to vector<16xi32>
        %parallel_loop3A_293 = arith.addi %parallel_loop3A_286, %parallel_loop3A_292 : vector<16xi32>
        %parallel_loop3A_294 = arith.constant 512 : i32
        %parallel_loop3A_295 = vector.broadcast %parallel_loop3A_294 : i32 to vector<16xi32>
        %parallel_loop3A_296 = arith.muli %parallel_loop3A_268, %parallel_loop3A_295 : vector<16xi32>
        %parallel_loop3A_297 = arith.addi %parallel_loop3A_296, %parallel_loop3A_293 : vector<16xi32>
        %parallel_loop3A_298 = arith.index_cast %parallel_loop3A_187 : i32 to index
        %parallel_loop3A_299 = tpu.vector_load %arg8[%parallel_loop3A_298] {strides = array<i32>} : memref<2048xi32, #tpu.memory_space<vmem>>, vector<16xi32>,
        tpu.vector_store %arg8[%parallel_loop3A_298], %parallel_loop3A_297 {strides = array<i32>} : memref<2048xi32, #tpu.memory_space<vmem>>, vector<16xi32>,
        %parallel_loop3A_300 = arith.constant 512 : i32
        %parallel_loop3A_301 = vector.broadcast %parallel_loop3A_300 : i32 to vector<16xi32>
        %parallel_loop3A_302 = arith.muli %parallel_loop3A_277, %parallel_loop3A_301 : vector<16xi32>
        %parallel_loop3A_303 = arith.addi %parallel_loop3A_302, %parallel_loop3A_293 : vector<16xi32>
        %parallel_loop3A_304 = arith.index_cast %parallel_loop3A_187 : i32 to index
        %parallel_loop3A_305 = tpu.vector_load %arg9[%parallel_loop3A_304] {strides = array<i32>} : memref<2048xi32, #tpu.memory_space<vmem>>, vector<16xi32>,
        tpu.vector_store %arg9[%parallel_loop3A_304], %parallel_loop3A_303 {strides = array<i32>} : memref<2048xi32, #tpu.memory_space<vmem>>, vector<16xi32>,
        %parallel_loop3A_306 = arith.index_cast %parallel_loop3A_187 : i32 to index
        %parallel_loop3A_307 = tpu.vector_load %arg12[%parallel_loop3A_306] {strides = array<i32>} : memref<2048xf32, #tpu.memory_space<vmem>>, vector<16xf32>,
        tpu.vector_store %arg12[%parallel_loop3A_306], %parallel_loop3A_291 {strides = array<i32>} : memref<2048xf32, #tpu.memory_space<vmem>>, vector<16xf32>,
        %parallel_loop3A_308 = arith.index_cast %parallel_loop3A_187 : i32 to index
        %parallel_loop3A_309 = tpu.vector_load %arg13[%parallel_loop3A_308] {strides = array<i32>} : memref<2048xf32, #tpu.memory_space<vmem>>, vector<16xf32>,
        tpu.vector_store %arg13[%parallel_loop3A_308], %parallel_loop3A_208 {strides = array<i32>} : memref<2048xf32, #tpu.memory_space<vmem>>, vector<16xf32>,
      } {sc.loop_unroll_factor = 8 : i64, sc.parallel_access}
      %scan3A_181 = arith.constant 0 : i32
      scf.yield %scan3A_181 : i32
    }
    %scan3A_93 = arith.constant 4 : i32
    %dma_start3A_94 = arith.constant 0 : i32
    %dma_start3A_95 = tpu.memref_slice %arg25[%dma_start3A_94] : memref<1048576xf32, #tpu.memory_space<vmem_shared>> -> memref<1048576xf32, #tpu.memory_space<vmem_shared>>
    tpu.enqueue_indirect_dma source(%dma_start3A_95 : memref<1048576xf32, #tpu.memory_space<vmem_shared>>) target(%arg10 : memref<2048xf32, #tpu.memory_space<vmem>>) offsets(%arg8 : memref<2048xi32, #tpu.memory_space<vmem>>) semaphore(%arg27 : memref<!tpu.dma_semaphore, #tpu.memory_space<semaphore_mem>>)
    %dma_start3A_96 = arith.constant 0 : i32
    %dma_start3A_97 = tpu.memref_slice %arg25[%dma_start3A_96] : memref<1048576xf32, #tpu.memory_space<vmem_shared>> -> memref<1048576xf32, #tpu.memory_space<vmem_shared>>
    tpu.enqueue_indirect_dma source(%dma_start3A_97 : memref<1048576xf32, #tpu.memory_space<vmem_shared>>) target(%arg11 : memref<2048xf32, #tpu.memory_space<vmem>>) offsets(%arg9 : memref<2048xi32, #tpu.memory_space<vmem>>) semaphore(%arg27 : memref<!tpu.dma_semaphore, #tpu.memory_space<semaphore_mem>>)
    %add3A_98 = arith.constant 4 : i32
    %add3A_99 = arith.addi %mul3A_67, %add3A_98 : i32
    %dma_start3A_100 = arith.constant 0 : i32
    %dma_start3A_101 = arith.constant 0 : i32
    %dma_start3A_102 = tpu.memref_slice %arg2[%select_n3A, %add3A_99, %dma_start3A_100, %dma_start3A_101] : memref<8x512x4x512xf32, #tpu.memory_space<hbm>> -> memref<1x4x4x512xf32, #tpu.memory_space<hbm>>
    %dma_start3A_103 = tpu.memref_squeeze %dma_start3A_102 : memref<1x4x4x512xf32, #tpu.memory_space<hbm>> -> memref<4x4x512xf32, #tpu.memory_space<hbm>>
    %dma_start3A_104 = arith.constant 0 : i32
    %dma_start3A_105 = arith.constant 0 : i32
    %dma_start3A_106 = tpu.memref_slice %arg2[%select_n3A, %add3A_99, %dma_start3A_104, %dma_start3A_105] : memref<8x512x4x512xf32, #tpu.memory_space<hbm>> -> memref<1x4x4x512xf32, #tpu.memory_space<hbm>>
    %dma_start3A_107 = tpu.memref_squeeze %dma_start3A_106 : memref<1x4x4x512xf32, #tpu.memory_space<hbm>> -> memref<4x4x512xf32, #tpu.memory_space<hbm>>
    tpu.enqueue_dma source(%dma_start3A_107 : memref<4x4x512xf32, #tpu.memory_space<hbm>>) target(%arg15 : memref<4x4x512xf32, #tpu.memory_space<vmem>>) target_semaphore(%arg29 : memref<!tpu.dma_semaphore, #tpu.memory_space<semaphore_mem>>)
    %scan3A_108 = arith.constant 0 : i32
    %scan3A_109 = arith.constant 0 : i32
    %scan3A_110 = arith.constant 15 : i32
    %scan3A_111 = arith.addi %scan3A_109, %scan3A_110 : i32
    %scan3A_112 = arith.constant 1 : i32
    %scan3A_113 = scf.for %scan3A_175 = %scan3A_109 to %scan3A_111 step %scan3A_112 iter_args(%scan3A_176 = %scan3A_108) -> (i32)  : i32 {
      %mul3A_177 = arith.constant 2 : i32
      %mul3A_178 = arith.muli %mul3A_177, %scan3A_175 : i32
      %add3A_179 = arith.constant 1 : i32
      %add3A_180 = arith.addi %mul3A_178, %add3A_179 : i32
      %mul3A_181 = arith.constant 4 : i32
      %mul3A_182 = arith.muli %add3A_180, %mul3A_181 : i32
      %add3A_183 = arith.addi %mul3A_67, %mul3A_182 : i32
      %dma_wait3A_184 = arith.constant 0 : i32
      %dma_wait3A_185 = arith.constant 0 : i32
      %dma_wait3A_186 = tpu.memref_slice %arg2[%select_n3A, %add3A_183, %dma_wait3A_184, %dma_wait3A_185] : memref<8x512x4x512xf32, #tpu.memory_space<hbm>> -> memref<1x4x4x512xf32, #tpu.memory_space<hbm>>
      %dma_wait3A_187 = tpu.memref_squeeze %dma_wait3A_186 : memref<1x4x4x512xf32, #tpu.memory_space<hbm>> -> memref<4x4x512xf32, #tpu.memory_space<hbm>>
      %dma_wait3A_188 = arith.constant 0 : i32
      %dma_wait3A_189 = arith.constant 0 : i32
      %dma_wait3A_190 = tpu.memref_slice %arg2[%select_n3A, %add3A_183, %dma_wait3A_188, %dma_wait3A_189] : memref<8x512x4x512xf32, #tpu.memory_space<hbm>> -> memref<1x4x4x512xf32, #tpu.memory_space<hbm>>
      %dma_wait3A_191 = tpu.memref_squeeze %dma_wait3A_190 : memref<1x4x4x512xf32, #tpu.memory_space<hbm>> -> memref<4x4x512xf32, #tpu.memory_space<hbm>>
      tpu.wait_dma2 semaphore(%arg29 : memref<!tpu.dma_semaphore, #tpu.memory_space<semaphore_mem>>) src(%dma_wait3A_191 : memref<4x4x512xf32, #tpu.memory_space<hbm>>) dst(%arg15 : memref<4x4x512xf32, #tpu.memory_space<vmem>>)
      %mul3A_192 = arith.constant 4 : i32
      %mul3A_193 = arith.muli %add3A_180, %mul3A_192 : i32
      %add3A_194 = arith.addi %mul3A_67, %mul3A_193 : i32
      %scan3A_195 = arith.constant 0 : i32
      %scan3A_196 = arith.constant 0 : i32
      %scan3A_197 = arith.constant 4 : i32
      %scan3A_198 = arith.addi %scan3A_196, %scan3A_197 : i32
      %scan3A_199 = arith.constant 1 : i32
      %scan3A_200 = scf.for %scan3A_297 = %scan3A_196 to %scan3A_198 step %scan3A_199 iter_args(%scan3A_298 = %scan3A_195) -> (i32)  : i32 {
        %add3A_299 = arith.addi %add3A_194, %scan3A_297 : i32
        %broadcast_in_dim3A = vector.broadcast %add3A_299 : i32 to vector<16xi32>
        %gather3A = tpu.vector_load_idx %arg24[%broadcast_in_dim3A] : memref<512xf32, #tpu.memory_space<vmem>>[vector<16xi32>], vector<16xf32>,
        %parallel_loop3A_300 = arith.constant 0 : i32
        %parallel_loop3A_301 = arith.constant 32 : i32
        %parallel_loop3A_302 = arith.constant 1 : i32
        scf.for %parallel_loop3A_304 = %parallel_loop3A_300 to %parallel_loop3A_301 step %parallel_loop3A_302  : i32 {
          %parallel_loop3A_305 = arith.constant 512 : i32
          %parallel_loop3A_306 = arith.muli %scan3A_297, %parallel_loop3A_305 : i32
          %parallel_loop3A_307 = arith.constant 16 : i32
          %parallel_loop3A_308 = arith.muli %parallel_loop3A_304, %parallel_loop3A_307 : i32
          %parallel_loop3A_309 = arith.addi %parallel_loop3A_306, %parallel_loop3A_308 : i32
          %parallel_loop3A_310 = arith.constant 16 : i32
          %parallel_loop3A_311 = arith.muli %parallel_loop3A_304, %parallel_loop3A_310 : i32
          %parallel_loop3A_312 = arith.constant 0 : i32
          %parallel_loop3A_313 = arith.index_cast %scan3A_297 : i32 to index
          %parallel_loop3A_314 = arith.index_cast %parallel_loop3A_312 : i32 to index
          %parallel_loop3A_315 = arith.index_cast %parallel_loop3A_311 : i32 to index
          %parallel_loop3A_316 = tpu.vector_load %arg15[%parallel_loop3A_313, %parallel_loop3A_314, %parallel_loop3A_315] {strides = array<i32>} : memref<4x4x512xf32, #tpu.memory_space<vmem>>, vector<16xf32>,
          %parallel_loop3A_317 = arith.constant 16 : i32
          %parallel_loop3A_318 = arith.muli %parallel_loop3A_304, %parallel_loop3A_317 : i32
          %parallel_loop3A_319 = arith.constant 1 : i32
          %parallel_loop3A_320 = arith.index_cast %scan3A_297 : i32 to index
          %parallel_loop3A_321 = arith.index_cast %parallel_loop3A_319 : i32 to index
          %parallel_loop3A_322 = arith.index_cast %parallel_loop3A_318 : i32 to index
          %parallel_loop3A_323 = tpu.vector_load %arg15[%parallel_loop3A_320, %parallel_loop3A_321, %parallel_loop3A_322] {strides = array<i32>} : memref<4x4x512xf32, #tpu.memory_space<vmem>>, vector<16xf32>,
          %parallel_loop3A_324 = arith.constant 16 : i32
          %parallel_loop3A_325 = arith.muli %parallel_loop3A_304, %parallel_loop3A_324 : i32
          %parallel_loop3A_326 = arith.constant 2 : i32
          %parallel_loop3A_327 = arith.index_cast %scan3A_297 : i32 to index
          %parallel_loop3A_328 = arith.index_cast %parallel_loop3A_326 : i32 to index
          %parallel_loop3A_329 = arith.index_cast %parallel_loop3A_325 : i32 to index
          %parallel_loop3A_330 = tpu.vector_load %arg15[%parallel_loop3A_327, %parallel_loop3A_328, %parallel_loop3A_329] {strides = array<i32>} : memref<4x4x512xf32, #tpu.memory_space<vmem>>, vector<16xf32>,
          %parallel_loop3A_331 = arith.constant 16 : i32
          %parallel_loop3A_332 = arith.muli %parallel_loop3A_304, %parallel_loop3A_331 : i32
          %parallel_loop3A_333 = arith.index_cast %parallel_loop3A_332 : i32 to index
          %parallel_loop3A_334 = tpu.vector_load %arg23[%parallel_loop3A_333] {strides = array<i32>} : memref<512xf32, #tpu.memory_space<vmem>>, vector<16xf32>,
          %parallel_loop3A_335 = arith.addf %gather3A, %parallel_loop3A_323 : vector<16xf32>
          %parallel_loop3A_336 = arith.constant 1.000000e+00 : f32
          %parallel_loop3A_337 = vector.broadcast %parallel_loop3A_336 : f32 to vector<16xf32>
          %parallel_loop3A_338 = arith.addf %parallel_loop3A_335, %parallel_loop3A_337 : vector<16xf32>
          %parallel_loop3A_339 = arith.constant 5.110000e+02 : f32
          %parallel_loop3A_340 = vector.broadcast %parallel_loop3A_339 : f32 to vector<16xf32>
          %parallel_loop3A_341 = arith.mulf %parallel_loop3A_338, %parallel_loop3A_340 : vector<16xf32>
          %parallel_loop3A_342 = arith.constant 5.000000e-01 : f32
          %parallel_loop3A_343 = vector.broadcast %parallel_loop3A_342 : f32 to vector<16xf32>
          %parallel_loop3A_344 = arith.mulf %parallel_loop3A_341, %parallel_loop3A_343 : vector<16xf32>
          %parallel_loop3A_345 = arith.addf %parallel_loop3A_334, %parallel_loop3A_316 : vector<16xf32>
          %parallel_loop3A_346 = arith.constant 1.000000e+00 : f32
          %parallel_loop3A_347 = vector.broadcast %parallel_loop3A_346 : f32 to vector<16xf32>
          %parallel_loop3A_348 = arith.addf %parallel_loop3A_345, %parallel_loop3A_347 : vector<16xf32>
          %parallel_loop3A_349 = arith.constant 5.110000e+02 : f32
          %parallel_loop3A_350 = vector.broadcast %parallel_loop3A_349 : f32 to vector<16xf32>
          %parallel_loop3A_351 = arith.mulf %parallel_loop3A_348, %parallel_loop3A_350 : vector<16xf32>
          %parallel_loop3A_352 = arith.constant 5.000000e-01 : f32
          %parallel_loop3A_353 = vector.broadcast %parallel_loop3A_352 : f32 to vector<16xf32>
          %parallel_loop3A_354 = arith.mulf %parallel_loop3A_351, %parallel_loop3A_353 : vector<16xf32>
          %parallel_loop3A_355 = arith.constant -1.000000e+00 : f32
          %parallel_loop3A_356 = vector.broadcast %parallel_loop3A_355 : f32 to vector<16xf32>
          %parallel_loop3A_357 = arith.maximumf %parallel_loop3A_344, %parallel_loop3A_356 : vector<16xf32>
          %parallel_loop3A_358 = arith.constant 5.120000e+02 : f32
          %parallel_loop3A_359 = vector.broadcast %parallel_loop3A_358 : f32 to vector<16xf32>
          %parallel_loop3A_360 = arith.minimumf %parallel_loop3A_357, %parallel_loop3A_359 : vector<16xf32>
          %parallel_loop3A_361 = arith.constant -1.000000e+00 : f32
          %parallel_loop3A_362 = vector.broadcast %parallel_loop3A_361 : f32 to vector<16xf32>
          %parallel_loop3A_363 = arith.maximumf %parallel_loop3A_354, %parallel_loop3A_362 : vector<16xf32>
          %parallel_loop3A_364 = arith.constant 5.120000e+02 : f32
          %parallel_loop3A_365 = vector.broadcast %parallel_loop3A_364 : f32 to vector<16xf32>
          %parallel_loop3A_366 = arith.minimumf %parallel_loop3A_363, %parallel_loop3A_365 : vector<16xf32>
          %parallel_loop3A_367 = arith.fptosi %parallel_loop3A_360 : vector<16xf32> to vector<16xi32>
          %parallel_loop3A_368 = arith.fptosi %parallel_loop3A_366 : vector<16xf32> to vector<16xi32>
          %parallel_loop3A_369 = arith.sitofp %parallel_loop3A_367 : vector<16xi32> to vector<16xf32>
          %parallel_loop3A_370 = arith.cmpf ogt, %parallel_loop3A_369, %parallel_loop3A_360 : vector<16xf32>
          %parallel_loop3A_371 = arith.constant 1 : i32
          %parallel_loop3A_372 = arith.constant 0 : i32
          %parallel_loop3A_373 = vector.broadcast %parallel_loop3A_371 : i32 to vector<16xi32>
          %parallel_loop3A_374 = vector.broadcast %parallel_loop3A_372 : i32 to vector<16xi32>
          %parallel_loop3A_375 = arith.select %parallel_loop3A_370, %parallel_loop3A_373, %parallel_loop3A_374 : vector<16xi1>, vector<16xi32>
          %parallel_loop3A_376 = arith.subi %parallel_loop3A_367, %parallel_loop3A_375 : vector<16xi32>
          %parallel_loop3A_377 = arith.sitofp %parallel_loop3A_368 : vector<16xi32> to vector<16xf32>
          %parallel_loop3A_378 = arith.cmpf ogt, %parallel_loop3A_377, %parallel_loop3A_366 : vector<16xf32>
          %parallel_loop3A_379 = arith.constant 1 : i32
          %parallel_loop3A_380 = arith.constant 0 : i32
          %parallel_loop3A_381 = vector.broadcast %parallel_loop3A_379 : i32 to vector<16xi32>
          %parallel_loop3A_382 = vector.broadcast %parallel_loop3A_380 : i32 to vector<16xi32>
          %parallel_loop3A_383 = arith.select %parallel_loop3A_378, %parallel_loop3A_381, %parallel_loop3A_382 : vector<16xi1>, vector<16xi32>
          %parallel_loop3A_384 = arith.subi %parallel_loop3A_368, %parallel_loop3A_383 : vector<16xi32>
          %parallel_loop3A_385 = arith.constant 0 : i32
          %parallel_loop3A_386 = arith.constant 511 : i32
          %parallel_loop3A_387 = vector.broadcast %parallel_loop3A_385 : i32 to vector<16xi32>
          %parallel_loop3A_388 = arith.maxsi %parallel_loop3A_387, %parallel_loop3A_376 : vector<16xi32>
          %parallel_loop3A_389 = vector.broadcast %parallel_loop3A_386 : i32 to vector<16xi32>
          %parallel_loop3A_390 = arith.minsi %parallel_loop3A_389, %parallel_loop3A_388 : vector<16xi32>
          %parallel_loop3A_391 = arith.constant 1 : i32
          %parallel_loop3A_392 = vector.broadcast %parallel_loop3A_391 : i32 to vector<16xi32>
          %parallel_loop3A_393 = arith.addi %parallel_loop3A_376, %parallel_loop3A_392 : vector<16xi32>
          %parallel_loop3A_394 = arith.constant 0 : i32
          %parallel_loop3A_395 = arith.constant 511 : i32
          %parallel_loop3A_396 = vector.broadcast %parallel_loop3A_394 : i32 to vector<16xi32>
          %parallel_loop3A_397 = arith.maxsi %parallel_loop3A_396, %parallel_loop3A_393 : vector<16xi32>
          %parallel_loop3A_398 = vector.broadcast %parallel_loop3A_395 : i32 to vector<16xi32>
          %parallel_loop3A_399 = arith.minsi %parallel_loop3A_398, %parallel_loop3A_397 : vector<16xi32>
          %parallel_loop3A_400 = arith.constant 1 : i32
          %parallel_loop3A_401 = vector.broadcast %parallel_loop3A_400 : i32 to vector<16xi32>
          %parallel_loop3A_402 = arith.addi %parallel_loop3A_384, %parallel_loop3A_401 : vector<16xi32>
          %parallel_loop3A_403 = arith.constant 0 : i32
          %parallel_loop3A_404 = arith.constant 511 : i32
          %parallel_loop3A_405 = vector.broadcast %parallel_loop3A_403 : i32 to vector<16xi32>
          %parallel_loop3A_406 = arith.maxsi %parallel_loop3A_405, %parallel_loop3A_402 : vector<16xi32>
          %parallel_loop3A_407 = vector.broadcast %parallel_loop3A_404 : i32 to vector<16xi32>
          %parallel_loop3A_408 = arith.minsi %parallel_loop3A_407, %parallel_loop3A_406 : vector<16xi32>
          %parallel_loop3A_409 = arith.sitofp %parallel_loop3A_390 : vector<16xi32> to vector<16xf32>
          %parallel_loop3A_410 = arith.subf %parallel_loop3A_344, %parallel_loop3A_409 : vector<16xf32>
          %parallel_loop3A_411 = arith.constant 1.000000e+00 : f32
          %parallel_loop3A_412 = vector.broadcast %parallel_loop3A_411 : f32 to vector<16xf32>
          %parallel_loop3A_413 = arith.subf %parallel_loop3A_412, %parallel_loop3A_410 : vector<16xf32>
          %parallel_loop3A_414 = vector.broadcast %mul3A_51 : i32 to vector<16xi32>
          %parallel_loop3A_415 = arith.addi %parallel_loop3A_408, %parallel_loop3A_414 : vector<16xi32>
          %parallel_loop3A_416 = arith.constant 512 : i32
          %parallel_loop3A_417 = vector.broadcast %parallel_loop3A_416 : i32 to vector<16xi32>
          %parallel_loop3A_418 = arith.muli %parallel_loop3A_390, %parallel_loop3A_417 : vector<16xi32>
          %parallel_loop3A_419 = arith.addi %parallel_loop3A_418, %parallel_loop3A_415 : vector<16xi32>
          %parallel_loop3A_420 = arith.index_cast %parallel_loop3A_309 : i32 to index
          %parallel_loop3A_421 = tpu.vector_load %arg16[%parallel_loop3A_420] {strides = array<i32>} : memref<2048xi32, #tpu.memory_space<vmem>>, vector<16xi32>,
          tpu.vector_store %arg16[%parallel_loop3A_420], %parallel_loop3A_419 {strides = array<i32>} : memref<2048xi32, #tpu.memory_space<vmem>>, vector<16xi32>,
          %parallel_loop3A_422 = arith.constant 512 : i32
          %parallel_loop3A_423 = vector.broadcast %parallel_loop3A_422 : i32 to vector<16xi32>
          %parallel_loop3A_424 = arith.muli %parallel_loop3A_399, %parallel_loop3A_423 : vector<16xi32>
          %parallel_loop3A_425 = arith.addi %parallel_loop3A_424, %parallel_loop3A_415 : vector<16xi32>
          %parallel_loop3A_426 = arith.index_cast %parallel_loop3A_309 : i32 to index
          %parallel_loop3A_427 = tpu.vector_load %arg17[%parallel_loop3A_426] {strides = array<i32>} : memref<2048xi32, #tpu.memory_space<vmem>>, vector<16xi32>,
          tpu.vector_store %arg17[%parallel_loop3A_426], %parallel_loop3A_425 {strides = array<i32>} : memref<2048xi32, #tpu.memory_space<vmem>>, vector<16xi32>,
          %parallel_loop3A_428 = arith.index_cast %parallel_loop3A_309 : i32 to index
          %parallel_loop3A_429 = tpu.vector_load %arg20[%parallel_loop3A_428] {strides = array<i32>} : memref<2048xf32, #tpu.memory_space<vmem>>, vector<16xf32>,
          tpu.vector_store %arg20[%parallel_loop3A_428], %parallel_loop3A_413 {strides = array<i32>} : memref<2048xf32, #tpu.memory_space<vmem>>, vector<16xf32>,
          %parallel_loop3A_430 = arith.index_cast %parallel_loop3A_309 : i32 to index
          %parallel_loop3A_431 = tpu.vector_load %arg21[%parallel_loop3A_430] {strides = array<i32>} : memref<2048xf32, #tpu.memory_space<vmem>>, vector<16xf32>,
          tpu.vector_store %arg21[%parallel_loop3A_430], %parallel_loop3A_330 {strides = array<i32>} : memref<2048xf32, #tpu.memory_space<vmem>>, vector<16xf32>,
        } {sc.loop_unroll_factor = 8 : i64, sc.parallel_access}
        %scan3A_303 = arith.constant 0 : i32
        scf.yield %scan3A_303 : i32
      }
      %scan3A_201 = arith.constant 4 : i32
      %dma_start3A_202 = arith.constant 0 : i32
      %dma_start3A_203 = tpu.memref_slice %arg25[%dma_start3A_202] : memref<1048576xf32, #tpu.memory_space<vmem_shared>> -> memref<1048576xf32, #tpu.memory_space<vmem_shared>>
      tpu.enqueue_indirect_dma source(%dma_start3A_203 : memref<1048576xf32, #tpu.memory_space<vmem_shared>>) target(%arg18 : memref<2048xf32, #tpu.memory_space<vmem>>) offsets(%arg16 : memref<2048xi32, #tpu.memory_space<vmem>>) semaphore(%arg30 : memref<!tpu.dma_semaphore, #tpu.memory_space<semaphore_mem>>)
      %dma_start3A_204 = arith.constant 0 : i32
      %dma_start3A_205 = tpu.memref_slice %arg25[%dma_start3A_204] : memref<1048576xf32, #tpu.memory_space<vmem_shared>> -> memref<1048576xf32, #tpu.memory_space<vmem_shared>>
      tpu.enqueue_indirect_dma source(%dma_start3A_205 : memref<1048576xf32, #tpu.memory_space<vmem_shared>>) target(%arg19 : memref<2048xf32, #tpu.memory_space<vmem>>) offsets(%arg17 : memref<2048xi32, #tpu.memory_space<vmem>>) semaphore(%arg30 : memref<!tpu.dma_semaphore, #tpu.memory_space<semaphore_mem>>)
      %add3A_206 = arith.constant 1 : i32
      %add3A_207 = arith.addi %add3A_180, %add3A_206 : i32
      %mul3A_208 = arith.constant 4 : i32
      %mul3A_209 = arith.muli %add3A_207, %mul3A_208 : i32
      %add3A_210 = arith.addi %mul3A_67, %mul3A_209 : i32
      %dma_start3A_211 = arith.constant 0 : i32
      %dma_start3A_212 = arith.constant 0 : i32
      %dma_start3A_213 = tpu.memref_slice %arg2[%select_n3A, %add3A_210, %dma_start3A_211, %dma_start3A_212] : memref<8x512x4x512xf32, #tpu.memory_space<hbm>> -> memref<1x4x4x512xf32, #tpu.memory_space<hbm>>
      %dma_start3A_214 = tpu.memref_squeeze %dma_start3A_213 : memref<1x4x4x512xf32, #tpu.memory_space<hbm>> -> memref<4x4x512xf32, #tpu.memory_space<hbm>>
      %dma_start3A_215 = arith.constant 0 : i32
      %dma_start3A_216 = arith.constant 0 : i32
      %dma_start3A_217 = tpu.memref_slice %arg2[%select_n3A, %add3A_210, %dma_start3A_215, %dma_start3A_216] : memref<8x512x4x512xf32, #tpu.memory_space<hbm>> -> memref<1x4x4x512xf32, #tpu.memory_space<hbm>>
      %dma_start3A_218 = tpu.memref_squeeze %dma_start3A_217 : memref<1x4x4x512xf32, #tpu.memory_space<hbm>> -> memref<4x4x512xf32, #tpu.memory_space<hbm>>
      tpu.enqueue_dma source(%dma_start3A_218 : memref<4x4x512xf32, #tpu.memory_space<hbm>>) target(%arg7 : memref<4x4x512xf32, #tpu.memory_space<vmem>>) target_semaphore(%arg26 : memref<!tpu.dma_semaphore, #tpu.memory_space<semaphore_mem>>)
      %dma_wait3A_219 = arith.constant 0 : i32
      %dma_wait3A_220 = tpu.memref_slice %arg25[%dma_wait3A_219] : memref<1048576xf32, #tpu.memory_space<vmem_shared>> -> memref<1048576xf32, #tpu.memory_space<vmem_shared>>
      tpu.wait_indirect_dma semaphore(%arg27 : memref<!tpu.dma_semaphore, #tpu.memory_space<semaphore_mem>>) src(%dma_wait3A_220 : memref<1048576xf32, #tpu.memory_space<vmem_shared>>) dst(%arg10 : memref<2048xf32, #tpu.memory_space<vmem>>)
      %dma_wait3A_221 = arith.constant 0 : i32
      %dma_wait3A_222 = tpu.memref_slice %arg25[%dma_wait3A_221] : memref<1048576xf32, #tpu.memory_space<vmem_shared>> -> memref<1048576xf32, #tpu.memory_space<vmem_shared>>
      tpu.wait_indirect_dma semaphore(%arg27 : memref<!tpu.dma_semaphore, #tpu.memory_space<semaphore_mem>>) src(%dma_wait3A_222 : memref<1048576xf32, #tpu.memory_space<vmem_shared>>) dst(%arg11 : memref<2048xf32, #tpu.memory_space<vmem>>)
      %ge3A = arith.constant 3 : i32
      %ge3A_223 = arith.cmpi sge, %add3A_180, %ge3A : i32
      %convert_element_type3A = arith.extui %ge3A_223 : i1 to i32
      %cond3A = arith.constant 0 : i32
      %cond3A_224 = arith.cmpi ne, %convert_element_type3A, %cond3A : i32
      scf.if %cond3A_224 {
        %sub3A_297 = arith.constant 3 : i32
        %sub3A_298 = arith.subi %add3A_180, %sub3A_297 : i32
        %mul3A_299 = arith.constant 2048 : i32
        %mul3A_300 = arith.muli %sub3A_298, %mul3A_299 : i32
        %add3A_301 = arith.addi %mul3A_9, %mul3A_300 : i32
        %dma_wait3A_302 = tpu.memref_slice %arg6[%add3A_301] : memref<2097152xf32, #tpu.memory_space<hbm>> -> memref<2048xf32, #tpu.memory_space<hbm>>
        %dma_wait3A_303 = tpu.memref_slice %arg6[%add3A_301] : memref<2097152xf32, #tpu.memory_space<hbm>> -> memref<2048xf32, #tpu.memory_space<hbm>>
        tpu.wait_dma2 semaphore(%arg28 : memref<!tpu.dma_semaphore, #tpu.memory_space<semaphore_mem>>) src(%arg14 : memref<2048xf32, #tpu.memory_space<vmem>>) dst(%dma_wait3A_303 : memref<2048xf32, #tpu.memory_space<hbm>>)
      } else {
      }
      %parallel_loop3A_225 = arith.constant 0 : i32
      %parallel_loop3A_226 = arith.constant 128 : i32
      %parallel_loop3A_227 = arith.constant 1 : i32
      scf.for %parallel_loop3A_297 = %parallel_loop3A_225 to %parallel_loop3A_226 step %parallel_loop3A_227  : i32 {
        %parallel_loop3A_298 = arith.constant 16 : i32
        %parallel_loop3A_299 = arith.muli %parallel_loop3A_297, %parallel_loop3A_298 : i32
        %parallel_loop3A_300 = arith.index_cast %parallel_loop3A_299 : i32 to index
        %parallel_loop3A_301 = tpu.vector_load %arg10[%parallel_loop3A_300] {strides = array<i32>} : memref<2048xf32, #tpu.memory_space<vmem>>, vector<16xf32>,
        %parallel_loop3A_302 = arith.constant 16 : i32
        %parallel_loop3A_303 = arith.muli %parallel_loop3A_297, %parallel_loop3A_302 : i32
        %parallel_loop3A_304 = arith.index_cast %parallel_loop3A_303 : i32 to index
        %parallel_loop3A_305 = tpu.vector_load %arg11[%parallel_loop3A_304] {strides = array<i32>} : memref<2048xf32, #tpu.memory_space<vmem>>, vector<16xf32>,
        %parallel_loop3A_306 = arith.constant 16 : i32
        %parallel_loop3A_307 = arith.muli %parallel_loop3A_297, %parallel_loop3A_306 : i32
        %parallel_loop3A_308 = arith.index_cast %parallel_loop3A_307 : i32 to index
        %parallel_loop3A_309 = tpu.vector_load %arg12[%parallel_loop3A_308] {strides = array<i32>} : memref<2048xf32, #tpu.memory_space<vmem>>, vector<16xf32>,
        %parallel_loop3A_310 = arith.constant 16 : i32
        %parallel_loop3A_311 = arith.muli %parallel_loop3A_297, %parallel_loop3A_310 : i32
        %parallel_loop3A_312 = arith.index_cast %parallel_loop3A_311 : i32 to index
        %parallel_loop3A_313 = tpu.vector_load %arg13[%parallel_loop3A_312] {strides = array<i32>} : memref<2048xf32, #tpu.memory_space<vmem>>, vector<16xf32>,
        %parallel_loop3A_314 = arith.mulf %parallel_loop3A_301, %parallel_loop3A_309 : vector<16xf32>
        %parallel_loop3A_315 = arith.constant 1.000000e+00 : f32
        %parallel_loop3A_316 = vector.broadcast %parallel_loop3A_315 : f32 to vector<16xf32>
        %parallel_loop3A_317 = arith.subf %parallel_loop3A_316, %parallel_loop3A_309 : vector<16xf32>
        %parallel_loop3A_318 = arith.mulf %parallel_loop3A_305, %parallel_loop3A_317 : vector<16xf32>
        %parallel_loop3A_319 = arith.addf %parallel_loop3A_314, %parallel_loop3A_318 : vector<16xf32>
        %parallel_loop3A_320 = arith.subf %parallel_loop3A_319, %parallel_loop3A_313 : vector<16xf32>
        %parallel_loop3A_321 = arith.constant 16 : i32
        %parallel_loop3A_322 = arith.muli %parallel_loop3A_297, %parallel_loop3A_321 : i32
        %parallel_loop3A_323 = arith.index_cast %parallel_loop3A_322 : i32 to index
        %parallel_loop3A_324 = tpu.vector_load %arg14[%parallel_loop3A_323] {strides = array<i32>} : memref<2048xf32, #tpu.memory_space<vmem>>, vector<16xf32>,
        tpu.vector_store %arg14[%parallel_loop3A_323], %parallel_loop3A_320 {strides = array<i32>} : memref<2048xf32, #tpu.memory_space<vmem>>, vector<16xf32>,
      } {sc.loop_unroll_factor = 8 : i64, sc.parallel_access}
      %sub3A_228 = arith.constant 1 : i32
      %sub3A_229 = arith.subi %add3A_180, %sub3A_228 : i32
      %mul3A_230 = arith.constant 2048 : i32
      %mul3A_231 = arith.muli %sub3A_229, %mul3A_230 : i32
      %add3A_232 = arith.addi %mul3A_9, %mul3A_231 : i32
      %dma_start3A_233 = tpu.memref_slice %arg6[%add3A_232] : memref<2097152xf32, #tpu.memory_space<hbm>> -> memref<2048xf32, #tpu.memory_space<hbm>>
      %dma_start3A_234 = tpu.memref_slice %arg6[%add3A_232] : memref<2097152xf32, #tpu.memory_space<hbm>> -> memref<2048xf32, #tpu.memory_space<hbm>>
      tpu.enqueue_dma source(%arg14 : memref<2048xf32, #tpu.memory_space<vmem>>) target(%dma_start3A_234 : memref<2048xf32, #tpu.memory_space<hbm>>) target_semaphore(%arg28 : memref<!tpu.dma_semaphore, #tpu.memory_space<semaphore_mem>>)
      %mul3A_235 = arith.constant 2 : i32
      %mul3A_236 = arith.muli %mul3A_235, %scan3A_175 : i32
      %add3A_237 = arith.constant 2 : i32
      %add3A_238 = arith.addi %mul3A_236, %add3A_237 : i32
      %mul3A_239 = arith.constant 4 : i32
      %mul3A_240 = arith.muli %add3A_238, %mul3A_239 : i32
      %add3A_241 = arith.addi %mul3A_67, %mul3A_240 : i32
      %dma_wait3A_242 = arith.constant 0 : i32
      %dma_wait3A_243 = arith.constant 0 : i32
      %dma_wait3A_244 = tpu.memref_slice %arg2[%select_n3A, %add3A_241, %dma_wait3A_242, %dma_wait3A_243] : memref<8x512x4x512xf32, #tpu.memory_space<hbm>> -> memref<1x4x4x512xf32, #tpu.memory_space<hbm>>
      %dma_wait3A_245 = tpu.memref_squeeze %dma_wait3A_244 : memref<1x4x4x512xf32, #tpu.memory_space<hbm>> -> memref<4x4x512xf32, #tpu.memory_space<hbm>>
      %dma_wait3A_246 = arith.constant 0 : i32
      %dma_wait3A_247 = arith.constant 0 : i32
      %dma_wait3A_248 = tpu.memref_slice %arg2[%select_n3A, %add3A_241, %dma_wait3A_246, %dma_wait3A_247] : memref<8x512x4x512xf32, #tpu.memory_space<hbm>> -> memref<1x4x4x512xf32, #tpu.memory_space<hbm>>
      %dma_wait3A_249 = tpu.memref_squeeze %dma_wait3A_248 : memref<1x4x4x512xf32, #tpu.memory_space<hbm>> -> memref<4x4x512xf32, #tpu.memory_space<hbm>>
      tpu.wait_dma2 semaphore(%arg26 : memref<!tpu.dma_semaphore, #tpu.memory_space<semaphore_mem>>) src(%dma_wait3A_249 : memref<4x4x512xf32, #tpu.memory_space<hbm>>) dst(%arg7 : memref<4x4x512xf32, #tpu.memory_space<vmem>>)
      %mul3A_250 = arith.constant 4 : i32
      %mul3A_251 = arith.muli %add3A_238, %mul3A_250 : i32
      %add3A_252 = arith.addi %mul3A_67, %mul3A_251 : i32
      %scan3A_253 = arith.constant 0 : i32
      %scan3A_254 = arith.constant 0 : i32
      %scan3A_255 = arith.constant 4 : i32
      %scan3A_256 = arith.addi %scan3A_254, %scan3A_255 : i32
      %scan3A_257 = arith.constant 1 : i32
      %scan3A_258 = scf.for %scan3A_297 = %scan3A_254 to %scan3A_256 step %scan3A_257 iter_args(%scan3A_298 = %scan3A_253) -> (i32)  : i32 {
        %add3A_299 = arith.addi %add3A_252, %scan3A_297 : i32
        %broadcast_in_dim3A = vector.broadcast %add3A_299 : i32 to vector<16xi32>
        %gather3A = tpu.vector_load_idx %arg24[%broadcast_in_dim3A] : memref<512xf32, #tpu.memory_space<vmem>>[vector<16xi32>], vector<16xf32>,
        %parallel_loop3A_300 = arith.constant 0 : i32
        %parallel_loop3A_301 = arith.constant 32 : i32
        %parallel_loop3A_302 = arith.constant 1 : i32
        scf.for %parallel_loop3A_304 = %parallel_loop3A_300 to %parallel_loop3A_301 step %parallel_loop3A_302  : i32 {
          %parallel_loop3A_305 = arith.constant 512 : i32
          %parallel_loop3A_306 = arith.muli %scan3A_297, %parallel_loop3A_305 : i32
          %parallel_loop3A_307 = arith.constant 16 : i32
          %parallel_loop3A_308 = arith.muli %parallel_loop3A_304, %parallel_loop3A_307 : i32
          %parallel_loop3A_309 = arith.addi %parallel_loop3A_306, %parallel_loop3A_308 : i32
          %parallel_loop3A_310 = arith.constant 16 : i32
          %parallel_loop3A_311 = arith.muli %parallel_loop3A_304, %parallel_loop3A_310 : i32
          %parallel_loop3A_312 = arith.constant 0 : i32
          %parallel_loop3A_313 = arith.index_cast %scan3A_297 : i32 to index
          %parallel_loop3A_314 = arith.index_cast %parallel_loop3A_312 : i32 to index
          %parallel_loop3A_315 = arith.index_cast %parallel_loop3A_311 : i32 to index
          %parallel_loop3A_316 = tpu.vector_load %arg7[%parallel_loop3A_313, %parallel_loop3A_314, %parallel_loop3A_315] {strides = array<i32>} : memref<4x4x512xf32, #tpu.memory_space<vmem>>, vector<16xf32>,
          %parallel_loop3A_317 = arith.constant 16 : i32
          %parallel_loop3A_318 = arith.muli %parallel_loop3A_304, %parallel_loop3A_317 : i32
          %parallel_loop3A_319 = arith.constant 1 : i32
          %parallel_loop3A_320 = arith.index_cast %scan3A_297 : i32 to index
          %parallel_loop3A_321 = arith.index_cast %parallel_loop3A_319 : i32 to index
          %parallel_loop3A_322 = arith.index_cast %parallel_loop3A_318 : i32 to index
          %parallel_loop3A_323 = tpu.vector_load %arg7[%parallel_loop3A_320, %parallel_loop3A_321, %parallel_loop3A_322] {strides = array<i32>} : memref<4x4x512xf32, #tpu.memory_space<vmem>>, vector<16xf32>,
          %parallel_loop3A_324 = arith.constant 16 : i32
          %parallel_loop3A_325 = arith.muli %parallel_loop3A_304, %parallel_loop3A_324 : i32
          %parallel_loop3A_326 = arith.constant 2 : i32
          %parallel_loop3A_327 = arith.index_cast %scan3A_297 : i32 to index
          %parallel_loop3A_328 = arith.index_cast %parallel_loop3A_326 : i32 to index
          %parallel_loop3A_329 = arith.index_cast %parallel_loop3A_325 : i32 to index
          %parallel_loop3A_330 = tpu.vector_load %arg7[%parallel_loop3A_327, %parallel_loop3A_328, %parallel_loop3A_329] {strides = array<i32>} : memref<4x4x512xf32, #tpu.memory_space<vmem>>, vector<16xf32>,
          %parallel_loop3A_331 = arith.constant 16 : i32
          %parallel_loop3A_332 = arith.muli %parallel_loop3A_304, %parallel_loop3A_331 : i32
          %parallel_loop3A_333 = arith.index_cast %parallel_loop3A_332 : i32 to index
          %parallel_loop3A_334 = tpu.vector_load %arg23[%parallel_loop3A_333] {strides = array<i32>} : memref<512xf32, #tpu.memory_space<vmem>>, vector<16xf32>,
          %parallel_loop3A_335 = arith.addf %gather3A, %parallel_loop3A_323 : vector<16xf32>
          %parallel_loop3A_336 = arith.constant 1.000000e+00 : f32
          %parallel_loop3A_337 = vector.broadcast %parallel_loop3A_336 : f32 to vector<16xf32>
          %parallel_loop3A_338 = arith.addf %parallel_loop3A_335, %parallel_loop3A_337 : vector<16xf32>
          %parallel_loop3A_339 = arith.constant 5.110000e+02 : f32
          %parallel_loop3A_340 = vector.broadcast %parallel_loop3A_339 : f32 to vector<16xf32>
          %parallel_loop3A_341 = arith.mulf %parallel_loop3A_338, %parallel_loop3A_340 : vector<16xf32>
          %parallel_loop3A_342 = arith.constant 5.000000e-01 : f32
          %parallel_loop3A_343 = vector.broadcast %parallel_loop3A_342 : f32 to vector<16xf32>
          %parallel_loop3A_344 = arith.mulf %parallel_loop3A_341, %parallel_loop3A_343 : vector<16xf32>
          %parallel_loop3A_345 = arith.addf %parallel_loop3A_334, %parallel_loop3A_316 : vector<16xf32>
          %parallel_loop3A_346 = arith.constant 1.000000e+00 : f32
          %parallel_loop3A_347 = vector.broadcast %parallel_loop3A_346 : f32 to vector<16xf32>
          %parallel_loop3A_348 = arith.addf %parallel_loop3A_345, %parallel_loop3A_347 : vector<16xf32>
          %parallel_loop3A_349 = arith.constant 5.110000e+02 : f32
          %parallel_loop3A_350 = vector.broadcast %parallel_loop3A_349 : f32 to vector<16xf32>
          %parallel_loop3A_351 = arith.mulf %parallel_loop3A_348, %parallel_loop3A_350 : vector<16xf32>
          %parallel_loop3A_352 = arith.constant 5.000000e-01 : f32
          %parallel_loop3A_353 = vector.broadcast %parallel_loop3A_352 : f32 to vector<16xf32>
          %parallel_loop3A_354 = arith.mulf %parallel_loop3A_351, %parallel_loop3A_353 : vector<16xf32>
          %parallel_loop3A_355 = arith.constant -1.000000e+00 : f32
          %parallel_loop3A_356 = vector.broadcast %parallel_loop3A_355 : f32 to vector<16xf32>
          %parallel_loop3A_357 = arith.maximumf %parallel_loop3A_344, %parallel_loop3A_356 : vector<16xf32>
          %parallel_loop3A_358 = arith.constant 5.120000e+02 : f32
          %parallel_loop3A_359 = vector.broadcast %parallel_loop3A_358 : f32 to vector<16xf32>
          %parallel_loop3A_360 = arith.minimumf %parallel_loop3A_357, %parallel_loop3A_359 : vector<16xf32>
          %parallel_loop3A_361 = arith.constant -1.000000e+00 : f32
          %parallel_loop3A_362 = vector.broadcast %parallel_loop3A_361 : f32 to vector<16xf32>
          %parallel_loop3A_363 = arith.maximumf %parallel_loop3A_354, %parallel_loop3A_362 : vector<16xf32>
          %parallel_loop3A_364 = arith.constant 5.120000e+02 : f32
          %parallel_loop3A_365 = vector.broadcast %parallel_loop3A_364 : f32 to vector<16xf32>
          %parallel_loop3A_366 = arith.minimumf %parallel_loop3A_363, %parallel_loop3A_365 : vector<16xf32>
          %parallel_loop3A_367 = arith.fptosi %parallel_loop3A_360 : vector<16xf32> to vector<16xi32>
          %parallel_loop3A_368 = arith.fptosi %parallel_loop3A_366 : vector<16xf32> to vector<16xi32>
          %parallel_loop3A_369 = arith.sitofp %parallel_loop3A_367 : vector<16xi32> to vector<16xf32>
          %parallel_loop3A_370 = arith.cmpf ogt, %parallel_loop3A_369, %parallel_loop3A_360 : vector<16xf32>
          %parallel_loop3A_371 = arith.constant 1 : i32
          %parallel_loop3A_372 = arith.constant 0 : i32
          %parallel_loop3A_373 = vector.broadcast %parallel_loop3A_371 : i32 to vector<16xi32>
          %parallel_loop3A_374 = vector.broadcast %parallel_loop3A_372 : i32 to vector<16xi32>
          %parallel_loop3A_375 = arith.select %parallel_loop3A_370, %parallel_loop3A_373, %parallel_loop3A_374 : vector<16xi1>, vector<16xi32>
          %parallel_loop3A_376 = arith.subi %parallel_loop3A_367, %parallel_loop3A_375 : vector<16xi32>
          %parallel_loop3A_377 = arith.sitofp %parallel_loop3A_368 : vector<16xi32> to vector<16xf32>
          %parallel_loop3A_378 = arith.cmpf ogt, %parallel_loop3A_377, %parallel_loop3A_366 : vector<16xf32>
          %parallel_loop3A_379 = arith.constant 1 : i32
          %parallel_loop3A_380 = arith.constant 0 : i32
          %parallel_loop3A_381 = vector.broadcast %parallel_loop3A_379 : i32 to vector<16xi32>
          %parallel_loop3A_382 = vector.broadcast %parallel_loop3A_380 : i32 to vector<16xi32>
          %parallel_loop3A_383 = arith.select %parallel_loop3A_378, %parallel_loop3A_381, %parallel_loop3A_382 : vector<16xi1>, vector<16xi32>
          %parallel_loop3A_384 = arith.subi %parallel_loop3A_368, %parallel_loop3A_383 : vector<16xi32>
          %parallel_loop3A_385 = arith.constant 0 : i32
          %parallel_loop3A_386 = arith.constant 511 : i32
          %parallel_loop3A_387 = vector.broadcast %parallel_loop3A_385 : i32 to vector<16xi32>
          %parallel_loop3A_388 = arith.maxsi %parallel_loop3A_387, %parallel_loop3A_376 : vector<16xi32>
          %parallel_loop3A_389 = vector.broadcast %parallel_loop3A_386 : i32 to vector<16xi32>
          %parallel_loop3A_390 = arith.minsi %parallel_loop3A_389, %parallel_loop3A_388 : vector<16xi32>
          %parallel_loop3A_391 = arith.constant 1 : i32
          %parallel_loop3A_392 = vector.broadcast %parallel_loop3A_391 : i32 to vector<16xi32>
          %parallel_loop3A_393 = arith.addi %parallel_loop3A_376, %parallel_loop3A_392 : vector<16xi32>
          %parallel_loop3A_394 = arith.constant 0 : i32
          %parallel_loop3A_395 = arith.constant 511 : i32
          %parallel_loop3A_396 = vector.broadcast %parallel_loop3A_394 : i32 to vector<16xi32>
          %parallel_loop3A_397 = arith.maxsi %parallel_loop3A_396, %parallel_loop3A_393 : vector<16xi32>
          %parallel_loop3A_398 = vector.broadcast %parallel_loop3A_395 : i32 to vector<16xi32>
          %parallel_loop3A_399 = arith.minsi %parallel_loop3A_398, %parallel_loop3A_397 : vector<16xi32>
          %parallel_loop3A_400 = arith.constant 1 : i32
          %parallel_loop3A_401 = vector.broadcast %parallel_loop3A_400 : i32 to vector<16xi32>
          %parallel_loop3A_402 = arith.addi %parallel_loop3A_384, %parallel_loop3A_401 : vector<16xi32>
          %parallel_loop3A_403 = arith.constant 0 : i32
          %parallel_loop3A_404 = arith.constant 511 : i32
          %parallel_loop3A_405 = vector.broadcast %parallel_loop3A_403 : i32 to vector<16xi32>
          %parallel_loop3A_406 = arith.maxsi %parallel_loop3A_405, %parallel_loop3A_402 : vector<16xi32>
          %parallel_loop3A_407 = vector.broadcast %parallel_loop3A_404 : i32 to vector<16xi32>
          %parallel_loop3A_408 = arith.minsi %parallel_loop3A_407, %parallel_loop3A_406 : vector<16xi32>
          %parallel_loop3A_409 = arith.sitofp %parallel_loop3A_390 : vector<16xi32> to vector<16xf32>
          %parallel_loop3A_410 = arith.subf %parallel_loop3A_344, %parallel_loop3A_409 : vector<16xf32>
          %parallel_loop3A_411 = arith.constant 1.000000e+00 : f32
          %parallel_loop3A_412 = vector.broadcast %parallel_loop3A_411 : f32 to vector<16xf32>
          %parallel_loop3A_413 = arith.subf %parallel_loop3A_412, %parallel_loop3A_410 : vector<16xf32>
          %parallel_loop3A_414 = vector.broadcast %mul3A_51 : i32 to vector<16xi32>
          %parallel_loop3A_415 = arith.addi %parallel_loop3A_408, %parallel_loop3A_414 : vector<16xi32>
          %parallel_loop3A_416 = arith.constant 512 : i32
          %parallel_loop3A_417 = vector.broadcast %parallel_loop3A_416 : i32 to vector<16xi32>
          %parallel_loop3A_418 = arith.muli %parallel_loop3A_390, %parallel_loop3A_417 : vector<16xi32>
          %parallel_loop3A_419 = arith.addi %parallel_loop3A_418, %parallel_loop3A_415 : vector<16xi32>
          %parallel_loop3A_420 = arith.index_cast %parallel_loop3A_309 : i32 to index
          %parallel_loop3A_421 = tpu.vector_load %arg8[%parallel_loop3A_420] {strides = array<i32>} : memref<2048xi32, #tpu.memory_space<vmem>>, vector<16xi32>,
          tpu.vector_store %arg8[%parallel_loop3A_420], %parallel_loop3A_419 {strides = array<i32>} : memref<2048xi32, #tpu.memory_space<vmem>>, vector<16xi32>,
          %parallel_loop3A_422 = arith.constant 512 : i32
          %parallel_loop3A_423 = vector.broadcast %parallel_loop3A_422 : i32 to vector<16xi32>
          %parallel_loop3A_424 = arith.muli %parallel_loop3A_399, %parallel_loop3A_423 : vector<16xi32>
          %parallel_loop3A_425 = arith.addi %parallel_loop3A_424, %parallel_loop3A_415 : vector<16xi32>
          %parallel_loop3A_426 = arith.index_cast %parallel_loop3A_309 : i32 to index
          %parallel_loop3A_427 = tpu.vector_load %arg9[%parallel_loop3A_426] {strides = array<i32>} : memref<2048xi32, #tpu.memory_space<vmem>>, vector<16xi32>,
          tpu.vector_store %arg9[%parallel_loop3A_426], %parallel_loop3A_425 {strides = array<i32>} : memref<2048xi32, #tpu.memory_space<vmem>>, vector<16xi32>,
          %parallel_loop3A_428 = arith.index_cast %parallel_loop3A_309 : i32 to index
          %parallel_loop3A_429 = tpu.vector_load %arg12[%parallel_loop3A_428] {strides = array<i32>} : memref<2048xf32, #tpu.memory_space<vmem>>, vector<16xf32>,
          tpu.vector_store %arg12[%parallel_loop3A_428], %parallel_loop3A_413 {strides = array<i32>} : memref<2048xf32, #tpu.memory_space<vmem>>, vector<16xf32>,
          %parallel_loop3A_430 = arith.index_cast %parallel_loop3A_309 : i32 to index
          %parallel_loop3A_431 = tpu.vector_load %arg13[%parallel_loop3A_430] {strides = array<i32>} : memref<2048xf32, #tpu.memory_space<vmem>>, vector<16xf32>,
          tpu.vector_store %arg13[%parallel_loop3A_430], %parallel_loop3A_330 {strides = array<i32>} : memref<2048xf32, #tpu.memory_space<vmem>>, vector<16xf32>,
        } {sc.loop_unroll_factor = 8 : i64, sc.parallel_access}
        %scan3A_303 = arith.constant 0 : i32
        scf.yield %scan3A_303 : i32
      }
      %scan3A_259 = arith.constant 4 : i32
      %dma_start3A_260 = arith.constant 0 : i32
      %dma_start3A_261 = tpu.memref_slice %arg25[%dma_start3A_260] : memref<1048576xf32, #tpu.memory_space<vmem_shared>> -> memref<1048576xf32, #tpu.memory_space<vmem_shared>>
      tpu.enqueue_indirect_dma source(%dma_start3A_261 : memref<1048576xf32, #tpu.memory_space<vmem_shared>>) target(%arg10 : memref<2048xf32, #tpu.memory_space<vmem>>) offsets(%arg8 : memref<2048xi32, #tpu.memory_space<vmem>>) semaphore(%arg27 : memref<!tpu.dma_semaphore, #tpu.memory_space<semaphore_mem>>)
      %dma_start3A_262 = arith.constant 0 : i32
      %dma_start3A_263 = tpu.memref_slice %arg25[%dma_start3A_262] : memref<1048576xf32, #tpu.memory_space<vmem_shared>> -> memref<1048576xf32, #tpu.memory_space<vmem_shared>>
      tpu.enqueue_indirect_dma source(%dma_start3A_263 : memref<1048576xf32, #tpu.memory_space<vmem_shared>>) target(%arg11 : memref<2048xf32, #tpu.memory_space<vmem>>) offsets(%arg9 : memref<2048xi32, #tpu.memory_space<vmem>>) semaphore(%arg27 : memref<!tpu.dma_semaphore, #tpu.memory_space<semaphore_mem>>)
      %add3A_264 = arith.constant 1 : i32
      %add3A_265 = arith.addi %add3A_238, %add3A_264 : i32
      %mul3A_266 = arith.constant 4 : i32
      %mul3A_267 = arith.muli %add3A_265, %mul3A_266 : i32
      %add3A_268 = arith.addi %mul3A_67, %mul3A_267 : i32
      %dma_start3A_269 = arith.constant 0 : i32
      %dma_start3A_270 = arith.constant 0 : i32
      %dma_start3A_271 = tpu.memref_slice %arg2[%select_n3A, %add3A_268, %dma_start3A_269, %dma_start3A_270] : memref<8x512x4x512xf32, #tpu.memory_space<hbm>> -> memref<1x4x4x512xf32, #tpu.memory_space<hbm>>
      %dma_start3A_272 = tpu.memref_squeeze %dma_start3A_271 : memref<1x4x4x512xf32, #tpu.memory_space<hbm>> -> memref<4x4x512xf32, #tpu.memory_space<hbm>>
      %dma_start3A_273 = arith.constant 0 : i32
      %dma_start3A_274 = arith.constant 0 : i32
      %dma_start3A_275 = tpu.memref_slice %arg2[%select_n3A, %add3A_268, %dma_start3A_273, %dma_start3A_274] : memref<8x512x4x512xf32, #tpu.memory_space<hbm>> -> memref<1x4x4x512xf32, #tpu.memory_space<hbm>>
      %dma_start3A_276 = tpu.memref_squeeze %dma_start3A_275 : memref<1x4x4x512xf32, #tpu.memory_space<hbm>> -> memref<4x4x512xf32, #tpu.memory_space<hbm>>
      tpu.enqueue_dma source(%dma_start3A_276 : memref<4x4x512xf32, #tpu.memory_space<hbm>>) target(%arg15 : memref<4x4x512xf32, #tpu.memory_space<vmem>>) target_semaphore(%arg29 : memref<!tpu.dma_semaphore, #tpu.memory_space<semaphore_mem>>)
      %dma_wait3A_277 = arith.constant 0 : i32
      %dma_wait3A_278 = tpu.memref_slice %arg25[%dma_wait3A_277] : memref<1048576xf32, #tpu.memory_space<vmem_shared>> -> memref<1048576xf32, #tpu.memory_space<vmem_shared>>
      tpu.wait_indirect_dma semaphore(%arg30 : memref<!tpu.dma_semaphore, #tpu.memory_space<semaphore_mem>>) src(%dma_wait3A_278 : memref<1048576xf32, #tpu.memory_space<vmem_shared>>) dst(%arg18 : memref<2048xf32, #tpu.memory_space<vmem>>)
      %dma_wait3A_279 = arith.constant 0 : i32
      %dma_wait3A_280 = tpu.memref_slice %arg25[%dma_wait3A_279] : memref<1048576xf32, #tpu.memory_space<vmem_shared>> -> memref<1048576xf32, #tpu.memory_space<vmem_shared>>
      tpu.wait_indirect_dma semaphore(%arg30 : memref<!tpu.dma_semaphore, #tpu.memory_space<semaphore_mem>>) src(%dma_wait3A_280 : memref<1048576xf32, #tpu.memory_space<vmem_shared>>) dst(%arg19 : memref<2048xf32, #tpu.memory_space<vmem>>)
      %ge3A_281 = arith.constant 3 : i32
      %ge3A_282 = arith.cmpi sge, %add3A_238, %ge3A_281 : i32
      %convert_element_type3A_283 = arith.extui %ge3A_282 : i1 to i32
      %cond3A_284 = arith.constant 0 : i32
      %cond3A_285 = arith.cmpi ne, %convert_element_type3A_283, %cond3A_284 : i32
      scf.if %cond3A_285 {
        %sub3A_297 = arith.constant 3 : i32
        %sub3A_298 = arith.subi %add3A_238, %sub3A_297 : i32
        %mul3A_299 = arith.constant 2048 : i32
        %mul3A_300 = arith.muli %sub3A_298, %mul3A_299 : i32
        %add3A_301 = arith.addi %mul3A_9, %mul3A_300 : i32
        %dma_wait3A_302 = tpu.memref_slice %arg6[%add3A_301] : memref<2097152xf32, #tpu.memory_space<hbm>> -> memref<2048xf32, #tpu.memory_space<hbm>>
        %dma_wait3A_303 = tpu.memref_slice %arg6[%add3A_301] : memref<2097152xf32, #tpu.memory_space<hbm>> -> memref<2048xf32, #tpu.memory_space<hbm>>
        tpu.wait_dma2 semaphore(%arg31 : memref<!tpu.dma_semaphore, #tpu.memory_space<semaphore_mem>>) src(%arg22 : memref<2048xf32, #tpu.memory_space<vmem>>) dst(%dma_wait3A_303 : memref<2048xf32, #tpu.memory_space<hbm>>)
      } else {
      }
      %parallel_loop3A_286 = arith.constant 0 : i32
      %parallel_loop3A_287 = arith.constant 128 : i32
      %parallel_loop3A_288 = arith.constant 1 : i32
      scf.for %parallel_loop3A_297 = %parallel_loop3A_286 to %parallel_loop3A_287 step %parallel_loop3A_288  : i32 {
        %parallel_loop3A_298 = arith.constant 16 : i32
        %parallel_loop3A_299 = arith.muli %parallel_loop3A_297, %parallel_loop3A_298 : i32
        %parallel_loop3A_300 = arith.index_cast %parallel_loop3A_299 : i32 to index
        %parallel_loop3A_301 = tpu.vector_load %arg18[%parallel_loop3A_300] {strides = array<i32>} : memref<2048xf32, #tpu.memory_space<vmem>>, vector<16xf32>,
        %parallel_loop3A_302 = arith.constant 16 : i32
        %parallel_loop3A_303 = arith.muli %parallel_loop3A_297, %parallel_loop3A_302 : i32
        %parallel_loop3A_304 = arith.index_cast %parallel_loop3A_303 : i32 to index
        %parallel_loop3A_305 = tpu.vector_load %arg19[%parallel_loop3A_304] {strides = array<i32>} : memref<2048xf32, #tpu.memory_space<vmem>>, vector<16xf32>,
        %parallel_loop3A_306 = arith.constant 16 : i32
        %parallel_loop3A_307 = arith.muli %parallel_loop3A_297, %parallel_loop3A_306 : i32
        %parallel_loop3A_308 = arith.index_cast %parallel_loop3A_307 : i32 to index
        %parallel_loop3A_309 = tpu.vector_load %arg20[%parallel_loop3A_308] {strides = array<i32>} : memref<2048xf32, #tpu.memory_space<vmem>>, vector<16xf32>,
        %parallel_loop3A_310 = arith.constant 16 : i32
        %parallel_loop3A_311 = arith.muli %parallel_loop3A_297, %parallel_loop3A_310 : i32
        %parallel_loop3A_312 = arith.index_cast %parallel_loop3A_311 : i32 to index
        %parallel_loop3A_313 = tpu.vector_load %arg21[%parallel_loop3A_312] {strides = array<i32>} : memref<2048xf32, #tpu.memory_space<vmem>>, vector<16xf32>,
        %parallel_loop3A_314 = arith.mulf %parallel_loop3A_301, %parallel_loop3A_309 : vector<16xf32>
        %parallel_loop3A_315 = arith.constant 1.000000e+00 : f32
        %parallel_loop3A_316 = vector.broadcast %parallel_loop3A_315 : f32 to vector<16xf32>
        %parallel_loop3A_317 = arith.subf %parallel_loop3A_316, %parallel_loop3A_309 : vector<16xf32>
        %parallel_loop3A_318 = arith.mulf %parallel_loop3A_305, %parallel_loop3A_317 : vector<16xf32>
        %parallel_loop3A_319 = arith.addf %parallel_loop3A_314, %parallel_loop3A_318 : vector<16xf32>
        %parallel_loop3A_320 = arith.subf %parallel_loop3A_319, %parallel_loop3A_313 : vector<16xf32>
        %parallel_loop3A_321 = arith.constant 16 : i32
        %parallel_loop3A_322 = arith.muli %parallel_loop3A_297, %parallel_loop3A_321 : i32
        %parallel_loop3A_323 = arith.index_cast %parallel_loop3A_322 : i32 to index
        %parallel_loop3A_324 = tpu.vector_load %arg22[%parallel_loop3A_323] {strides = array<i32>} : memref<2048xf32, #tpu.memory_space<vmem>>, vector<16xf32>,
        tpu.vector_store %arg22[%parallel_loop3A_323], %parallel_loop3A_320 {strides = array<i32>} : memref<2048xf32, #tpu.memory_space<vmem>>, vector<16xf32>,
      } {sc.loop_unroll_factor = 8 : i64, sc.parallel_access}
      %sub3A_289 = arith.constant 1 : i32
      %sub3A_290 = arith.subi %add3A_238, %sub3A_289 : i32
      %mul3A_291 = arith.constant 2048 : i32
      %mul3A_292 = arith.muli %sub3A_290, %mul3A_291 : i32
      %add3A_293 = arith.addi %mul3A_9, %mul3A_292 : i32
      %dma_start3A_294 = tpu.memref_slice %arg6[%add3A_293] : memref<2097152xf32, #tpu.memory_space<hbm>> -> memref<2048xf32, #tpu.memory_space<hbm>>
      %dma_start3A_295 = tpu.memref_slice %arg6[%add3A_293] : memref<2097152xf32, #tpu.memory_space<hbm>> -> memref<2048xf32, #tpu.memory_space<hbm>>
      tpu.enqueue_dma source(%arg22 : memref<2048xf32, #tpu.memory_space<vmem>>) target(%dma_start3A_295 : memref<2048xf32, #tpu.memory_space<hbm>>) target_semaphore(%arg31 : memref<!tpu.dma_semaphore, #tpu.memory_space<semaphore_mem>>)
      %scan3A_296 = arith.constant 0 : i32
      scf.yield %scan3A_296 : i32
    }
    %scan3A_114 = arith.constant 15 : i32
    %add3A_115 = arith.constant 124 : i32
    %add3A_116 = arith.addi %mul3A_67, %add3A_115 : i32
    %dma_wait3A_117 = arith.constant 0 : i32
    %dma_wait3A_118 = arith.constant 0 : i32
    %dma_wait3A_119 = tpu.memref_slice %arg2[%select_n3A, %add3A_116, %dma_wait3A_117, %dma_wait3A_118] : memref<8x512x4x512xf32, #tpu.memory_space<hbm>> -> memref<1x4x4x512xf32, #tpu.memory_space<hbm>>
    %dma_wait3A_120 = tpu.memref_squeeze %dma_wait3A_119 : memref<1x4x4x512xf32, #tpu.memory_space<hbm>> -> memref<4x4x512xf32, #tpu.memory_space<hbm>>
    %dma_wait3A_121 = arith.constant 0 : i32
    %dma_wait3A_122 = arith.constant 0 : i32
    %dma_wait3A_123 = tpu.memref_slice %arg2[%select_n3A, %add3A_116, %dma_wait3A_121, %dma_wait3A_122] : memref<8x512x4x512xf32, #tpu.memory_space<hbm>> -> memref<1x4x4x512xf32, #tpu.memory_space<hbm>>
    %dma_wait3A_124 = tpu.memref_squeeze %dma_wait3A_123 : memref<1x4x4x512xf32, #tpu.memory_space<hbm>> -> memref<4x4x512xf32, #tpu.memory_space<hbm>>
    tpu.wait_dma2 semaphore(%arg29 : memref<!tpu.dma_semaphore, #tpu.memory_space<semaphore_mem>>) src(%dma_wait3A_124 : memref<4x4x512xf32, #tpu.memory_space<hbm>>) dst(%arg15 : memref<4x4x512xf32, #tpu.memory_space<vmem>>)
    %add3A_125 = arith.constant 124 : i32
    %add3A_126 = arith.addi %mul3A_67, %add3A_125 : i32
    %scan3A_127 = arith.constant 0 : i32
    %scan3A_128 = arith.constant 0 : i32
    %scan3A_129 = arith.constant 4 : i32
    %scan3A_130 = arith.addi %scan3A_128, %scan3A_129 : i32
    %scan3A_131 = arith.constant 1 : i32
    %scan3A_132 = scf.for %scan3A_175 = %scan3A_128 to %scan3A_130 step %scan3A_131 iter_args(%scan3A_176 = %scan3A_127) -> (i32)  : i32 {
      %add3A_177 = arith.addi %add3A_126, %scan3A_175 : i32
      %broadcast_in_dim3A = vector.broadcast %add3A_177 : i32 to vector<16xi32>
      %gather3A = tpu.vector_load_idx %arg24[%broadcast_in_dim3A] : memref<512xf32, #tpu.memory_space<vmem>>[vector<16xi32>], vector<16xf32>,
      %parallel_loop3A_178 = arith.constant 0 : i32
      %parallel_loop3A_179 = arith.constant 32 : i32
      %parallel_loop3A_180 = arith.constant 1 : i32
      scf.for %parallel_loop3A_182 = %parallel_loop3A_178 to %parallel_loop3A_179 step %parallel_loop3A_180  : i32 {
        %parallel_loop3A_183 = arith.constant 512 : i32
        %parallel_loop3A_184 = arith.muli %scan3A_175, %parallel_loop3A_183 : i32
        %parallel_loop3A_185 = arith.constant 16 : i32
        %parallel_loop3A_186 = arith.muli %parallel_loop3A_182, %parallel_loop3A_185 : i32
        %parallel_loop3A_187 = arith.addi %parallel_loop3A_184, %parallel_loop3A_186 : i32
        %parallel_loop3A_188 = arith.constant 16 : i32
        %parallel_loop3A_189 = arith.muli %parallel_loop3A_182, %parallel_loop3A_188 : i32
        %parallel_loop3A_190 = arith.constant 0 : i32
        %parallel_loop3A_191 = arith.index_cast %scan3A_175 : i32 to index
        %parallel_loop3A_192 = arith.index_cast %parallel_loop3A_190 : i32 to index
        %parallel_loop3A_193 = arith.index_cast %parallel_loop3A_189 : i32 to index
        %parallel_loop3A_194 = tpu.vector_load %arg15[%parallel_loop3A_191, %parallel_loop3A_192, %parallel_loop3A_193] {strides = array<i32>} : memref<4x4x512xf32, #tpu.memory_space<vmem>>, vector<16xf32>,
        %parallel_loop3A_195 = arith.constant 16 : i32
        %parallel_loop3A_196 = arith.muli %parallel_loop3A_182, %parallel_loop3A_195 : i32
        %parallel_loop3A_197 = arith.constant 1 : i32
        %parallel_loop3A_198 = arith.index_cast %scan3A_175 : i32 to index
        %parallel_loop3A_199 = arith.index_cast %parallel_loop3A_197 : i32 to index
        %parallel_loop3A_200 = arith.index_cast %parallel_loop3A_196 : i32 to index
        %parallel_loop3A_201 = tpu.vector_load %arg15[%parallel_loop3A_198, %parallel_loop3A_199, %parallel_loop3A_200] {strides = array<i32>} : memref<4x4x512xf32, #tpu.memory_space<vmem>>, vector<16xf32>,
        %parallel_loop3A_202 = arith.constant 16 : i32
        %parallel_loop3A_203 = arith.muli %parallel_loop3A_182, %parallel_loop3A_202 : i32
        %parallel_loop3A_204 = arith.constant 2 : i32
        %parallel_loop3A_205 = arith.index_cast %scan3A_175 : i32 to index
        %parallel_loop3A_206 = arith.index_cast %parallel_loop3A_204 : i32 to index
        %parallel_loop3A_207 = arith.index_cast %parallel_loop3A_203 : i32 to index
        %parallel_loop3A_208 = tpu.vector_load %arg15[%parallel_loop3A_205, %parallel_loop3A_206, %parallel_loop3A_207] {strides = array<i32>} : memref<4x4x512xf32, #tpu.memory_space<vmem>>, vector<16xf32>,
        %parallel_loop3A_209 = arith.constant 16 : i32
        %parallel_loop3A_210 = arith.muli %parallel_loop3A_182, %parallel_loop3A_209 : i32
        %parallel_loop3A_211 = arith.index_cast %parallel_loop3A_210 : i32 to index
        %parallel_loop3A_212 = tpu.vector_load %arg23[%parallel_loop3A_211] {strides = array<i32>} : memref<512xf32, #tpu.memory_space<vmem>>, vector<16xf32>,
        %parallel_loop3A_213 = arith.addf %gather3A, %parallel_loop3A_201 : vector<16xf32>
        %parallel_loop3A_214 = arith.constant 1.000000e+00 : f32
        %parallel_loop3A_215 = vector.broadcast %parallel_loop3A_214 : f32 to vector<16xf32>
        %parallel_loop3A_216 = arith.addf %parallel_loop3A_213, %parallel_loop3A_215 : vector<16xf32>
        %parallel_loop3A_217 = arith.constant 5.110000e+02 : f32
        %parallel_loop3A_218 = vector.broadcast %parallel_loop3A_217 : f32 to vector<16xf32>
        %parallel_loop3A_219 = arith.mulf %parallel_loop3A_216, %parallel_loop3A_218 : vector<16xf32>
        %parallel_loop3A_220 = arith.constant 5.000000e-01 : f32
        %parallel_loop3A_221 = vector.broadcast %parallel_loop3A_220 : f32 to vector<16xf32>
        %parallel_loop3A_222 = arith.mulf %parallel_loop3A_219, %parallel_loop3A_221 : vector<16xf32>
        %parallel_loop3A_223 = arith.addf %parallel_loop3A_212, %parallel_loop3A_194 : vector<16xf32>
        %parallel_loop3A_224 = arith.constant 1.000000e+00 : f32
        %parallel_loop3A_225 = vector.broadcast %parallel_loop3A_224 : f32 to vector<16xf32>
        %parallel_loop3A_226 = arith.addf %parallel_loop3A_223, %parallel_loop3A_225 : vector<16xf32>
        %parallel_loop3A_227 = arith.constant 5.110000e+02 : f32
        %parallel_loop3A_228 = vector.broadcast %parallel_loop3A_227 : f32 to vector<16xf32>
        %parallel_loop3A_229 = arith.mulf %parallel_loop3A_226, %parallel_loop3A_228 : vector<16xf32>
        %parallel_loop3A_230 = arith.constant 5.000000e-01 : f32
        %parallel_loop3A_231 = vector.broadcast %parallel_loop3A_230 : f32 to vector<16xf32>
        %parallel_loop3A_232 = arith.mulf %parallel_loop3A_229, %parallel_loop3A_231 : vector<16xf32>
        %parallel_loop3A_233 = arith.constant -1.000000e+00 : f32
        %parallel_loop3A_234 = vector.broadcast %parallel_loop3A_233 : f32 to vector<16xf32>
        %parallel_loop3A_235 = arith.maximumf %parallel_loop3A_222, %parallel_loop3A_234 : vector<16xf32>
        %parallel_loop3A_236 = arith.constant 5.120000e+02 : f32
        %parallel_loop3A_237 = vector.broadcast %parallel_loop3A_236 : f32 to vector<16xf32>
        %parallel_loop3A_238 = arith.minimumf %parallel_loop3A_235, %parallel_loop3A_237 : vector<16xf32>
        %parallel_loop3A_239 = arith.constant -1.000000e+00 : f32
        %parallel_loop3A_240 = vector.broadcast %parallel_loop3A_239 : f32 to vector<16xf32>
        %parallel_loop3A_241 = arith.maximumf %parallel_loop3A_232, %parallel_loop3A_240 : vector<16xf32>
        %parallel_loop3A_242 = arith.constant 5.120000e+02 : f32
        %parallel_loop3A_243 = vector.broadcast %parallel_loop3A_242 : f32 to vector<16xf32>
        %parallel_loop3A_244 = arith.minimumf %parallel_loop3A_241, %parallel_loop3A_243 : vector<16xf32>
        %parallel_loop3A_245 = arith.fptosi %parallel_loop3A_238 : vector<16xf32> to vector<16xi32>
        %parallel_loop3A_246 = arith.fptosi %parallel_loop3A_244 : vector<16xf32> to vector<16xi32>
        %parallel_loop3A_247 = arith.sitofp %parallel_loop3A_245 : vector<16xi32> to vector<16xf32>
        %parallel_loop3A_248 = arith.cmpf ogt, %parallel_loop3A_247, %parallel_loop3A_238 : vector<16xf32>
        %parallel_loop3A_249 = arith.constant 1 : i32
        %parallel_loop3A_250 = arith.constant 0 : i32
        %parallel_loop3A_251 = vector.broadcast %parallel_loop3A_249 : i32 to vector<16xi32>
        %parallel_loop3A_252 = vector.broadcast %parallel_loop3A_250 : i32 to vector<16xi32>
        %parallel_loop3A_253 = arith.select %parallel_loop3A_248, %parallel_loop3A_251, %parallel_loop3A_252 : vector<16xi1>, vector<16xi32>
        %parallel_loop3A_254 = arith.subi %parallel_loop3A_245, %parallel_loop3A_253 : vector<16xi32>
        %parallel_loop3A_255 = arith.sitofp %parallel_loop3A_246 : vector<16xi32> to vector<16xf32>
        %parallel_loop3A_256 = arith.cmpf ogt, %parallel_loop3A_255, %parallel_loop3A_244 : vector<16xf32>
        %parallel_loop3A_257 = arith.constant 1 : i32
        %parallel_loop3A_258 = arith.constant 0 : i32
        %parallel_loop3A_259 = vector.broadcast %parallel_loop3A_257 : i32 to vector<16xi32>
        %parallel_loop3A_260 = vector.broadcast %parallel_loop3A_258 : i32 to vector<16xi32>
        %parallel_loop3A_261 = arith.select %parallel_loop3A_256, %parallel_loop3A_259, %parallel_loop3A_260 : vector<16xi1>, vector<16xi32>
        %parallel_loop3A_262 = arith.subi %parallel_loop3A_246, %parallel_loop3A_261 : vector<16xi32>
        %parallel_loop3A_263 = arith.constant 0 : i32
        %parallel_loop3A_264 = arith.constant 511 : i32
        %parallel_loop3A_265 = vector.broadcast %parallel_loop3A_263 : i32 to vector<16xi32>
        %parallel_loop3A_266 = arith.maxsi %parallel_loop3A_265, %parallel_loop3A_254 : vector<16xi32>
        %parallel_loop3A_267 = vector.broadcast %parallel_loop3A_264 : i32 to vector<16xi32>
        %parallel_loop3A_268 = arith.minsi %parallel_loop3A_267, %parallel_loop3A_266 : vector<16xi32>
        %parallel_loop3A_269 = arith.constant 1 : i32
        %parallel_loop3A_270 = vector.broadcast %parallel_loop3A_269 : i32 to vector<16xi32>
        %parallel_loop3A_271 = arith.addi %parallel_loop3A_254, %parallel_loop3A_270 : vector<16xi32>
        %parallel_loop3A_272 = arith.constant 0 : i32
        %parallel_loop3A_273 = arith.constant 511 : i32
        %parallel_loop3A_274 = vector.broadcast %parallel_loop3A_272 : i32 to vector<16xi32>
        %parallel_loop3A_275 = arith.maxsi %parallel_loop3A_274, %parallel_loop3A_271 : vector<16xi32>
        %parallel_loop3A_276 = vector.broadcast %parallel_loop3A_273 : i32 to vector<16xi32>
        %parallel_loop3A_277 = arith.minsi %parallel_loop3A_276, %parallel_loop3A_275 : vector<16xi32>
        %parallel_loop3A_278 = arith.constant 1 : i32
        %parallel_loop3A_279 = vector.broadcast %parallel_loop3A_278 : i32 to vector<16xi32>
        %parallel_loop3A_280 = arith.addi %parallel_loop3A_262, %parallel_loop3A_279 : vector<16xi32>
        %parallel_loop3A_281 = arith.constant 0 : i32
        %parallel_loop3A_282 = arith.constant 511 : i32
        %parallel_loop3A_283 = vector.broadcast %parallel_loop3A_281 : i32 to vector<16xi32>
        %parallel_loop3A_284 = arith.maxsi %parallel_loop3A_283, %parallel_loop3A_280 : vector<16xi32>
        %parallel_loop3A_285 = vector.broadcast %parallel_loop3A_282 : i32 to vector<16xi32>
        %parallel_loop3A_286 = arith.minsi %parallel_loop3A_285, %parallel_loop3A_284 : vector<16xi32>
        %parallel_loop3A_287 = arith.sitofp %parallel_loop3A_268 : vector<16xi32> to vector<16xf32>
        %parallel_loop3A_288 = arith.subf %parallel_loop3A_222, %parallel_loop3A_287 : vector<16xf32>
        %parallel_loop3A_289 = arith.constant 1.000000e+00 : f32
        %parallel_loop3A_290 = vector.broadcast %parallel_loop3A_289 : f32 to vector<16xf32>
        %parallel_loop3A_291 = arith.subf %parallel_loop3A_290, %parallel_loop3A_288 : vector<16xf32>
        %parallel_loop3A_292 = vector.broadcast %mul3A_51 : i32 to vector<16xi32>
        %parallel_loop3A_293 = arith.addi %parallel_loop3A_286, %parallel_loop3A_292 : vector<16xi32>
        %parallel_loop3A_294 = arith.constant 512 : i32
        %parallel_loop3A_295 = vector.broadcast %parallel_loop3A_294 : i32 to vector<16xi32>
        %parallel_loop3A_296 = arith.muli %parallel_loop3A_268, %parallel_loop3A_295 : vector<16xi32>
        %parallel_loop3A_297 = arith.addi %parallel_loop3A_296, %parallel_loop3A_293 : vector<16xi32>
        %parallel_loop3A_298 = arith.index_cast %parallel_loop3A_187 : i32 to index
        %parallel_loop3A_299 = tpu.vector_load %arg16[%parallel_loop3A_298] {strides = array<i32>} : memref<2048xi32, #tpu.memory_space<vmem>>, vector<16xi32>,
        tpu.vector_store %arg16[%parallel_loop3A_298], %parallel_loop3A_297 {strides = array<i32>} : memref<2048xi32, #tpu.memory_space<vmem>>, vector<16xi32>,
        %parallel_loop3A_300 = arith.constant 512 : i32
        %parallel_loop3A_301 = vector.broadcast %parallel_loop3A_300 : i32 to vector<16xi32>
        %parallel_loop3A_302 = arith.muli %parallel_loop3A_277, %parallel_loop3A_301 : vector<16xi32>
        %parallel_loop3A_303 = arith.addi %parallel_loop3A_302, %parallel_loop3A_293 : vector<16xi32>
        %parallel_loop3A_304 = arith.index_cast %parallel_loop3A_187 : i32 to index
        %parallel_loop3A_305 = tpu.vector_load %arg17[%parallel_loop3A_304] {strides = array<i32>} : memref<2048xi32, #tpu.memory_space<vmem>>, vector<16xi32>,
        tpu.vector_store %arg17[%parallel_loop3A_304], %parallel_loop3A_303 {strides = array<i32>} : memref<2048xi32, #tpu.memory_space<vmem>>, vector<16xi32>,
        %parallel_loop3A_306 = arith.index_cast %parallel_loop3A_187 : i32 to index
        %parallel_loop3A_307 = tpu.vector_load %arg20[%parallel_loop3A_306] {strides = array<i32>} : memref<2048xf32, #tpu.memory_space<vmem>>, vector<16xf32>,
        tpu.vector_store %arg20[%parallel_loop3A_306], %parallel_loop3A_291 {strides = array<i32>} : memref<2048xf32, #tpu.memory_space<vmem>>, vector<16xf32>,
        %parallel_loop3A_308 = arith.index_cast %parallel_loop3A_187 : i32 to index
        %parallel_loop3A_309 = tpu.vector_load %arg21[%parallel_loop3A_308] {strides = array<i32>} : memref<2048xf32, #tpu.memory_space<vmem>>, vector<16xf32>,
        tpu.vector_store %arg21[%parallel_loop3A_308], %parallel_loop3A_208 {strides = array<i32>} : memref<2048xf32, #tpu.memory_space<vmem>>, vector<16xf32>,
      } {sc.loop_unroll_factor = 8 : i64, sc.parallel_access}
      %scan3A_181 = arith.constant 0 : i32
      scf.yield %scan3A_181 : i32
    }
    %scan3A_133 = arith.constant 4 : i32
    %dma_start3A_134 = arith.constant 0 : i32
    %dma_start3A_135 = tpu.memref_slice %arg25[%dma_start3A_134] : memref<1048576xf32, #tpu.memory_space<vmem_shared>> -> memref<1048576xf32, #tpu.memory_space<vmem_shared>>
    tpu.enqueue_indirect_dma source(%dma_start3A_135 : memref<1048576xf32, #tpu.memory_space<vmem_shared>>) target(%arg18 : memref<2048xf32, #tpu.memory_space<vmem>>) offsets(%arg16 : memref<2048xi32, #tpu.memory_space<vmem>>) semaphore(%arg30 : memref<!tpu.dma_semaphore, #tpu.memory_space<semaphore_mem>>)
    %dma_start3A_136 = arith.constant 0 : i32
    %dma_start3A_137 = tpu.memref_slice %arg25[%dma_start3A_136] : memref<1048576xf32, #tpu.memory_space<vmem_shared>> -> memref<1048576xf32, #tpu.memory_space<vmem_shared>>
    tpu.enqueue_indirect_dma source(%dma_start3A_137 : memref<1048576xf32, #tpu.memory_space<vmem_shared>>) target(%arg19 : memref<2048xf32, #tpu.memory_space<vmem>>) offsets(%arg17 : memref<2048xi32, #tpu.memory_space<vmem>>) semaphore(%arg30 : memref<!tpu.dma_semaphore, #tpu.memory_space<semaphore_mem>>)
    %dma_wait3A_138 = arith.constant 0 : i32
    %dma_wait3A_139 = tpu.memref_slice %arg25[%dma_wait3A_138] : memref<1048576xf32, #tpu.memory_space<vmem_shared>> -> memref<1048576xf32, #tpu.memory_space<vmem_shared>>
    tpu.wait_indirect_dma semaphore(%arg27 : memref<!tpu.dma_semaphore, #tpu.memory_space<semaphore_mem>>) src(%dma_wait3A_139 : memref<1048576xf32, #tpu.memory_space<vmem_shared>>) dst(%arg10 : memref<2048xf32, #tpu.memory_space<vmem>>)
    %dma_wait3A_140 = arith.constant 0 : i32
    %dma_wait3A_141 = tpu.memref_slice %arg25[%dma_wait3A_140] : memref<1048576xf32, #tpu.memory_space<vmem_shared>> -> memref<1048576xf32, #tpu.memory_space<vmem_shared>>
    tpu.wait_indirect_dma semaphore(%arg27 : memref<!tpu.dma_semaphore, #tpu.memory_space<semaphore_mem>>) src(%dma_wait3A_141 : memref<1048576xf32, #tpu.memory_space<vmem_shared>>) dst(%arg11 : memref<2048xf32, #tpu.memory_space<vmem>>)
    %add3A_142 = arith.constant 57344 : i32
    %add3A_143 = arith.addi %mul3A_9, %add3A_142 : i32
    %dma_wait3A_144 = tpu.memref_slice %arg6[%add3A_143] : memref<2097152xf32, #tpu.memory_space<hbm>> -> memref<2048xf32, #tpu.memory_space<hbm>>
    %dma_wait3A_145 = tpu.memref_slice %arg6[%add3A_143] : memref<2097152xf32, #tpu.memory_space<hbm>> -> memref<2048xf32, #tpu.memory_space<hbm>>
    tpu.wait_dma2 semaphore(%arg28 : memref<!tpu.dma_semaphore, #tpu.memory_space<semaphore_mem>>) src(%arg14 : memref<2048xf32, #tpu.memory_space<vmem>>) dst(%dma_wait3A_145 : memref<2048xf32, #tpu.memory_space<hbm>>)
    %parallel_loop3A = arith.constant 0 : i32
    %parallel_loop3A_146 = arith.constant 128 : i32
    %parallel_loop3A_147 = arith.constant 1 : i32
    scf.for %parallel_loop3A_175 = %parallel_loop3A to %parallel_loop3A_146 step %parallel_loop3A_147  : i32 {
      %parallel_loop3A_176 = arith.constant 16 : i32
      %parallel_loop3A_177 = arith.muli %parallel_loop3A_175, %parallel_loop3A_176 : i32
      %parallel_loop3A_178 = arith.index_cast %parallel_loop3A_177 : i32 to index
      %parallel_loop3A_179 = tpu.vector_load %arg10[%parallel_loop3A_178] {strides = array<i32>} : memref<2048xf32, #tpu.memory_space<vmem>>, vector<16xf32>,
      %parallel_loop3A_180 = arith.constant 16 : i32
      %parallel_loop3A_181 = arith.muli %parallel_loop3A_175, %parallel_loop3A_180 : i32
      %parallel_loop3A_182 = arith.index_cast %parallel_loop3A_181 : i32 to index
      %parallel_loop3A_183 = tpu.vector_load %arg11[%parallel_loop3A_182] {strides = array<i32>} : memref<2048xf32, #tpu.memory_space<vmem>>, vector<16xf32>,
      %parallel_loop3A_184 = arith.constant 16 : i32
      %parallel_loop3A_185 = arith.muli %parallel_loop3A_175, %parallel_loop3A_184 : i32
      %parallel_loop3A_186 = arith.index_cast %parallel_loop3A_185 : i32 to index
      %parallel_loop3A_187 = tpu.vector_load %arg12[%parallel_loop3A_186] {strides = array<i32>} : memref<2048xf32, #tpu.memory_space<vmem>>, vector<16xf32>,
      %parallel_loop3A_188 = arith.constant 16 : i32
      %parallel_loop3A_189 = arith.muli %parallel_loop3A_175, %parallel_loop3A_188 : i32
      %parallel_loop3A_190 = arith.index_cast %parallel_loop3A_189 : i32 to index
      %parallel_loop3A_191 = tpu.vector_load %arg13[%parallel_loop3A_190] {strides = array<i32>} : memref<2048xf32, #tpu.memory_space<vmem>>, vector<16xf32>,
      %parallel_loop3A_192 = arith.mulf %parallel_loop3A_179, %parallel_loop3A_187 : vector<16xf32>
      %parallel_loop3A_193 = arith.constant 1.000000e+00 : f32
      %parallel_loop3A_194 = vector.broadcast %parallel_loop3A_193 : f32 to vector<16xf32>
      %parallel_loop3A_195 = arith.subf %parallel_loop3A_194, %parallel_loop3A_187 : vector<16xf32>
      %parallel_loop3A_196 = arith.mulf %parallel_loop3A_183, %parallel_loop3A_195 : vector<16xf32>
      %parallel_loop3A_197 = arith.addf %parallel_loop3A_192, %parallel_loop3A_196 : vector<16xf32>
      %parallel_loop3A_198 = arith.subf %parallel_loop3A_197, %parallel_loop3A_191 : vector<16xf32>
      %parallel_loop3A_199 = arith.constant 16 : i32
      %parallel_loop3A_200 = arith.muli %parallel_loop3A_175, %parallel_loop3A_199 : i32
      %parallel_loop3A_201 = arith.index_cast %parallel_loop3A_200 : i32 to index
      %parallel_loop3A_202 = tpu.vector_load %arg14[%parallel_loop3A_201] {strides = array<i32>} : memref<2048xf32, #tpu.memory_space<vmem>>, vector<16xf32>,
      tpu.vector_store %arg14[%parallel_loop3A_201], %parallel_loop3A_198 {strides = array<i32>} : memref<2048xf32, #tpu.memory_space<vmem>>, vector<16xf32>,
    } {sc.loop_unroll_factor = 8 : i64, sc.parallel_access}
    %add3A_148 = arith.constant 61440 : i32
    %add3A_149 = arith.addi %mul3A_9, %add3A_148 : i32
    %dma_start3A_150 = tpu.memref_slice %arg6[%add3A_149] : memref<2097152xf32, #tpu.memory_space<hbm>> -> memref<2048xf32, #tpu.memory_space<hbm>>
    %dma_start3A_151 = tpu.memref_slice %arg6[%add3A_149] : memref<2097152xf32, #tpu.memory_space<hbm>> -> memref<2048xf32, #tpu.memory_space<hbm>>
    tpu.enqueue_dma source(%arg14 : memref<2048xf32, #tpu.memory_space<vmem>>) target(%dma_start3A_151 : memref<2048xf32, #tpu.memory_space<hbm>>) target_semaphore(%arg28 : memref<!tpu.dma_semaphore, #tpu.memory_space<semaphore_mem>>)
    %dma_wait3A_152 = arith.constant 0 : i32
    %dma_wait3A_153 = tpu.memref_slice %arg25[%dma_wait3A_152] : memref<1048576xf32, #tpu.memory_space<vmem_shared>> -> memref<1048576xf32, #tpu.memory_space<vmem_shared>>
    tpu.wait_indirect_dma semaphore(%arg30 : memref<!tpu.dma_semaphore, #tpu.memory_space<semaphore_mem>>) src(%dma_wait3A_153 : memref<1048576xf32, #tpu.memory_space<vmem_shared>>) dst(%arg18 : memref<2048xf32, #tpu.memory_space<vmem>>)
    %dma_wait3A_154 = arith.constant 0 : i32
    %dma_wait3A_155 = tpu.memref_slice %arg25[%dma_wait3A_154] : memref<1048576xf32, #tpu.memory_space<vmem_shared>> -> memref<1048576xf32, #tpu.memory_space<vmem_shared>>
    tpu.wait_indirect_dma semaphore(%arg30 : memref<!tpu.dma_semaphore, #tpu.memory_space<semaphore_mem>>) src(%dma_wait3A_155 : memref<1048576xf32, #tpu.memory_space<vmem_shared>>) dst(%arg19 : memref<2048xf32, #tpu.memory_space<vmem>>)
    %add3A_156 = arith.constant 59392 : i32
    %add3A_157 = arith.addi %mul3A_9, %add3A_156 : i32
    %dma_wait3A_158 = tpu.memref_slice %arg6[%add3A_157] : memref<2097152xf32, #tpu.memory_space<hbm>> -> memref<2048xf32, #tpu.memory_space<hbm>>
    %dma_wait3A_159 = tpu.memref_slice %arg6[%add3A_157] : memref<2097152xf32, #tpu.memory_space<hbm>> -> memref<2048xf32, #tpu.memory_space<hbm>>
    tpu.wait_dma2 semaphore(%arg31 : memref<!tpu.dma_semaphore, #tpu.memory_space<semaphore_mem>>) src(%arg22 : memref<2048xf32, #tpu.memory_space<vmem>>) dst(%dma_wait3A_159 : memref<2048xf32, #tpu.memory_space<hbm>>)
    %parallel_loop3A_160 = arith.constant 0 : i32
    %parallel_loop3A_161 = arith.constant 128 : i32
    %parallel_loop3A_162 = arith.constant 1 : i32
    scf.for %parallel_loop3A_175 = %parallel_loop3A_160 to %parallel_loop3A_161 step %parallel_loop3A_162  : i32 {
      %parallel_loop3A_176 = arith.constant 16 : i32
      %parallel_loop3A_177 = arith.muli %parallel_loop3A_175, %parallel_loop3A_176 : i32
      %parallel_loop3A_178 = arith.index_cast %parallel_loop3A_177 : i32 to index
      %parallel_loop3A_179 = tpu.vector_load %arg18[%parallel_loop3A_178] {strides = array<i32>} : memref<2048xf32, #tpu.memory_space<vmem>>, vector<16xf32>,
      %parallel_loop3A_180 = arith.constant 16 : i32
      %parallel_loop3A_181 = arith.muli %parallel_loop3A_175, %parallel_loop3A_180 : i32
      %parallel_loop3A_182 = arith.index_cast %parallel_loop3A_181 : i32 to index
      %parallel_loop3A_183 = tpu.vector_load %arg19[%parallel_loop3A_182] {strides = array<i32>} : memref<2048xf32, #tpu.memory_space<vmem>>, vector<16xf32>,
      %parallel_loop3A_184 = arith.constant 16 : i32
      %parallel_loop3A_185 = arith.muli %parallel_loop3A_175, %parallel_loop3A_184 : i32
      %parallel_loop3A_186 = arith.index_cast %parallel_loop3A_185 : i32 to index
      %parallel_loop3A_187 = tpu.vector_load %arg20[%parallel_loop3A_186] {strides = array<i32>} : memref<2048xf32, #tpu.memory_space<vmem>>, vector<16xf32>,
      %parallel_loop3A_188 = arith.constant 16 : i32
      %parallel_loop3A_189 = arith.muli %parallel_loop3A_175, %parallel_loop3A_188 : i32
      %parallel_loop3A_190 = arith.index_cast %parallel_loop3A_189 : i32 to index
      %parallel_loop3A_191 = tpu.vector_load %arg21[%parallel_loop3A_190] {strides = array<i32>} : memref<2048xf32, #tpu.memory_space<vmem>>, vector<16xf32>,
      %parallel_loop3A_192 = arith.mulf %parallel_loop3A_179, %parallel_loop3A_187 : vector<16xf32>
      %parallel_loop3A_193 = arith.constant 1.000000e+00 : f32
      %parallel_loop3A_194 = vector.broadcast %parallel_loop3A_193 : f32 to vector<16xf32>
      %parallel_loop3A_195 = arith.subf %parallel_loop3A_194, %parallel_loop3A_187 : vector<16xf32>
      %parallel_loop3A_196 = arith.mulf %parallel_loop3A_183, %parallel_loop3A_195 : vector<16xf32>
      %parallel_loop3A_197 = arith.addf %parallel_loop3A_192, %parallel_loop3A_196 : vector<16xf32>
      %parallel_loop3A_198 = arith.subf %parallel_loop3A_197, %parallel_loop3A_191 : vector<16xf32>
      %parallel_loop3A_199 = arith.constant 16 : i32
      %parallel_loop3A_200 = arith.muli %parallel_loop3A_175, %parallel_loop3A_199 : i32
      %parallel_loop3A_201 = arith.index_cast %parallel_loop3A_200 : i32 to index
      %parallel_loop3A_202 = tpu.vector_load %arg22[%parallel_loop3A_201] {strides = array<i32>} : memref<2048xf32, #tpu.memory_space<vmem>>, vector<16xf32>,
      tpu.vector_store %arg22[%parallel_loop3A_201], %parallel_loop3A_198 {strides = array<i32>} : memref<2048xf32, #tpu.memory_space<vmem>>, vector<16xf32>,
    } {sc.loop_unroll_factor = 8 : i64, sc.parallel_access}
    %add3A_163 = arith.constant 63488 : i32
    %add3A_164 = arith.addi %mul3A_9, %add3A_163 : i32
    %dma_start3A_165 = tpu.memref_slice %arg6[%add3A_164] : memref<2097152xf32, #tpu.memory_space<hbm>> -> memref<2048xf32, #tpu.memory_space<hbm>>
    %dma_start3A_166 = tpu.memref_slice %arg6[%add3A_164] : memref<2097152xf32, #tpu.memory_space<hbm>> -> memref<2048xf32, #tpu.memory_space<hbm>>
    tpu.enqueue_dma source(%arg22 : memref<2048xf32, #tpu.memory_space<vmem>>) target(%dma_start3A_166 : memref<2048xf32, #tpu.memory_space<hbm>>) target_semaphore(%arg31 : memref<!tpu.dma_semaphore, #tpu.memory_space<semaphore_mem>>)
    %add3A_167 = arith.constant 61440 : i32
    %add3A_168 = arith.addi %mul3A_9, %add3A_167 : i32
    %dma_wait3A_169 = tpu.memref_slice %arg6[%add3A_168] : memref<2097152xf32, #tpu.memory_space<hbm>> -> memref<2048xf32, #tpu.memory_space<hbm>>
    %dma_wait3A_170 = tpu.memref_slice %arg6[%add3A_168] : memref<2097152xf32, #tpu.memory_space<hbm>> -> memref<2048xf32, #tpu.memory_space<hbm>>
    tpu.wait_dma2 semaphore(%arg28 : memref<!tpu.dma_semaphore, #tpu.memory_space<semaphore_mem>>) src(%arg14 : memref<2048xf32, #tpu.memory_space<vmem>>) dst(%dma_wait3A_170 : memref<2048xf32, #tpu.memory_space<hbm>>)
    %add3A_171 = arith.constant 63488 : i32
    %add3A_172 = arith.addi %mul3A_9, %add3A_171 : i32
    %dma_wait3A_173 = tpu.memref_slice %arg6[%add3A_172] : memref<2097152xf32, #tpu.memory_space<hbm>> -> memref<2048xf32, #tpu.memory_space<hbm>>
    %dma_wait3A_174 = tpu.memref_slice %arg6[%add3A_172] : memref<2097152xf32, #tpu.memory_space<hbm>> -> memref<2048xf32, #tpu.memory_space<hbm>>
    tpu.wait_dma2 semaphore(%arg31 : memref<!tpu.dma_semaphore, #tpu.memory_space<semaphore_mem>>) src(%arg22 : memref<2048xf32, #tpu.memory_space<vmem>>) dst(%dma_wait3A_174 : memref<2048xf32, #tpu.memory_space<hbm>>)
    return
  }
}

</mosaic_0001>

<sc_bundles>
// kernel: _assoc.3.cloned.1.call-start
scs
__scs_entry_jumppad:
0x0: {  	(pc) =	sbr.rel $0x88, $3  }
0x1: {  	(tag) =	ssettag $0x0;
	lr =	simm.s32 $0x1  }
0x2: {  	[smem:$0x3FA0] =	sst lr;
	_ =	strace $0xD0000000  }
0x3: {  	_ = 	snop  }
0x4: {  	_ = 	snop  }
0x5: {  	_ = 	snop  }
0x6: {  	_ = 	snop  }
0x7: {  	_ = 	snop  }
__scs_overlays_trampoline_lowered:
0x8: {  	[smem:$0x3FAF] =	sst s0  }
0x9: {  	[smem:$0x3FB0] =	sst s1  }
0xa: {  	[smem:$0x3FB1] =	sst s2  }
0xb: {  	[smem:$0x3FB2] =	sst s3  }
0xc: {  	[smem:$0x3FB3] =	sst s4  }
0xd: {  	[smem:$0x3FB4] =	sst s5  }
0xe: {  	[smem:$0x3FB5] =	sst s6  }
0xf: {  	[smem:$0x3FB6] =	sst s7  }
0x10: {  	[smem:$0x3FB7] =	sst s8  }
0x11: {  	[smem:$0x3FB8] =	sst s9;
	s0 =	simm.s32 @!p0 $0x0  }
0x12: {  	s1 =	sld [smem:$0x3F9E];
	s0 =	simm.s32 @p0 $0x1  }
0x13: {  	[smem:$0x3FB9] =	sst s0;
	s0 =	simm.s32 @!p1 $0x0  }
0x14: {  	s2 =	sld [smem:$0x3F9D];
	s0 =	simm.s32 @p1 $0x1  }
0x15: {  	[smem:$0x3FBA] =	sst s0;
	s0 =	simm.s32 @!p2 $0x0  }
0x16: {  	s3 =	sld [smem:$0x3FDB];
	s0 =	simm.s32 @p2 $0x1  }
0x17: {  	s4 =	simm.s32 $0x1BF5;
	[smem:$0x3FBC] =	sst s0  }
0x18: {  	s0 =	sld [smem:$0x3F9F];
	_ =	swait.ge [sflag:s4], $0x0  }
0x19: {  	s7 =	sld [smem:$0x3FA0]  }
0x1a: {  	s8 =	sadd.s32 $0xFFFFE003, lr  }
0x1b: {  	s9 =	sadd.s32 $0xFFFFFEF7, lr;
	s5 =	simm.s32 $0xFFFFFFFF;
	p2 =	slt.u32 s8, $0xFFFFF086  }
0x1c: {  	p1 =	slt.u32 s9, $0xF7A;
	s5 =	simm.s32 @!p2 $0x0  }
0x1d: {  	s5 =	simm.s32 @p1 $0x1;
	p0 =	seq.s32 s7, s2  }
0x1e: {  	s7 =	smul.u32 @!p0 $0xF7A, s2;
	p2 =	seq.s32 @!p0 s5, $0x0  }
0x1f: {  	s9 =	smul.u32 $0xF7A, s1;
	s8 =	simm.s32 @!p0 $0x1BF5;
	p2 =	por !p2, p0  }
0x20: {  	[sflag:s8] =	ssyncset.s32 @!p0 $0xFFFFF086;
	s6 =	sadd.s32 @!p0 s3, s7;
	s7 =	simm.s32 @!p0 $0x108  }
0x21: {  	s3 =	sadd.s32 s3, s9;
	s6 =	sadd.s32 @!p0 $0x88, s6;
	s7 =	simm.s32 @p2 $0x1082  }
0x22: {  	[simem:s7], [sflag:s8] =	dma.local @!p0 [hbm:s6], $0xF7A  }
0x23: {  	s9 =	sor.u32 $0xD0000000, s2;
	s6 =	simm.s32 $0x108;
	_ =	swait.ge @!p0 [sflag:s8], $0x0  }
0x24: {  	s3 =	sadd.s32 $0x88, s3;
	s6 =	simm.s32 @!p1 $0x1082;
	[sflag:s4] =	ssyncset.s32 $0xFFFFF086  }
0x25: {  	[simem:s6], [sflag:s4] =	dma.local [hbm:s3], $0xF7A  }
0x26: {  	[smem:$0x3FA0] =	sst s1;
	(tag) =	ssettag s2;
	_ =	strace s9  }
0x27: {  	s1 =	sld [smem:$0x3FB0]  }
0x28: {  	s2 =	sld [smem:$0x3FB1]  }
0x29: {  	s4 =	sld [smem:$0x3FB3]  }
0x2a: {  	p0 =	seq.s32 s5, $0x0;
	s5 =	sld [smem:$0x3FB4]  }
0x2b: {  	s6 =	sld [smem:$0x3FB5]  }
0x2c: {  	s7 =	sld [smem:$0x3FB6]  }
0x2d: {  	s3 =	simm.s32 $0x108;
	s8 =	sld [smem:$0x3FB7]  }
0x2e: {  	s3 =	simm.s32 @!p0 $0x1082;
	s9 =	sld [smem:$0x3FB8]  }
0x2f: {  	lr =	sadd.s32 s0, s3;
	s0 =	sld [smem:$0x3FAF]  }
0x30: {  	s3 =	sld [smem:$0x3FB2]  }
0x31: {  	[smem:$0x3FBB] =	sst s10  }
0x32: {  	s10 =	sld [smem:$0x3FB9];
	_ =	sdelay $0x3  }
0x33: {  	p0 =	seq.s32 s10, $0x1;
	s10 =	sld [smem:$0x3FBB];
	_ =	sdelay $0x3  }
0x34: {  	[smem:$0x3FBB] =	sst s10  }
0x35: {  	s10 =	sld [smem:$0x3FBA];
	_ =	sdelay $0x3  }
0x36: {  	p1 =	seq.s32 s10, $0x1;
	s10 =	sld [smem:$0x3FBB];
	_ =	sdelay $0x3  }
0x37: {  	[smem:$0x3FBB] =	sst s10  }
0x38: {  	s10 =	sld [smem:$0x3FBC]  }
0x39: {  	_ = 	snop;
	(pc) =	sbr.ind lr, $3  }
0x3a: {  	_ = 	snop  }
0x3b: {  	_ = 	snop  }
0x3c: {  	p2 =	seq.s32 s10, $0x1;
	s10 =	sld [smem:$0x3FBB]  }
0x3d: {  	_ =	shalt  }
0x3e: {  	_ =	shalt  }
0x3f: {  	_ =	shalt  }
0x40: {  	_ =	shalt  }
0x41: {  	_ =	shalt  }
0x42: {  	_ =	shalt  }
0x43: {  	_ =	shalt  }
0x44: {  	_ =	shalt  }
0x45: {  	_ =	shalt  }
0x46: {  	_ =	shalt  }
0x47: {  	_ =	shalt  }
0x48: {  	_ =	shalt  }
0x49: {  	_ =	shalt  }
0x4a: {  	_ =	shalt  }
0x4b: {  	_ =	shalt  }
0x4c: {  	_ =	shalt  }
0x4d: {  	_ =	shalt  }
0x4e: {  	_ =	shalt  }
0x4f: {  	_ =	shalt  }
0x50: {  	_ =	shalt  }
0x51: {  	_ =	shalt  }
0x52: {  	_ =	shalt  }
0x53: {  	_ =	shalt  }
0x54: {  	_ =	shalt  }
0x55: {  	_ =	shalt  }
0x56: {  	_ =	shalt  }
0x57: {  	_ =	shalt  }
0x58: {  	_ =	shalt  }
0x59: {  	_ =	shalt  }
0x5a: {  	_ =	shalt  }
0x5b: {  	_ =	shalt  }
0x5c: {  	_ =	shalt  }
0x5d: {  	_ =	shalt  }
0x5e: {  	_ =	shalt  }
0x5f: {  	_ =	shalt  }
0x60: {  	_ =	shalt  }
0x61: {  	_ =	shalt  }
0x62: {  	_ =	shalt  }
0x63: {  	_ =	shalt  }
0x64: {  	_ =	shalt  }
0x65: {  	_ =	shalt  }
0x66: {  	_ =	shalt  }
0x67: {  	_ =	shalt  }
0x68: {  	_ =	shalt  }
0x69: {  	_ =	shalt  }
0x6a: {  	_ =	shalt  }
0x6b: {  	_ =	shalt  }
0x6c: {  	_ =	shalt  }
0x6d: {  	_ =	shalt  }
0x6e: {  	_ =	shalt  }
0x6f: {  	_ =	shalt  }
0x70: {  	_ =	shalt  }
0x71: {  	_ =	shalt  }
0x72: {  	_ =	shalt  }
0x73: {  	_ =	shalt  }
0x74: {  	_ =	shalt  }
0x75: {  	_ =	shalt  }
0x76: {  	_ =	shalt  }
0x77: {  	_ =	shalt  }
0x78: {  	_ =	shalt  }
0x79: {  	_ =	shalt  }
0x7a: {  	_ =	shalt  }
0x7b: {  	_ =	shalt  }
0x7c: {  	_ =	shalt  }
0x7d: {  	_ =	shalt  }
0x7e: {  	_ =	shalt  }
0x7f: {  	_ =	shalt  }
0x80: {  	_ =	shalt  }
0x81: {  	_ =	shalt  }
0x82: {  	_ =	shalt  }
0x83: {  	_ =	shalt  }
0x84: {  	_ =	shalt  }
0x85: {  	_ =	shalt  }
0x86: {  	_ =	shalt  }
0x87: {  	_ =	shalt  }
.Lfunc_end0:
.L_simem_size_0:
called_computation_lowered:
.L_overlay_start_0:
0x88: {  	s2 =	sld [smem:$0x3FD9]  }
0x89: {  	s3 =	sld [smem:$0x3FFE];
	_ =	sdelay $0x1  }
0x8a: {  	s1 =	srdreg.scid  }
0x8b: {  	s0 =	sand.u32 $0x1, s1  }
0x8c: {  	s17 =	sshll.u32 s0, $0xA;
	s2 =	sadd.s32 s3, s2  }
0x8d: {  	s2 =	sadd.s32 s2, s17  }
0x8e: {  	[smem:$0x3FC7] =	sst s2  }
0x8f: {  	_ = 	snop  }
0x90: {  	s2 =	sld [smem:$0x3FC9]  }
0x91: {  	s18 =	sld [smem:$0x3FD0];
	(tm) =	ssettm $0x1  }
0x92: {  	s4 =	sld [smem:$0x3FFB];
	_ =	sdelay $0x3  }
0x93: {  	_ =	strace s4  }
0x94: {  	s4 =	sld [smem:$0x3FFC];
	_ =	sdelay $0x3  }
0x95: {  	_ =	strace s4  }
0x96: {  	s4 =	sld [smem:$0x3FFD];
	_ =	sdelay $0x3  }
0x97: {  	_ =	strace s4  }
0x98: {  	_ =	strace $0x8FFFFFFF  }
0x99: {  	s19 =	sld [smem:$0x3FDB];
	_ =	sdelay $0x1  }
0x9a: {  	s5 =	simm.s32 $_scs_section_size  }
0x9b: {  	s6 =	simm.s32 $_size__tile_overlayer_lowered;
	s7 =	simm.s32 $_tile_overlayer_lowered  }
0x9c: {  	s22 =	simm.s32 $0x1BFF;
	s21 =	sshll.u32 s7, $0x1;
	s4 =	sadd.s32 s5, s19  }
0x9d: {  	s8 =	simm.s32 $0x0;
	s20 =	sshll.u32 s6, $0x1;
	s6 =	sadd.s32 s21, s4  }
0x9e: {  	[timem:s8], [sflag:s22] =	dma.local [hbm:s6], s20  }
0x9f: {  	_ =	swait.ge [sflag:s22], s20  }
0xa0: {  	s5 =	ssub.s32 $0x0, s20;
	[sflag:s22] =	ssyncset.done $0x0  }
0xa1: {  	[sflag:s22] =	ssyncadd.s32 s5;
	_ =	sdelay $0x1  }
0xa2: {  	s23 =	simm.s32 $0x1B8B  }
0xa3: {  	_ =	swait.ge [sflag:s23], $0x1  }
0xa4: {  	[sflag:s23] =	ssyncset.done $0x0  }
0xa5: {  	s25 =	simm.s32 $0x1B8E;
	s24 =	sld [smem:$0x3FFE];
	[sflag:s23] =	ssyncadd.s32 $0xFFFFFFFF  }
0xa6: {  	s26 =	simm.s32 $execute0_lowered;
	[smem:$0x3FD2] =	sst s25  }
0xa7: {  	s6 =	sshll.u32 s26, $0x1;
	_ =	strace $0x80000046;
	[dreg:$0x1] =	wrdreg $0xFFFFFFFF  }
0xa8: {  	s28 =	simm.s32 $_size_execute0_lowered;
	s4 =	sadd.s32 s4, s6;
	[dreg:$0x0] =	wrdreg $0x0  }
0xa9: {  	s6 =	sshll.u32 s28, $0x1;
	[dreg:$0x2] =	wrdreg s4  }
0xaa: {  	[dreg:$0x3] =	wrdreg s6  }
0xab: {  	[dreg:$0x4] =	wrdreg $0xC0  }
0xac: {  	_ =	task [dreg:s8], $0x5FFFF  }
0xad: {  	[dreg:$0x1] =	wrdreg $0xFFFFFFFF  }
0xae: {  	[dreg:$0x0] =	wrdreg $0x60  }
0xaf: {  	[dreg:$0x2] =	wrdreg s2  }
0xb0: {  	[dreg:$0x3] =	wrdreg s24  }
0xb1: {  	[dreg:$0x4] =	wrdreg s18  }
0xb2: {  	[dreg:$0x5] =	wrdreg $0xB4000  }
0xb3: {  	[dreg:$0x6] =	wrdreg $0x9  }
0xb4: {  	_ =	task.clear_ibuf [dreg:s8], $0x7FFFF;
	_ =	strace $0x90000046  }
0xb5: {  	s29 =	simm.s32 $0x9;
	_ =	strace $0x80000048  }
0xb6: {  	_ =	swait.ge [sflag:s29], $0x1  }
0xb7: {  	[sflag:s29] =	ssyncadd.s32 $0xFFFFFFFF  }
0xb8: {  	_ =	strace $0x90000048  }
0xb9: {  	_ =	sfence  }
0xba: {  	s30 =	sld [smem:$0x0];
	_ =	sdelay $0x2  }
0xbb: {  	s31 =	sshll.u32 s1, $0xD;
	s1 =	sshrl.u32 s1, $0x2  }
0xbc: {  	s3 =	sand.u32 $0x4000, s31;
	s1 =	sadd.s32 s1, s30  }
0xbd: {  	s0 =	sor.u32 s3, s0;
	s1 =	sshll.u32 s1, $0x11  }
0xbe: {  	s0 =	sor.u32 s1, s0  }
0xbf: {  	s0 =	sadd.s32 $0x8F2B, s0  }
0xc0: {  	[sflag:s0] =	ssyncadd.remote.s32 $0x1  }
0xc1: {  	_ =	sfence.sel $0xFFFF  }
0xc2: {  	[dreg:$0x0] =	wrdreg $0xFFFFFFFF;
	(pc) =	sbr.abs _section_cstart, $3  }
0xc3: {  	[dreg:$0x1] =	wrdreg $0xFFFFFFFF  }
0xc4: {  	_ =	task.clear_ibuf [dreg:s8], $0x2FFFF;
	_ =	strace $0x9FFFFFFF  }
0xc5: {  	(tm) =	ssettm $0x7FFFFFFF  }
tec
execute0_lowered:
.L_overlay_start_1:
0x0: {  	(tag) =	ssettag $0x1  }
0x1: {  	s12 =	rddreg [dreg:$0x0]  }
0x2: {  	s0 =	rddreg [dreg:$0x1]  }
0x3: {  	s13 =	rddreg [dreg:$0x2]  }
0x4: {  	s4 =	rddreg [dreg:$0x3];
	s1 =	srdreg.scid;
	s5 =	simm.s32 $0x0  }
0x5: {  	s16 =	stileid.u32;
	s7 =	simm.s32 $0x1;
	s10 =	simm.s32 $0x1  }
0x6: {  	s18 =	simm.s32 $0x5;
	s1 =	sand.u32 $0x1, s1;
	[smem:$0x7FF] =	sst s5  }
0x7: {  	s2 =	sshll.u32 s16, $0x10;
	s8 =	sand.u32 $0x3, s16;
	s14 =	smov.u32 s12  }
0x8: {  	s15 =	smov.u32 s13;
	s30 =	sshll.u32 s16, $0x6;
	s3 =	sshll.u32 s1, $0x4  }
0x9: {  	s6 =	sshll.u32 s1, $0x14;
	p1 =	sne.s32 s8, $0x0;
	_ =	strace $0x80000047  }
0xa: {  	s1 =	ssub.s32 $0x2, s1;
	s22 =	sshll.u32 s8, $0x12;
	s11 =	sadd.s32 s2, s4  }
0xb: {  	s3 =	sor.u32 s16, s3;
	s6 =	sor.u32 s2, s6;
	s21 =	sshrl.u32 s1, $0x1  }
0xc: {  	s2 =	sand.u32 $0xC0000, s2;
	s31 =	sshrl.u32 s11, $0x3;
	p0 =	seq.s32 s3, $0x0  }
0xd: {  	s16 =	simm.s32 $0x2;
	s6 =	sshrl.u32 s6, $0x3;
	p0 =	por !p1, !p0  }
0xe: {  	s9 =	sshrl.u32 s3, $0x2;
	[dreg:$0xf] =	wrdreg s31;
	p0 =	por !p0, !p0  }
0xf: {  	s6 =	sadd.s32 s6, s0;
	s0 =	sadd.s32 $0x40400, s0;
	s7 =	simm.s32 @!p0 $0x0  }
0x10: {  	s24 =	sshll.u32 s3, $0xD;
	[dreg:$0x5] =	wrdreg s0;
	s7 =	ssub.s32 s9, s7  }
0x11: {  	s0 =	ssub.s32 s1, s21;
	s6 =	sadd.s32 $0x400, s6;
	s7 =	sshll.u32 s7, $0x14  }
0x12: {  	[dreg:$0x6] =	wrdreg s6;
	s0 =	smax.u32 s0, $0x1;
	s1 =	sor.u32 s22, s7  }
0x13: {  	[dreg:$0xd] =	wrdreg s0;
	s0 =	sor.u32 $0x1C07, s30;
	s1 =	sshrl.u32 s1, $0x3  }
0x14: {  	v0 =	vmov s2;
	s2 =	simm.s32 $0x0;
	[dreg:$0xe] =	wrdreg s0;
	s23 =	sadd.s32 s12, s1  }
0x15: {  	s12 =	sshll.u32 s8, $0x7;
	[dreg:$0x7] =	wrdreg s23;
	s25 =	sadd.s32 $0x400, s23  }
0x16: {  	s9 =	sshll.u32 s3, $0x10;
	s26 =	sor.u32 $0x8, s12;
	[dreg:$0x8] =	wrdreg s25  }
0x17: {  	s1 =	sadd.s32 s24, s13;
	s28 =	sor.u32 $0xC, s12;
	[dreg:$0x9] =	wrdreg s26  }
0x18: {  	s0 =	simm.s32 $0x4;
	s29 =	sadd.s32 $0x1E00, s1;
	[dreg:$0xa] =	wrdreg s28  }
0x19: {  	s22 =	simm.s32 $0xB200;
	s1 =	sadd.s32 $0x1F00, s1;
	[dreg:$0xb] =	wrdreg s29  }
0x1a: {  	v1 =	vimm.s32 $0x0;
	s19 =	sor.u32 $0x7C, s12;
	[dreg:$0xc] =	wrdreg s1;
	s25 =	simm.s32 $0x800  }
.LBB2_1:
0x1b: {  	[dreg:$0x10] =	wrdreg s2  }
0x1c: {  	s1 =	rddreg [dreg:$0x5];
	s26 =	simm.s32 $0xB000;
	s29 =	simm.s32 $0x7  }
0x1d: {  	[tilespmem:s26], [sflag:$0x7] =	stream.linear.gather [hbm4b:s1+s5], $0x200, $0x38;
	[tilespmem:$0x1B400] =	vst v63  }
0x1e: {  	_ =	swait.ge [sflag:s29], $0x200  }
0x1f: {  	[sflag:s29] =	ssyncset.done $0x0  }
0x20: {  	[sflag:s29] =	ssyncadd.s32 $0xFFFFFE00  }
0x21: {  	[tilespmem:s22], [sflag:$0x7] =	stream.linear.gather [hbm4b:s1+s5], $0x200, $0x38;
	[tilespmem:$0x1B400] =	vst v63  }
0x22: {  	_ =	swait.ge [sflag:s29], $0x200  }
0x23: {  	s30 =	rddreg [dreg:$0x6]  }
0x24: {  	[sflag:s29] =	ssyncset.done $0x0;
	s3 =	rddreg [dreg:$0xe]  }
0x25: {  	s6 =	rddreg [dreg:$0xf];
	[sflag:s29] =	ssyncadd.s32 $0xFFFFFE00  }
0x26: {  	[spmem:s6], [sflag:s3] =	dma.local [hbm:s30], $0x2000  }
0x27: {  	_ =	swait.ge [sflag:s29], $0x2000  }
0x28: {  	[sflag:s29] =	ssyncset.done $0x0  }
0x29: {  	[sflag:s29] =	ssyncadd.s32 $0xFFFFE000  }
0x2a: {  	[bflag:$0x0] =	sbarrier.arrive $0xFFFF  }
0x2b: {  	s31 =	rddreg [dreg:$0x7]  }
0x2c: {  	[tilespmem:s5], [sflag:$0x1] =	stream.linear.gather [hbm4b:s31+s5], $0x2000, $0x38;
	[tilespmem:$0x1B400] =	vst v63  }
0x2d: {  	s11 =	simm.s32 $0x2840;
	s21 =	simm.s32 $0x2040;
	_ =	swait.ge [sflag:s10], $0x2000  }
0x2e: {  	s24 =	simm.s32 $0x4040;
	s28 =	simm.s32 $0x0;
	[sflag:s10] =	ssyncset.done $0x0  }
0x2f: {  	s26 =	simm.s32 $0x4840;
	s6 =	simm.s32 $0xC0;
	[sflag:s10] =	ssyncadd.s32 $0xFFFFE000  }
.LBB2_2:
0x30: {  	s1 =	sor.u32 s12, s28  }
0x31: {  	v2 =	vmov s1;
	_ =	sdelay $0x2  }
0x32: {  	s3 =	simm.s32 $0xFFFFFFF8  }
0x33: {  	s20 =	simm.s32 $0xB040;
	s8 =	smov.u32 s26;
	s13 =	smov.u32 s24  }
0x34: {  	s17 =	smov.u32 s21;
	s23 =	smov.u32 s11;
	s1 =	smov.u32 s6;
	v2 =	vld.idx.msk [tilespmem:v2+s22+$0x0], $0xffff  }
.LBB2_3:
0x35: {  	v3 =	vld [tilespmem:s1+$0xFFFFFFC0]  }
0x36: {  	v4 =	vld [tilespmem:s1+$0xFFFFFF40]  }
0x37: {  	v5 =	vld [tilespmem:s20+$0xFFFFFFC0];
	_ =	sdelay $0x3  }
0x38: {  	v3 =	vadd.f32 v3, v2  }
0x39: {  	v4 =	vadd.f32 v5, v4  }
0x3a: {  	v3 =	vadd.f32 $1.000000000e+00, v3  }
0x3b: {  	v6 =	vld [tilespmem:s1+$0xFFFFFFD0];
	v4 =	vadd.f32 $1.000000000e+00, v4  }
0x3c: {  	v19 =	vld [tilespmem:s1+$0x0];
	v3 =	vmul.f32 $5.110000000e+02, v3  }
0x3d: {  	v61 =	vld [tilespmem:s1+$0xFFFFFF80];
	v4 =	vmul.f32 $5.110000000e+02, v4  }
0x3e: {  	v63 =	vld [tilespmem:s20+$0x0];
	v3 =	vmul.f32 $5.000000000e-01, v3  }
0x3f: {  	v8 =	vld [tilespmem:s1+$0xFFFFFF50];
	v4 =	vmul.f32 $5.000000000e-01, v4  }
0x40: {  	v29 =	vld [tilespmem:s20+$0xFFFFFFD0];
	v6 =	vadd.f32 v6, v2;
	v28 =	vmax.f32 v3, $-1.000000000e+00  }
0x41: {  	v19 =	vadd.f32 v19, v2;
	v4 =	vmax.f32 v4, $-1.000000000e+00;
	v5 =	vmin.f32 v28, $5.120000000e+02  }
0x42: {  	v31 =	vadd.f32 $1.000000000e+00, v6;
	v4 =	vmin.f32 v4, $5.120000000e+02;
	v7 =	vtrunc.f32 v5  }
0x43: {  	v39 =	vld [tilespmem:s1+$0xFFFFFFE0];
	v28 =	vadd.f32 v63, v61;
	v30 =	vtrunc.f32 v4;
	v9 =	vcvt.f32.s32 v7  }
0x44: {  	vm0 =	vlt.f32 v5, v7;
	v10 =	vcvt.f32.s32 v30;
	vm14 =	vlt.f32 v4, v30  }
0x45: {  	v5 =	vadd.f32 v29, v8;
	v4 =	vmul.f32 $5.110000000e+02, v31;
	v7 =	vsel vm0, $0xFFFFFFFF, v1  }
0x46: {  	v30 =	vadd.f32 $1.000000000e+00, v19;
	v32 =	vsel vm14, $0xFFFFFFFF, v1;
	v7 =	vadd.s32 v9, v7  }
0x47: {  	v5 =	vadd.f32 $1.000000000e+00, v5;
	v6 =	vadd.s32 v32, v10;
	v35 =	vmul.f32 $5.000000000e-01, v4  }
0x48: {  	v9 =	vadd.f32 v39, v2;
	v31 =	vmul.f32 $5.110000000e+02, v30;
	vm13 =	vgt.s32 v7, $0x0  }
0x49: {  	v6 =	vadd.s32 $0x1, v6;
	v11 =	vnsel vm13, $0x0, v7;
	v7 =	vadd.s32 $0x1, v7  }
0x4a: {  	v36 =	vmul.f32 $5.110000000e+02, v5;
	vm4 =	vgt.s32 v6, $0x0;
	v38 =	vmax.f32 v35, $-1.000000000e+00  }
0x4b: {  	v9 =	vadd.f32 $1.000000000e+00, v9;
	v33 =	vmin.u32 v11, $0x1FF;
	vm15 =	vgt.s32 v7, $0x0  }
0x4c: {  	v12 =	vld [tilespmem:s1+$0xFFFFFF60];
	v6 =	vnsel vm4, $0x0, v6;
	v7 =	vnsel vm15, $0x0, v7;
	v34 =	vcvt.s32.f32 v33  }
0x4d: {  	v41 =	vld [tilespmem:s20+$0xFFFFFFE0];
	v4 =	vmul.f32 $5.000000000e-01, v36;
	v6 =	vmin.u32 v6, $0x1FF;
	v42 =	vshll.u32 v33, $0x9  }
0x4e: {  	v9 =	vmul.f32 $5.110000000e+02, v9;
	v37 =	vmin.u32 v7, $0x1FF;
	v7 =	vmin.f32 v38, $5.120000000e+02  }
0x4f: {  	v6 =	vor.u32 v0, v6;
	v3 =	vsub.f32 v34, v3;
	v4 =	vmax.f32 v4, $-1.000000000e+00  }
0x50: {  	v40 =	vtrunc.f32 v7;
	v5 =	vshll.u32 v37, $0x9;
	v9 =	vmul.f32 $5.000000000e-01, v9  }
0x51: {  	v13 =	vmin.f32 v4, $5.120000000e+02;
	v14 =	vcvt.f32.s32 v40;
	vm5 =	vlt.f32 v7, v40  }
0x52: {  	v50 =	vld [tilespmem:s1+$0xFFFFFFF0];
	v4 =	vor.u32 v42, v6;
	v7 =	vadd.f32 v41, v12;
	v3 =	vadd.f32 $1.000000000e+00, v3  }
0x53: {  	v15 =	vld [tilespmem:s1+$0xFFFFFF70];
	v43 =	vtrunc.f32 v13;
	v11 =	vsel vm5, $0xFFFFFFFF, v1;
	v49 =	vmax.f32 v9, $-1.000000000e+00  }
0x54: {  	v54 =	vld [tilespmem:s20+$0xFFFFFFF0];
	v11 =	vadd.s32 v14, v11;
	vm6 =	vlt.f32 v13, v43;
	v8 =	vcvt.f32.s32 v43  }
0x55: {  	v7 =	vadd.f32 $1.000000000e+00, v7;
	v10 =	vmin.f32 v49, $5.120000000e+02;
	vm7 =	vgt.s32 v11, $0x0  }
0x56: {  	v13 =	vsel vm6, $0xFFFFFFFF, v1;
	v53 =	vtrunc.f32 v10;
	v14 =	vnsel vm7, $0x0, v11  }
0x57: {  	v11 =	vadd.s32 $0x1, v11;
	v8 =	vadd.s32 v13, v8;
	v46 =	vmul.f32 $5.110000000e+02, v7  }
0x58: {  	v7 =	vor.u32 v5, v6;
	v16 =	vcvt.f32.s32 v53;
	vm10 =	vlt.f32 v10, v53  }
0x59: {  	v13 =	vadd.f32 v50, v2;
	v10 =	vadd.f32 v54, v15;
	v44 =	vmin.u32 v14, $0x1FF  }
0x5a: {  	vm8 =	vgt.s32 v11, $0x0;
	v8 =	vadd.s32 $0x1, v8;
	v17 =	vsel vm10, $0xFFFFFFFF, v1  }
0x5b: {  	v11 =	vnsel vm8, $0x0, v11;
	vm9 =	vgt.s32 v8, $0x0;
	v45 =	vcvt.s32.f32 v44  }
0x5c: {  	v48 =	vmul.f32 $5.000000000e-01, v46;
	v52 =	vshll.u32 v44, $0x9;
	v16 =	vadd.s32 v16, v17  }
0x5d: {  	v13 =	vadd.f32 $1.000000000e+00, v13;
	v10 =	vadd.f32 $1.000000000e+00, v10;
	v8 =	vnsel vm9, $0x0, v8  }
0x5e: {  	v11 =	vmin.u32 v11, $0x1FF;
	vm12 =	vgt.s32 v16, $0x0;
	v58 =	vadd.s32 $0x1, v16  }
0x5f: {  	v47 =	vmin.u32 v8, $0x1FF;
	v5 =	vsub.f32 v45, v35;
	v8 =	vmax.f32 v48, $-1.000000000e+00  }
0x60: {  	v11 =	vshll.u32 v11, $0x9;
	v57 =	vnsel vm12, $0x0, v16;
	vm13 =	vgt.s32 v58, $0x0  }
0x61: {  	v13 =	vmul.f32 $5.110000000e+02, v13;
	v10 =	vmul.f32 $5.110000000e+02, v10;
	v51 =	vor.u32 v0, v47  }
0x62: {  	v8 =	vmin.f32 v8, $5.120000000e+02;
	v14 =	vnsel vm13, $0x0, v58;
	v6 =	vor.u32 v52, v51  }
0x63: {  	v55 =	vtrunc.f32 v8;
	v13 =	vmul.f32 $5.000000000e-01, v13;
	v14 =	vmin.u32 v14, $0x1FF  }
0x64: {  	v10 =	vmul.f32 $5.000000000e-01, v10;
	v5 =	vadd.f32 $1.000000000e+00, v5;
	vm11 =	vlt.f32 v8, v55  }
0x65: {  	v12 =	vcvt.f32.s32 v55;
	v8 =	vor.u32 v11, v51;
	v11 =	vmin.u32 v57, $0x1FF  }
0x66: {  	v14 =	vshll.u32 v14, $0x9;
	v56 =	vsel vm11, $0xFFFFFFFF, v1;
	v59 =	vcvt.s32.f32 v11  }
0x67: {  	v60 =	vmax.f32 v13, $-1.000000000e+00;
	v18 =	vshll.u32 v11, $0x9;
	v10 =	vmax.f32 v10, $-1.000000000e+00  }
0x68: {  	v12 =	vadd.s32 v56, v12;
	v16 =	vmin.f32 v60, $5.120000000e+02;
	v24 =	vmin.f32 v10, $5.120000000e+02  }
0x69: {  	v12 =	vadd.s32 $0x1, v12;
	v11 =	vsub.f32 v59, v9;
	v62 =	vtrunc.f32 v16  }
0x6a: {  	v21 =	vld [tilespmem:s1+$0xFFFFFF90];
	v25 =	vtrunc.f32 v24;
	vm14 =	vgt.s32 v12, $0x0;
	v20 =	vcvt.f32.s32 v62  }
0x6b: {  	v39 =	vld [tilespmem:s20+$0x10];
	vm15 =	vlt.f32 v16, v62;
	v27 =	vcvt.f32.s32 v25;
	vm5 =	vlt.f32 v24, v25  }
0x6c: {  	v36 =	vld [tilespmem:s1+$0x10];
	v12 =	vnsel vm14, $0x0, v12;
	v16 =	vsel vm15, $0xFFFFFFFF, v1;
	v15 =	vsel vm5, $0xFFFFFFFF, v1  }
0x6d: {  	v46 =	vld [tilespmem:s1+$0xFFFFFFA0];
	v12 =	vmin.u32 v12, $0x1FF;
	v26 =	vadd.s32 v20, v16;
	v15 =	vadd.s32 v15, v27  }
0x6e: {  	v24 =	vld [tilespmem:s20+$0x20];
	v16 =	vmul.f32 $5.000000000e-01, v31;
	v12 =	vor.u32 v0, v12;
	vm4 =	vgt.s32 v26, $0x0  }
0x6f: {  	v15 =	vadd.s32 $0x1, v15;
	v9 =	vor.u32 v18, v12;
	v10 =	vor.u32 v14, v12  }
0x70: {  	v20 =	vnsel vm4, $0x0, v26;
	v14 =	vadd.s32 $0x1, v26;
	v12 =	vadd.f32 $1.000000000e+00, v28  }
0x71: {  	vm7 =	vgt.s32 v15, $0x0;
	v34 =	vmax.f32 v16, $-1.000000000e+00;
	v18 =	vadd.f32 v39, v21  }
0x72: {  	v29 =	vmin.u32 v20, $0x1FF;
	vm6 =	vgt.s32 v14, $0x0;
	v15 =	vnsel vm7, $0x0, v15  }
0x73: {  	v35 =	vmin.f32 v34, $5.120000000e+02;
	v20 =	vadd.f32 v36, v2;
	v21 =	vadd.f32 v24, v46  }
0x74: {  	v34 =	vadd.f32 $1.000000000e+00, v11;
	v14 =	vnsel vm6, $0x0, v14;
	v12 =	vmul.f32 $5.110000000e+02, v12  }
0x75: {  	v32 =	vcvt.s32.f32 v29;
	v15 =	vmin.u32 v15, $0x1FF;
	v17 =	vshll.u32 v29, $0x9  }
0x76: {  	v38 =	vtrunc.f32 v35;
	v18 =	vadd.f32 $1.000000000e+00, v18;
	v14 =	vmin.u32 v14, $0x1FF  }
0x77: {  	v15 =	vor.u32 v0, v15;
	v22 =	vcvt.f32.s32 v38;
	vm8 =	vlt.f32 v35, v38  }
0x78: {  	v44 =	vadd.f32 $1.000000000e+00, v20;
	v21 =	vadd.f32 $1.000000000e+00, v21;
	v33 =	vmul.f32 $5.000000000e-01, v12  }
0x79: {  	v48 =	vld [tilespmem:s1+$0x20];
	v12 =	vsub.f32 v32, v13;
	v13 =	vor.u32 v17, v15;
	v18 =	vmul.f32 $5.110000000e+02, v18  }
0x7a: {  	v62 =	vld [tilespmem:s1+$0xFFFFFFB0];
	v14 =	vshll.u32 v14, $0x9;
	v21 =	vmul.f32 $5.110000000e+02, v21;
	v19 =	vmax.f32 v33, $-1.000000000e+00  }
0x7b: {  	v32 =	vld [tilespmem:s20+$0x30];
	v14 =	vor.u32 v14, v15;
	v18 =	vmul.f32 $5.000000000e-01, v18;
	v37 =	vmin.f32 v19, $5.120000000e+02  }
0x7c: {  	v19 =	vsel vm8, $0xFFFFFFFF, v1;
	v21 =	vmul.f32 $5.000000000e-01, v21;
	v23 =	vtrunc.f32 v37  }
0x7d: {  	v19 =	vadd.s32 v22, v19;
	v18 =	vmax.f32 v18, $-1.000000000e+00;
	vm9 =	vlt.f32 v37, v23  }
0x7e: {  	v40 =	vcvt.f32.s32 v23;
	vm10 =	vgt.s32 v19, $0x0;
	v42 =	vadd.s32 $0x1, v19  }
0x7f: {  	v23 =	vadd.f32 v48, v2;
	v18 =	vmin.f32 v18, $5.120000000e+02;
	v21 =	vmax.f32 v21, $-1.000000000e+00  }
0x80: {  	v38 =	vadd.f32 v32, v62;
	v41 =	vsel vm9, $0xFFFFFFFF, v1;
	v43 =	vnsel vm10, $0x0, v19  }
0x81: {  	vm11 =	vgt.s32 v42, $0x0;
	v19 =	vmul.f32 $5.110000000e+02, v44;
	v51 =	vtrunc.f32 v18  }
0x82: {  	v21 =	vmin.f32 v21, $5.120000000e+02;
	v17 =	vadd.s32 v41, v40;
	v15 =	vmin.u32 v43, $0x1FF  }
0x83: {  	v45 =	vnsel vm11, $0x0, v42;
	v52 =	vadd.f32 $1.000000000e+00, v23;
	v53 =	vcvt.f32.s32 v51  }
0x84: {  	vm14 =	vlt.f32 v18, v51;
	v61 =	vtrunc.f32 v21;
	v44 =	vadd.f32 $1.000000000e+00, v38  }
0x85: {  	v17 =	vadd.s32 $0x1, v17;
	v20 =	vmin.u32 v45, $0x1FF;
	v47 =	vcvt.s32.f32 v15  }
0x86: {  	v19 =	vmul.f32 $5.000000000e-01, v19;
	v15 =	vshll.u32 v15, $0x9;
	v56 =	vsel vm14, $0xFFFFFFFF, v1  }
0x87: {  	v59 =	vld [tilespmem:s1+$0x40];
	[tilespmem:s17+$0xFFFFFFC0] =	vst v4;
	vm6 =	vlt.f32 v21, v61;
	v30 =	vcvt.f32.s32 v61;
	v45 =	vadd.f32 $1.000000000e+00, v12  }
0x88: {  	[tilespmem:s23+$0xFFFFFFC0] =	vst v7;
	vm12 =	vgt.s32 v17, $0x0;
	v20 =	vshll.u32 v20, $0x9;
	v55 =	vmul.f32 $5.110000000e+02, v52  }
0x89: {  	[tilespmem:s13+$0xFFFFFFC0] =	vst v3;
	v3 =	vsel vm6, $0xFFFFFFFF, v1;
	v17 =	vnsel vm12, $0x0, v17;
	v16 =	vsub.f32 v47, v16  }
0x8a: {  	v49 =	vmax.f32 v19, $-1.000000000e+00;
	v3 =	vadd.s32 v3, v30;
	v17 =	vmin.u32 v17, $0x1FF  }
0x8b: {  	v50 =	vmin.f32 v49, $5.120000000e+02;
	v18 =	vmul.f32 $5.000000000e-01, v55;
	v3 =	vadd.s32 $0x1, v3  }
0x8c: {  	v17 =	vor.u32 v0, v17;
	v22 =	vtrunc.f32 v50;
	vm10 =	vgt.s32 v3, $0x0  }
0x8d: {  	v46 =	vadd.f32 $1.000000000e+00, v16;
	v15 =	vor.u32 v15, v17;
	v17 =	vor.u32 v20, v17  }
0x8e: {  	v31 =	vld [tilespmem:s1+$0x30];
	v25 =	vcvt.f32.s32 v22;
	vm13 =	vlt.f32 v50, v22;
	v20 =	vadd.s32 v56, v53  }
0x8f: {  	v58 =	vmax.f32 v18, $-1.000000000e+00;
	v3 =	vnsel vm10, $0x0, v3;
	v54 =	vsel vm13, $0xFFFFFFFF, v1  }
0x90: {  	v20 =	vadd.s32 $0x1, v20;
	v22 =	vmin.f32 v58, $5.120000000e+02;
	v3 =	vmin.u32 v3, $0x1FF  }
0x91: {  	v26 =	vld [tilespmem:s1+$0x50];
	v23 =	vadd.s32 v25, v54;
	v28 =	vtrunc.f32 v22;
	vm7 =	vgt.s32 v20, $0x0  }
0x92: {  	[tilespmem:s8+$0xFFFFFFC0] =	vst v59;
	v3 =	vor.u32 v0, v3;
	vm15 =	vgt.s32 v23, $0x0;
	v60 =	vcvt.f32.s32 v28  }
0x93: {  	[tilespmem:s17+$0xFFFFFFD0] =	vst v6;
	vm5 =	vlt.f32 v22, v28;
	v33 =	vnsel vm7, $0x0, v20;
	v22 =	vadd.f32 v31, v2  }
0x94: {  	[tilespmem:s23+$0xFFFFFFD0] =	vst v8;
	v57 =	vnsel vm15, $0x0, v23;
	v23 =	vadd.s32 $0x1, v23;
	v63 =	vsel vm5, $0xFFFFFFFF, v1  }
0x95: {  	[tilespmem:s13+$0xFFFFFFD0] =	vst v5;
	v7 =	vmin.u32 v33, $0x1FF;
	v24 =	vmin.u32 v57, $0x1FF;
	vm4 =	vgt.s32 v23, $0x0  }
0x96: {  	[tilespmem:s8+$0xFFFFFFD0] =	vst v26;
	v4 =	vadd.s32 v60, v63;
	v7 =	vor.u32 v0, v7;
	v41 =	vadd.f32 $1.000000000e+00, v22  }
0x97: {  	v37 =	vld [tilespmem:s1+$0x60];
	[tilespmem:s17+$0xFFFFFFE0] =	vst v9;
	v23 =	vnsel vm4, $0x0, v23;
	v27 =	vcvt.s32.f32 v24;
	v36 =	vshll.u32 v24, $0x9  }
0x98: {  	[tilespmem:s23+$0xFFFFFFE0] =	vst v10;
	vm8 =	vgt.s32 v4, $0x0;
	v39 =	vadd.s32 $0x1, v4;
	v35 =	vmin.u32 v23, $0x1FF  }
0x99: {  	[tilespmem:s13+$0xFFFFFFE0] =	vst v34;
	v43 =	vld [tilespmem:s1+$0x70];
	v11 =	vor.u32 v36, v7;
	v4 =	vnsel vm8, $0x0, v4;
	vm9 =	vgt.s32 v39, $0x0  }
0x9a: {  	[tilespmem:s17+$0xFFFFFFF0] =	vst v13;
	v10 =	vmul.f32 $5.110000000e+02, v41;
	v19 =	vsub.f32 v27, v19;
	v8 =	vshll.u32 v35, $0x9  }
0x9b: {  	[tilespmem:s23+$0xFFFFFFF0] =	vst v14;
	v40 =	vnsel vm9, $0x0, v39;
	v42 =	vor.u32 v8, v7;
	v8 =	vmul.f32 $5.110000000e+02, v44  }
0x9c: {  	[tilespmem:s8+$0xFFFFFFE0] =	vst v37;
	v4 =	vmin.u32 v4, $0x1FF;
	v9 =	vmin.u32 v40, $0x1FF;
	v10 =	vmul.f32 $5.000000000e-01, v10  }
0x9d: {  	v48 =	vld [tilespmem:s1+$0x80];
	[tilespmem:s13+$0xFFFFFFF0] =	vst v45;
	v47 =	vcvt.s32.f32 v4;
	v4 =	vshll.u32 v4, $0x9;
	v8 =	vmul.f32 $5.000000000e-01, v8  }
0x9e: {  	[tilespmem:s8+$0xFFFFFFF0] =	vst v43;
	v4 =	vor.u32 v4, v3;
	v9 =	vshll.u32 v9, $0x9;
	v50 =	vmax.f32 v10, $-1.000000000e+00  }
0x9f: {  	[tilespmem:s17+$0x0] =	vst v15;
	v49 =	vsub.f32 v47, v18;
	v13 =	vmin.f32 v50, $5.120000000e+02;
	v8 =	vmax.f32 v8, $-1.000000000e+00  }
0xa0: {  	[tilespmem:s23+$0x0] =	vst v17;
	v3 =	vor.u32 v9, v3;
	v51 =	vtrunc.f32 v13;
	v8 =	vmin.f32 v8, $5.120000000e+02  }
0xa1: {  	[tilespmem:s13+$0x0] =	vst v46;
	vm11 =	vlt.f32 v13, v51;
	v9 =	vcvt.f32.s32 v51;
	v53 =	vtrunc.f32 v8  }
0xa2: {  	[tilespmem:s8+$0x0] =	vst v48;
	v54 =	vsel vm11, $0xFFFFFFFF, v1;
	vm12 =	vlt.f32 v8, v53;
	v55 =	vcvt.f32.s32 v53  }
0xa3: {  	v52 =	vld [tilespmem:s1+$0x90];
	[tilespmem:s17+$0x10] =	vst v11;
	v56 =	vadd.f32 $1.000000000e+00, v19;
	v5 =	vadd.s32 v9, v54;
	v57 =	vsel vm12, $0xFFFFFFFF, v1  }
0xa4: {  	[tilespmem:s23+$0x10] =	vst v42;
	v61 =	vadd.f32 $1.000000000e+00, v49;
	vm13 =	vgt.s32 v5, $0x0;
	v58 =	vadd.s32 v57, v55  }
0xa5: {  	v60 =	vld [tilespmem:s1+$0xA0];
	[tilespmem:s17+$0x20] =	vst v4;
	v59 =	vadd.s32 $0x1, v5;
	v5 =	vnsel vm13, $0x0, v5;
	v6 =	vadd.s32 $0x1, v58  }
0xa6: {  	[tilespmem:s13+$0x10] =	vst v56;
	vm14 =	vgt.s32 v59, $0x0;
	v5 =	vmin.u32 v5, $0x1FF;
	vm15 =	vgt.s32 v6, $0x0  }
0xa7: {  	[tilespmem:s23+$0x20] =	vst v3;
	v8 =	vnsel vm14, $0x0, v59;
	v62 =	vcvt.s32.f32 v5;
	v6 =	vnsel vm15, $0x0, v6  }
0xa8: {  	s3 =	sadd.s32 $0x8, s3;
	[tilespmem:s8+$0x10] =	vst v52;
	v3 =	vmin.u32 v8, $0x1FF;
	v6 =	vmin.u32 v6, $0x1FF  }
0xa9: {  	p0 =	slt.u32 s3, $0x18;
	v63 =	vld [tilespmem:s1+$0xB0];
	[tilespmem:s13+$0x20] =	vst v61;
	v5 =	vshll.u32 v5, $0x9;
	v7 =	vsub.f32 v62, v10;
	v6 =	vor.u32 v0, v6  }
.Ltmp0:
0xaa: {  	[tilespmem:s8+$0x20] =	vst v60;
	v3 =	vshll.u32 v3, $0x9;
	v5 =	vor.u32 v5, v6;
	(pc) =	sbr.rel @p0 .LBB2_3-.Ltmp0, $4  }
0xab: {  	v7 =	vadd.f32 $1.000000000e+00, v7;
	v3 =	vor.u32 v3, v6;
	[tilespmem:s17+$0x30] =	vst v5  }
0xac: {  	[tilespmem:s23+$0x30] =	vst v3  }
0xad: {  	s20 =	sadd.s32 $0x80, s20;
	s1 =	sadd.s32 $0x200, s1;
	s17 =	sadd.s32 $0x80, s17;
	[tilespmem:s13+$0x30] =	vst v7  }
0xae: {  	s23 =	sadd.s32 $0x80, s23;
	s13 =	sadd.s32 $0x80, s13;
	[tilespmem:s8+$0x30] =	vst v63;
	s8 =	sadd.s32 $0x80, s8  }
0xaf: {  	s28 =	sadd.s32 $0x1, s28  }
0xb0: {  	p0 =	sne.s32 s28, $0x4  }
.Ltmp1:
0xb1: {  	_ = 	snop;
	(pc) =	sbr.rel @p0 .LBB2_2-.Ltmp1, $3  }
0xb2: {  	_ =	sdelay $0x1  }
0xb3: {  	s6 =	sadd.s32 $0x800, s6;
	s11 =	sadd.s32 $0x200, s11  }
0xb4: {  	s21 =	sadd.s32 $0x200, s21;
	s24 =	sadd.s32 $0x200, s24;
	s26 =	sadd.s32 $0x200, s26  }
0xb5: {  	s1 =	simm.s32 $0x2000;
	s2 =	simm.s32 $0x3000  }
0xb6: {  	[tilespmem:s2], [sflag:$0x2] =	stream.indirect.gather [spmem:s4], $0x1, s1, s25, $0xb8;
	[tilespmem:$0x1B400] =	vst v63  }
0xb7: {  	s28 =	simm.s32 $0x2800;
	s29 =	simm.s32 $0x3800  }
0xb8: {  	[tilespmem:s29], [sflag:$0x2] =	stream.indirect.gather [spmem:s4], $0x1, s28, s25, $0xb8;
	[tilespmem:$0x1B400] =	vst v63  }
0xb9: {  	s24 =	simm.s32 $0x0;
	s30 =	rddreg [dreg:$0x8];
	s31 =	simm.s32 $0x5800  }
0xba: {  	[tilespmem:s31], [sflag:$0x4] =	stream.linear.gather [hbm4b:s30+s24], $0x2000, $0x38;
	[tilespmem:$0x1B400] =	vst v63  }
.LBB2_6:
0xbb: {  	s11 =	sshllo.u32 s24, $0x1;
	_ =	swait.ge [sflag:s0], $0x2000;
	s21 =	simm.s32 $0x58C0  }
0xbc: {  	s26 =	simm.s32 $0x8040;
	s28 =	simm.s32 $0x7840;
	s29 =	simm.s32 $0x9840  }
0xbd: {  	s30 =	simm.s32 $0xA040;
	s1 =	sshll.u32 s11, $0x2;
	[sflag:s0] =	ssyncset.done $0x0  }
0xbe: {  	s31 =	simm.s32 $0x0;
	s6 =	sadd.s32 s12, s1;
	[sflag:s0] =	ssyncadd.s32 $0xFFFFE000  }
.LBB2_7:
0xbf: {  	s1 =	sadd.s32 s6, s31  }
0xc0: {  	v2 =	vmov s1;
	_ =	sdelay $0x2  }
0xc1: {  	s3 =	simm.s32 $0xFFFFFFF8  }
0xc2: {  	s20 =	simm.s32 $0xB040;
	s8 =	smov.u32 s30;
	s13 =	smov.u32 s29  }
0xc3: {  	s17 =	smov.u32 s28;
	s23 =	smov.u32 s26;
	s1 =	smov.u32 s21;
	v2 =	vld.idx.msk [tilespmem:v2+s22+$0x0], $0xffff  }
.LBB2_8:
0xc4: {  	v3 =	vld [tilespmem:s1+$0xFFFFFFC0]  }
0xc5: {  	v4 =	vld [tilespmem:s1+$0xFFFFFF40]  }
0xc6: {  	v5 =	vld [tilespmem:s20+$0xFFFFFFC0];
	_ =	sdelay $0x3  }
0xc7: {  	v3 =	vadd.f32 v3, v2  }
0xc8: {  	v4 =	vadd.f32 v5, v4  }
0xc9: {  	v3 =	vadd.f32 $1.000000000e+00, v3  }
0xca: {  	v6 =	vld [tilespmem:s1+$0xFFFFFFD0];
	v4 =	vadd.f32 $1.000000000e+00, v4  }
0xcb: {  	v19 =	vld [tilespmem:s1+$0x0];
	v3 =	vmul.f32 $5.110000000e+02, v3  }
0xcc: {  	v61 =	vld [tilespmem:s1+$0xFFFFFF80];
	v4 =	vmul.f32 $5.110000000e+02, v4  }
0xcd: {  	v63 =	vld [tilespmem:s20+$0x0];
	v3 =	vmul.f32 $5.000000000e-01, v3  }
0xce: {  	v8 =	vld [tilespmem:s1+$0xFFFFFF50];
	v4 =	vmul.f32 $5.000000000e-01, v4  }
0xcf: {  	v29 =	vld [tilespmem:s20+$0xFFFFFFD0];
	v6 =	vadd.f32 v6, v2;
	v28 =	vmax.f32 v3, $-1.000000000e+00  }
0xd0: {  	v19 =	vadd.f32 v19, v2;
	v4 =	vmax.f32 v4, $-1.000000000e+00;
	v5 =	vmin.f32 v28, $5.120000000e+02  }
0xd1: {  	v31 =	vadd.f32 $1.000000000e+00, v6;
	v4 =	vmin.f32 v4, $5.120000000e+02;
	v7 =	vtrunc.f32 v5  }
0xd2: {  	v39 =	vld [tilespmem:s1+$0xFFFFFFE0];
	v28 =	vadd.f32 v63, v61;
	v30 =	vtrunc.f32 v4;
	v9 =	vcvt.f32.s32 v7  }
0xd3: {  	vm0 =	vlt.f32 v5, v7;
	v10 =	vcvt.f32.s32 v30;
	vm14 =	vlt.f32 v4, v30  }
0xd4: {  	v5 =	vadd.f32 v29, v8;
	v4 =	vmul.f32 $5.110000000e+02, v31;
	v7 =	vsel vm0, $0xFFFFFFFF, v1  }
0xd5: {  	v30 =	vadd.f32 $1.000000000e+00, v19;
	v32 =	vsel vm14, $0xFFFFFFFF, v1;
	v7 =	vadd.s32 v9, v7  }
0xd6: {  	v5 =	vadd.f32 $1.000000000e+00, v5;
	v6 =	vadd.s32 v32, v10;
	v35 =	vmul.f32 $5.000000000e-01, v4  }
0xd7: {  	v9 =	vadd.f32 v39, v2;
	v31 =	vmul.f32 $5.110000000e+02, v30;
	vm13 =	vgt.s32 v7, $0x0  }
0xd8: {  	v6 =	vadd.s32 $0x1, v6;
	v11 =	vnsel vm13, $0x0, v7;
	v7 =	vadd.s32 $0x1, v7  }
0xd9: {  	v36 =	vmul.f32 $5.110000000e+02, v5;
	vm4 =	vgt.s32 v6, $0x0;
	v38 =	vmax.f32 v35, $-1.000000000e+00  }
0xda: {  	v9 =	vadd.f32 $1.000000000e+00, v9;
	v33 =	vmin.u32 v11, $0x1FF;
	vm15 =	vgt.s32 v7, $0x0  }
0xdb: {  	v12 =	vld [tilespmem:s1+$0xFFFFFF60];
	v6 =	vnsel vm4, $0x0, v6;
	v7 =	vnsel vm15, $0x0, v7;
	v34 =	vcvt.s32.f32 v33  }
0xdc: {  	v41 =	vld [tilespmem:s20+$0xFFFFFFE0];
	v4 =	vmul.f32 $5.000000000e-01, v36;
	v6 =	vmin.u32 v6, $0x1FF;
	v42 =	vshll.u32 v33, $0x9  }
0xdd: {  	v9 =	vmul.f32 $5.110000000e+02, v9;
	v37 =	vmin.u32 v7, $0x1FF;
	v7 =	vmin.f32 v38, $5.120000000e+02  }
0xde: {  	v6 =	vor.u32 v0, v6;
	v3 =	vsub.f32 v34, v3;
	v4 =	vmax.f32 v4, $-1.000000000e+00  }
0xdf: {  	v40 =	vtrunc.f32 v7;
	v5 =	vshll.u32 v37, $0x9;
	v9 =	vmul.f32 $5.000000000e-01, v9  }
0xe0: {  	v13 =	vmin.f32 v4, $5.120000000e+02;
	v14 =	vcvt.f32.s32 v40;
	vm5 =	vlt.f32 v7, v40  }
0xe1: {  	v50 =	vld [tilespmem:s1+$0xFFFFFFF0];
	v4 =	vor.u32 v42, v6;
	v7 =	vadd.f32 v41, v12;
	v3 =	vadd.f32 $1.000000000e+00, v3  }
0xe2: {  	v15 =	vld [tilespmem:s1+$0xFFFFFF70];
	v43 =	vtrunc.f32 v13;
	v11 =	vsel vm5, $0xFFFFFFFF, v1;
	v49 =	vmax.f32 v9, $-1.000000000e+00  }
0xe3: {  	v54 =	vld [tilespmem:s20+$0xFFFFFFF0];
	v11 =	vadd.s32 v14, v11;
	vm6 =	vlt.f32 v13, v43;
	v8 =	vcvt.f32.s32 v43  }
0xe4: {  	v7 =	vadd.f32 $1.000000000e+00, v7;
	v10 =	vmin.f32 v49, $5.120000000e+02;
	vm7 =	vgt.s32 v11, $0x0  }
0xe5: {  	v13 =	vsel vm6, $0xFFFFFFFF, v1;
	v53 =	vtrunc.f32 v10;
	v14 =	vnsel vm7, $0x0, v11  }
0xe6: {  	v11 =	vadd.s32 $0x1, v11;
	v8 =	vadd.s32 v13, v8;
	v46 =	vmul.f32 $5.110000000e+02, v7  }
0xe7: {  	v7 =	vor.u32 v5, v6;
	v16 =	vcvt.f32.s32 v53;
	vm10 =	vlt.f32 v10, v53  }
0xe8: {  	v13 =	vadd.f32 v50, v2;
	v10 =	vadd.f32 v54, v15;
	v44 =	vmin.u32 v14, $0x1FF  }
0xe9: {  	vm8 =	vgt.s32 v11, $0x0;
	v8 =	vadd.s32 $0x1, v8;
	v17 =	vsel vm10, $0xFFFFFFFF, v1  }
0xea: {  	v11 =	vnsel vm8, $0x0, v11;
	vm9 =	vgt.s32 v8, $0x0;
	v45 =	vcvt.s32.f32 v44  }
0xeb: {  	v48 =	vmul.f32 $5.000000000e-01, v46;
	v52 =	vshll.u32 v44, $0x9;
	v16 =	vadd.s32 v16, v17  }
0xec: {  	v13 =	vadd.f32 $1.000000000e+00, v13;
	v10 =	vadd.f32 $1.000000000e+00, v10;
	v8 =	vnsel vm9, $0x0, v8  }
0xed: {  	v11 =	vmin.u32 v11, $0x1FF;
	vm12 =	vgt.s32 v16, $0x0;
	v58 =	vadd.s32 $0x1, v16  }
0xee: {  	v47 =	vmin.u32 v8, $0x1FF;
	v5 =	vsub.f32 v45, v35;
	v8 =	vmax.f32 v48, $-1.000000000e+00  }
0xef: {  	v11 =	vshll.u32 v11, $0x9;
	v57 =	vnsel vm12, $0x0, v16;
	vm13 =	vgt.s32 v58, $0x0  }
0xf0: {  	v13 =	vmul.f32 $5.110000000e+02, v13;
	v10 =	vmul.f32 $5.110000000e+02, v10;
	v51 =	vor.u32 v0, v47  }
0xf1: {  	v8 =	vmin.f32 v8, $5.120000000e+02;
	v14 =	vnsel vm13, $0x0, v58;
	v6 =	vor.u32 v52, v51  }
0xf2: {  	v55 =	vtrunc.f32 v8;
	v13 =	vmul.f32 $5.000000000e-01, v13;
	v14 =	vmin.u32 v14, $0x1FF  }
0xf3: {  	v10 =	vmul.f32 $5.000000000e-01, v10;
	v5 =	vadd.f32 $1.000000000e+00, v5;
	vm11 =	vlt.f32 v8, v55  }
0xf4: {  	v12 =	vcvt.f32.s32 v55;
	v8 =	vor.u32 v11, v51;
	v11 =	vmin.u32 v57, $0x1FF  }
0xf5: {  	v14 =	vshll.u32 v14, $0x9;
	v56 =	vsel vm11, $0xFFFFFFFF, v1;
	v59 =	vcvt.s32.f32 v11  }
0xf6: {  	v60 =	vmax.f32 v13, $-1.000000000e+00;
	v18 =	vshll.u32 v11, $0x9;
	v10 =	vmax.f32 v10, $-1.000000000e+00  }
0xf7: {  	v12 =	vadd.s32 v56, v12;
	v16 =	vmin.f32 v60, $5.120000000e+02;
	v24 =	vmin.f32 v10, $5.120000000e+02  }
0xf8: {  	v12 =	vadd.s32 $0x1, v12;
	v11 =	vsub.f32 v59, v9;
	v62 =	vtrunc.f32 v16  }
0xf9: {  	v21 =	vld [tilespmem:s1+$0xFFFFFF90];
	v25 =	vtrunc.f32 v24;
	vm14 =	vgt.s32 v12, $0x0;
	v20 =	vcvt.f32.s32 v62  }
0xfa: {  	v39 =	vld [tilespmem:s20+$0x10];
	vm15 =	vlt.f32 v16, v62;
	v27 =	vcvt.f32.s32 v25;
	vm5 =	vlt.f32 v24, v25  }
0xfb: {  	v36 =	vld [tilespmem:s1+$0x10];
	v12 =	vnsel vm14, $0x0, v12;
	v16 =	vsel vm15, $0xFFFFFFFF, v1;
	v15 =	vsel vm5, $0xFFFFFFFF, v1  }
0xfc: {  	v46 =	vld [tilespmem:s1+$0xFFFFFFA0];
	v12 =	vmin.u32 v12, $0x1FF;
	v26 =	vadd.s32 v20, v16;
	v15 =	vadd.s32 v15, v27  }
0xfd: {  	v24 =	vld [tilespmem:s20+$0x20];
	v16 =	vmul.f32 $5.000000000e-01, v31;
	v12 =	vor.u32 v0, v12;
	vm4 =	vgt.s32 v26, $0x0  }
0xfe: {  	v15 =	vadd.s32 $0x1, v15;
	v9 =	vor.u32 v18, v12;
	v10 =	vor.u32 v14, v12  }
0xff: {  	v20 =	vnsel vm4, $0x0, v26;
	v14 =	vadd.s32 $0x1, v26;
	v12 =	vadd.f32 $1.000000000e+00, v28  }
0x100: {  	vm7 =	vgt.s32 v15, $0x0;
	v34 =	vmax.f32 v16, $-1.000000000e+00;
	v18 =	vadd.f32 v39, v21  }
0x101: {  	v29 =	vmin.u32 v20, $0x1FF;
	vm6 =	vgt.s32 v14, $0x0;
	v15 =	vnsel vm7, $0x0, v15  }
0x102: {  	v35 =	vmin.f32 v34, $5.120000000e+02;
	v20 =	vadd.f32 v36, v2;
	v21 =	vadd.f32 v24, v46  }
0x103: {  	v34 =	vadd.f32 $1.000000000e+00, v11;
	v14 =	vnsel vm6, $0x0, v14;
	v12 =	vmul.f32 $5.110000000e+02, v12  }
0x104: {  	v32 =	vcvt.s32.f32 v29;
	v15 =	vmin.u32 v15, $0x1FF;
	v17 =	vshll.u32 v29, $0x9  }
0x105: {  	v38 =	vtrunc.f32 v35;
	v18 =	vadd.f32 $1.000000000e+00, v18;
	v14 =	vmin.u32 v14, $0x1FF  }
0x106: {  	v15 =	vor.u32 v0, v15;
	v22 =	vcvt.f32.s32 v38;
	vm8 =	vlt.f32 v35, v38  }
0x107: {  	v44 =	vadd.f32 $1.000000000e+00, v20;
	v21 =	vadd.f32 $1.000000000e+00, v21;
	v33 =	vmul.f32 $5.000000000e-01, v12  }
0x108: {  	v48 =	vld [tilespmem:s1+$0x20];
	v12 =	vsub.f32 v32, v13;
	v13 =	vor.u32 v17, v15;
	v18 =	vmul.f32 $5.110000000e+02, v18  }
0x109: {  	v62 =	vld [tilespmem:s1+$0xFFFFFFB0];
	v14 =	vshll.u32 v14, $0x9;
	v21 =	vmul.f32 $5.110000000e+02, v21;
	v19 =	vmax.f32 v33, $-1.000000000e+00  }
0x10a: {  	v32 =	vld [tilespmem:s20+$0x30];
	v14 =	vor.u32 v14, v15;
	v18 =	vmul.f32 $5.000000000e-01, v18;
	v37 =	vmin.f32 v19, $5.120000000e+02  }
0x10b: {  	v19 =	vsel vm8, $0xFFFFFFFF, v1;
	v21 =	vmul.f32 $5.000000000e-01, v21;
	v23 =	vtrunc.f32 v37  }
0x10c: {  	v19 =	vadd.s32 v22, v19;
	v18 =	vmax.f32 v18, $-1.000000000e+00;
	vm9 =	vlt.f32 v37, v23  }
0x10d: {  	v40 =	vcvt.f32.s32 v23;
	vm10 =	vgt.s32 v19, $0x0;
	v42 =	vadd.s32 $0x1, v19  }
0x10e: {  	v23 =	vadd.f32 v48, v2;
	v18 =	vmin.f32 v18, $5.120000000e+02;
	v21 =	vmax.f32 v21, $-1.000000000e+00  }
0x10f: {  	v38 =	vadd.f32 v32, v62;
	v41 =	vsel vm9, $0xFFFFFFFF, v1;
	v43 =	vnsel vm10, $0x0, v19  }
0x110: {  	vm11 =	vgt.s32 v42, $0x0;
	v19 =	vmul.f32 $5.110000000e+02, v44;
	v51 =	vtrunc.f32 v18  }
0x111: {  	v21 =	vmin.f32 v21, $5.120000000e+02;
	v17 =	vadd.s32 v41, v40;
	v15 =	vmin.u32 v43, $0x1FF  }
0x112: {  	v45 =	vnsel vm11, $0x0, v42;
	v52 =	vadd.f32 $1.000000000e+00, v23;
	v53 =	vcvt.f32.s32 v51  }
0x113: {  	vm14 =	vlt.f32 v18, v51;
	v61 =	vtrunc.f32 v21;
	v44 =	vadd.f32 $1.000000000e+00, v38  }
0x114: {  	v17 =	vadd.s32 $0x1, v17;
	v20 =	vmin.u32 v45, $0x1FF;
	v47 =	vcvt.s32.f32 v15  }
0x115: {  	v19 =	vmul.f32 $5.000000000e-01, v19;
	v15 =	vshll.u32 v15, $0x9;
	v56 =	vsel vm14, $0xFFFFFFFF, v1  }
0x116: {  	v59 =	vld [tilespmem:s1+$0x40];
	[tilespmem:s17+$0xFFFFFFC0] =	vst v4;
	vm6 =	vlt.f32 v21, v61;
	v30 =	vcvt.f32.s32 v61;
	v45 =	vadd.f32 $1.000000000e+00, v12  }
0x117: {  	[tilespmem:s23+$0xFFFFFFC0] =	vst v7;
	vm12 =	vgt.s32 v17, $0x0;
	v20 =	vshll.u32 v20, $0x9;
	v55 =	vmul.f32 $5.110000000e+02, v52  }
0x118: {  	[tilespmem:s13+$0xFFFFFFC0] =	vst v3;
	v3 =	vsel vm6, $0xFFFFFFFF, v1;
	v17 =	vnsel vm12, $0x0, v17;
	v16 =	vsub.f32 v47, v16  }
0x119: {  	v49 =	vmax.f32 v19, $-1.000000000e+00;
	v3 =	vadd.s32 v3, v30;
	v17 =	vmin.u32 v17, $0x1FF  }
0x11a: {  	v50 =	vmin.f32 v49, $5.120000000e+02;
	v18 =	vmul.f32 $5.000000000e-01, v55;
	v3 =	vadd.s32 $0x1, v3  }
0x11b: {  	v17 =	vor.u32 v0, v17;
	v22 =	vtrunc.f32 v50;
	vm10 =	vgt.s32 v3, $0x0  }
0x11c: {  	v46 =	vadd.f32 $1.000000000e+00, v16;
	v15 =	vor.u32 v15, v17;
	v17 =	vor.u32 v20, v17  }
0x11d: {  	v31 =	vld [tilespmem:s1+$0x30];
	v25 =	vcvt.f32.s32 v22;
	vm13 =	vlt.f32 v50, v22;
	v20 =	vadd.s32 v56, v53  }
0x11e: {  	v58 =	vmax.f32 v18, $-1.000000000e+00;
	v3 =	vnsel vm10, $0x0, v3;
	v54 =	vsel vm13, $0xFFFFFFFF, v1  }
0x11f: {  	v20 =	vadd.s32 $0x1, v20;
	v22 =	vmin.f32 v58, $5.120000000e+02;
	v3 =	vmin.u32 v3, $0x1FF  }
0x120: {  	v26 =	vld [tilespmem:s1+$0x50];
	v23 =	vadd.s32 v25, v54;
	v28 =	vtrunc.f32 v22;
	vm7 =	vgt.s32 v20, $0x0  }
0x121: {  	[tilespmem:s8+$0xFFFFFFC0] =	vst v59;
	v3 =	vor.u32 v0, v3;
	vm15 =	vgt.s32 v23, $0x0;
	v60 =	vcvt.f32.s32 v28  }
0x122: {  	[tilespmem:s17+$0xFFFFFFD0] =	vst v6;
	vm5 =	vlt.f32 v22, v28;
	v33 =	vnsel vm7, $0x0, v20;
	v22 =	vadd.f32 v31, v2  }
0x123: {  	[tilespmem:s23+$0xFFFFFFD0] =	vst v8;
	v57 =	vnsel vm15, $0x0, v23;
	v23 =	vadd.s32 $0x1, v23;
	v63 =	vsel vm5, $0xFFFFFFFF, v1  }
0x124: {  	[tilespmem:s13+$0xFFFFFFD0] =	vst v5;
	v7 =	vmin.u32 v33, $0x1FF;
	v24 =	vmin.u32 v57, $0x1FF;
	vm4 =	vgt.s32 v23, $0x0  }
0x125: {  	[tilespmem:s8+$0xFFFFFFD0] =	vst v26;
	v4 =	vadd.s32 v60, v63;
	v7 =	vor.u32 v0, v7;
	v41 =	vadd.f32 $1.000000000e+00, v22  }
0x126: {  	v37 =	vld [tilespmem:s1+$0x60];
	[tilespmem:s17+$0xFFFFFFE0] =	vst v9;
	v23 =	vnsel vm4, $0x0, v23;
	v27 =	vcvt.s32.f32 v24;
	v36 =	vshll.u32 v24, $0x9  }
0x127: {  	[tilespmem:s23+$0xFFFFFFE0] =	vst v10;
	vm8 =	vgt.s32 v4, $0x0;
	v39 =	vadd.s32 $0x1, v4;
	v35 =	vmin.u32 v23, $0x1FF  }
0x128: {  	[tilespmem:s13+$0xFFFFFFE0] =	vst v34;
	v43 =	vld [tilespmem:s1+$0x70];
	v11 =	vor.u32 v36, v7;
	v4 =	vnsel vm8, $0x0, v4;
	vm9 =	vgt.s32 v39, $0x0  }
0x129: {  	[tilespmem:s17+$0xFFFFFFF0] =	vst v13;
	v10 =	vmul.f32 $5.110000000e+02, v41;
	v19 =	vsub.f32 v27, v19;
	v8 =	vshll.u32 v35, $0x9  }
0x12a: {  	[tilespmem:s23+$0xFFFFFFF0] =	vst v14;
	v40 =	vnsel vm9, $0x0, v39;
	v42 =	vor.u32 v8, v7;
	v8 =	vmul.f32 $5.110000000e+02, v44  }
0x12b: {  	[tilespmem:s8+$0xFFFFFFE0] =	vst v37;
	v4 =	vmin.u32 v4, $0x1FF;
	v9 =	vmin.u32 v40, $0x1FF;
	v10 =	vmul.f32 $5.000000000e-01, v10  }
0x12c: {  	v48 =	vld [tilespmem:s1+$0x80];
	[tilespmem:s13+$0xFFFFFFF0] =	vst v45;
	v47 =	vcvt.s32.f32 v4;
	v4 =	vshll.u32 v4, $0x9;
	v8 =	vmul.f32 $5.000000000e-01, v8  }
0x12d: {  	[tilespmem:s8+$0xFFFFFFF0] =	vst v43;
	v4 =	vor.u32 v4, v3;
	v9 =	vshll.u32 v9, $0x9;
	v50 =	vmax.f32 v10, $-1.000000000e+00  }
0x12e: {  	[tilespmem:s17+$0x0] =	vst v15;
	v49 =	vsub.f32 v47, v18;
	v13 =	vmin.f32 v50, $5.120000000e+02;
	v8 =	vmax.f32 v8, $-1.000000000e+00  }
0x12f: {  	[tilespmem:s23+$0x0] =	vst v17;
	v3 =	vor.u32 v9, v3;
	v51 =	vtrunc.f32 v13;
	v8 =	vmin.f32 v8, $5.120000000e+02  }
0x130: {  	[tilespmem:s13+$0x0] =	vst v46;
	vm11 =	vlt.f32 v13, v51;
	v9 =	vcvt.f32.s32 v51;
	v53 =	vtrunc.f32 v8  }
0x131: {  	[tilespmem:s8+$0x0] =	vst v48;
	v54 =	vsel vm11, $0xFFFFFFFF, v1;
	vm12 =	vlt.f32 v8, v53;
	v55 =	vcvt.f32.s32 v53  }
0x132: {  	v52 =	vld [tilespmem:s1+$0x90];
	[tilespmem:s17+$0x10] =	vst v11;
	v56 =	vadd.f32 $1.000000000e+00, v19;
	v5 =	vadd.s32 v9, v54;
	v57 =	vsel vm12, $0xFFFFFFFF, v1  }
0x133: {  	[tilespmem:s23+$0x10] =	vst v42;
	v61 =	vadd.f32 $1.000000000e+00, v49;
	vm13 =	vgt.s32 v5, $0x0;
	v58 =	vadd.s32 v57, v55  }
0x134: {  	v60 =	vld [tilespmem:s1+$0xA0];
	[tilespmem:s17+$0x20] =	vst v4;
	v59 =	vadd.s32 $0x1, v5;
	v5 =	vnsel vm13, $0x0, v5;
	v6 =	vadd.s32 $0x1, v58  }
0x135: {  	[tilespmem:s13+$0x10] =	vst v56;
	vm14 =	vgt.s32 v59, $0x0;
	v5 =	vmin.u32 v5, $0x1FF;
	vm15 =	vgt.s32 v6, $0x0  }
0x136: {  	[tilespmem:s23+$0x20] =	vst v3;
	v8 =	vnsel vm14, $0x0, v59;
	v62 =	vcvt.s32.f32 v5;
	v6 =	vnsel vm15, $0x0, v6  }
0x137: {  	s3 =	sadd.s32 $0x8, s3;
	[tilespmem:s8+$0x10] =	vst v52;
	v3 =	vmin.u32 v8, $0x1FF;
	v6 =	vmin.u32 v6, $0x1FF  }
0x138: {  	p0 =	slt.u32 s3, $0x18;
	v63 =	vld [tilespmem:s1+$0xB0];
	[tilespmem:s13+$0x20] =	vst v61;
	v5 =	vshll.u32 v5, $0x9;
	v7 =	vsub.f32 v62, v10;
	v6 =	vor.u32 v0, v6  }
.Ltmp2:
0x139: {  	[tilespmem:s8+$0x20] =	vst v60;
	v3 =	vshll.u32 v3, $0x9;
	v5 =	vor.u32 v5, v6;
	(pc) =	sbr.rel @p0 .LBB2_8-.Ltmp2, $4  }
0x13a: {  	v7 =	vadd.f32 $1.000000000e+00, v7;
	v3 =	vor.u32 v3, v6;
	[tilespmem:s17+$0x30] =	vst v5  }
0x13b: {  	[tilespmem:s23+$0x30] =	vst v3  }
0x13c: {  	s20 =	sadd.s32 $0x80, s20;
	s1 =	sadd.s32 $0x200, s1;
	s17 =	sadd.s32 $0x80, s17;
	[tilespmem:s13+$0x30] =	vst v7  }
0x13d: {  	s23 =	sadd.s32 $0x80, s23;
	s13 =	sadd.s32 $0x80, s13;
	[tilespmem:s8+$0x30] =	vst v63;
	s8 =	sadd.s32 $0x80, s8  }
0x13e: {  	s31 =	sadd.s32 $0x1, s31  }
0x13f: {  	p0 =	sne.s32 s31, $0x4  }
.Ltmp3:
0x140: {  	_ = 	snop;
	(pc) =	sbr.rel @p0 .LBB2_7-.Ltmp3, $3  }
0x141: {  	_ =	sdelay $0x1  }
0x142: {  	s21 =	sadd.s32 $0x800, s21;
	s26 =	sadd.s32 $0x200, s26  }
0x143: {  	s28 =	sadd.s32 $0x200, s28;
	s29 =	sadd.s32 $0x200, s29;
	s30 =	sadd.s32 $0x200, s30  }
0x144: {  	s1 =	simm.s32 $0x7800  }
0x145: {  	s2 =	simm.s32 $0x8800;
	s21 =	sshll.u32 s24, $0x3;
	s31 =	rddreg [dreg:$0x9]  }
0x146: {  	[tilespmem:s2], [sflag:$0x5] =	stream.indirect.gather [spmem:s4], $0x1, s1, s25, $0xb8;
	[tilespmem:$0x1B400] =	vst v63  }
0x147: {  	s6 =	sadd.s32 s21, s31  }
0x148: {  	s29 =	simm.s32 $0x8000;
	s30 =	simm.s32 $0x9000;
	s1 =	sshll.u32 s6, $0xB  }
0x149: {  	[tilespmem:s30], [sflag:$0x5] =	stream.indirect.gather [spmem:s4], $0x1, s29, s25, $0xb8;
	[tilespmem:$0x1B400] =	vst v63  }
0x14a: {  	s1 =	sadd.s32 s7, s1  }
0x14b: {  	s1 =	sshrl.u32 s1, $0x3  }
0x14c: {  	s1 =	sadd.s32 s14, s1  }
0x14d: {  	[tilespmem:s5], [sflag:$0x1] =	stream.linear.gather [hbm4b:s1+s5], $0x2000, $0x38;
	[tilespmem:$0x1B400] =	vst v63  }
0x14e: {  	_ =	swait.ge [sflag:s16], $0x800  }
0x14f: {  	[sflag:s16] =	ssyncset.done $0x0  }
0x150: {  	[sflag:s16] =	ssyncadd.s32 $0xFFFFF800  }
0x151: {  	_ =	swait.ge [sflag:s16], $0x800  }
0x152: {  	p0 =	seq.s32 s24, $0x0;
	[sflag:s16] =	ssyncset.done $0x0  }
0x153: {  	s1 =	simm.s32 @!p0 $0x3;
	[sflag:s16] =	ssyncadd.s32 $0xFFFFF800  }
0x154: {  	_ =	swait.ge @!p0 [sflag:s1], $0x800  }
0x155: {  	[sflag:s1] =	ssyncset.done @!p0 $0x0  }
0x156: {  	s8 =	simm.s32 $0x4040;
	[sflag:s1] =	ssyncadd.s32 @!p0 $0xFFFFF800  }
0x157: {  	s1 =	simm.s32 $0x3040;
	v2 =	vld [tilespmem:s8+$0x30]  }
0x158: {  	s2 =	simm.s32 $0x3840;
	v3 =	vld [tilespmem:s1+$0x30]  }
0x159: {  	v4 =	vld [tilespmem:s2+$0x30]  }
0x15a: {  	v6 =	vld [tilespmem:s8+$0xFFFFFFC0]  }
0x15b: {  	v5 =	vld [tilespmem:s8+$0xFFFFFFD0]  }
0x15c: {  	s3 =	simm.s32 $0x4840;
	v7 =	vld [tilespmem:s8+$0xFFFFFFE0]  }
0x15d: {  	v8 =	vld [tilespmem:s3+$0x30]  }
0x15e: {  	v9 =	vld [tilespmem:s8+$0xFFFFFFF0]  }
0x15f: {  	v10 =	vld [tilespmem:s8+$0x0]  }
0x160: {  	v11 =	vld [tilespmem:s8+$0x10]  }
0x161: {  	v12 =	vld [tilespmem:s8+$0x20]  }
0x162: {  	v13 =	vld [tilespmem:s2+$0xFFFFFFC0]  }
0x163: {  	v14 =	vld [tilespmem:s1+$0xFFFFFFD0]  }
0x164: {  	v15 =	vld [tilespmem:s2+$0xFFFFFFD0]  }
0x165: {  	v16 =	vld [tilespmem:s1+$0xFFFFFFE0]  }
0x166: {  	v17 =	vld [tilespmem:s2+$0xFFFFFFE0]  }
0x167: {  	v19 =	vld [tilespmem:s1+$0xFFFFFFF0]  }
0x168: {  	v20 =	vld [tilespmem:s2+$0xFFFFFFF0];
	v18 =	vsub.f32 $1.000000000e+00, v2  }
0x169: {  	v57 =	vld [tilespmem:s2+$0x0]  }
0x16a: {  	v23 =	vld [tilespmem:s2+$0x10];
	v2 =	vmul.f32 v2, v3;
	v3 =	vmul.f32 v18, v4  }
0x16b: {  	v58 =	vld [tilespmem:s2+$0x20];
	v21 =	vsub.f32 $1.000000000e+00, v6  }
0x16c: {  	v22 =	vsub.f32 $1.000000000e+00, v5;
	v4 =	vld [tilespmem:s1+$0x0];
	v2 =	vadd.f32 v3, v2  }
0x16d: {  	v5 =	vmul.f32 v5, v14;
	v14 =	vsub.f32 $1.000000000e+00, v9;
	v9 =	vmul.f32 v9, v19;
	v3 =	vld [tilespmem:s1+$0x10]  }
0x16e: {  	v61 =	vsub.f32 $1.000000000e+00, v11;
	v13 =	vmul.f32 v21, v13;
	v24 =	vsub.f32 v2, v8;
	v8 =	vld [tilespmem:s1+$0x20]  }
0x16f: {  	v60 =	vld [tilespmem:s1+$0xFFFFFFC0];
	v15 =	vmul.f32 v22, v15;
	v14 =	vmul.f32 v14, v20;
	v2 =	vsub.f32 $1.000000000e+00, v7  }
0x170: {  	v62 =	vld [tilespmem:s3+$0xFFFFFFD0];
	v59 =	vsub.f32 $1.000000000e+00, v10;
	v19 =	vmul.f32 v61, v23;
	v7 =	vmul.f32 v7, v16  }
0x171: {  	v10 =	vmul.f32 v10, v4;
	v4 =	vsub.f32 $1.000000000e+00, v12;
	v17 =	vmul.f32 v2, v17;
	v2 =	vld [tilespmem:s3+$0xFFFFFFC0]  }
0x172: {  	v15 =	vadd.f32 v15, v5;
	v16 =	vmul.f32 v59, v57;
	v63 =	vmul.f32 v11, v3;
	v11 =	vld [tilespmem:s3+$0xFFFFFFE0]  }
0x173: {  	v3 =	vadd.f32 v17, v7;
	v7 =	vmul.f32 v12, v8;
	v8 =	vld [tilespmem:s3+$0xFFFFFFF0];
	v12 =	vmul.f32 v4, v58  }
0x174: {  	v5 =	vadd.f32 v16, v10;
	v10 =	vld [tilespmem:s3+$0x0];
	v4 =	vadd.f32 v14, v9;
	v14 =	vmul.f32 v6, v60  }
0x175: {  	s8 =	simm.s32 $0x5040;
	v6 =	vadd.f32 v19, v63;
	v9 =	vld [tilespmem:s3+$0x10];
	v7 =	vadd.f32 v12, v7  }
0x176: {  	s13 =	simm.s32 $0x0;
	s17 =	simm.s32 $0x40C0;
	[tilespmem:s8+$0x30] =	vst v24;
	v13 =	vadd.f32 v13, v14;
	v14 =	vsub.f32 v15, v62;
	v12 =	vld [tilespmem:s3+$0x20]  }
.LBB2_11:
0x177: {  	v15 =	vld [tilespmem:s17+$0x30];
	s13 =	sadd.s32 $0x8, s13;
	v3 =	vsub.f32 v3, v11;
	s1 =	sadd.s32 $0x80, s1  }
0x178: {  	s2 =	sadd.s32 $0x80, s2;
	v11 =	vld [tilespmem:s1+$0x30];
	p1 =	slt.u32 s13, $0x78;
	v2 =	vsub.f32 v13, v2;
	[tilespmem:s8+$0xFFFFFFD0] =	vst v14;
	v4 =	vsub.f32 v4, v8  }
0x179: {  	v8 =	vld [tilespmem:s2+$0x30];
	[tilespmem:s8+$0xFFFFFFE0] =	vst v3;
	v3 =	vsub.f32 v5, v10  }
0x17a: {  	v10 =	vld [tilespmem:s17+$0xFFFFFFC0];
	[tilespmem:s8+$0xFFFFFFC0] =	vst v2;
	v2 =	vsub.f32 v6, v9  }
0x17b: {  	v5 =	vld [tilespmem:s17+$0xFFFFFFD0];
	[tilespmem:s8+$0xFFFFFFF0] =	vst v4;
	v4 =	vsub.f32 v7, v12  }
0x17c: {  	s3 =	sadd.s32 $0x80, s3;
	v6 =	vld [tilespmem:s17+$0xFFFFFFE0];
	v7 =	vsub.f32 $1.000000000e+00, v15;
	[tilespmem:s8+$0x0] =	vst v3  }
0x17d: {  	v3 =	vld [tilespmem:s3+$0x30];
	[tilespmem:s8+$0x10] =	vst v2  }
0x17e: {  	v9 =	vmul.f32 v15, v11;
	v2 =	vld [tilespmem:s17+$0xFFFFFFF0];
	v7 =	vmul.f32 v7, v8;
	[tilespmem:s8+$0x20] =	vst v4  }
0x17f: {  	v4 =	vsub.f32 $1.000000000e+00, v10;
	v8 =	vld [tilespmem:s17+$0x0]  }
0x180: {  	v11 =	vsub.f32 $1.000000000e+00, v5;
	v12 =	vld [tilespmem:s17+$0x10];
	v7 =	vadd.f32 v7, v9  }
0x181: {  	v9 =	vsub.f32 $1.000000000e+00, v6;
	v13 =	vld [tilespmem:s17+$0x20]  }
0x182: {  	v14 =	vld [tilespmem:s2+$0xFFFFFFC0];
	v3 =	vsub.f32 v7, v3  }
0x183: {  	s8 =	sadd.s32 $0x80, s8;
	v7 =	vld [tilespmem:s1+$0xFFFFFFD0];
	v15 =	vsub.f32 $1.000000000e+00, v2  }
0x184: {  	v16 =	vld [tilespmem:s2+$0xFFFFFFD0];
	v17 =	vsub.f32 $1.000000000e+00, v8;
	[tilespmem:s8+$0x30] =	vst v3  }
0x185: {  	v3 =	vld [tilespmem:s1+$0xFFFFFFE0];
	v18 =	vsub.f32 $1.000000000e+00, v12  }
0x186: {  	v19 =	vld [tilespmem:s2+$0xFFFFFFE0];
	v20 =	vsub.f32 $1.000000000e+00, v13  }
0x187: {  	v14 =	vmul.f32 v4, v14;
	v4 =	vld [tilespmem:s1+$0xFFFFFFF0]  }
0x188: {  	v5 =	vmul.f32 v5, v7;
	v7 =	vld [tilespmem:s2+$0xFFFFFFF0]  }
0x189: {  	v11 =	vmul.f32 v11, v16;
	v16 =	vld [tilespmem:s1+$0x0]  }
0x18a: {  	v3 =	vmul.f32 v6, v3;
	v6 =	vld [tilespmem:s2+$0x0]  }
0x18b: {  	v21 =	vadd.f32 v11, v5;
	v5 =	vmul.f32 v9, v19;
	v9 =	vld [tilespmem:s1+$0x10]  }
0x18c: {  	v2 =	vmul.f32 v2, v4;
	v11 =	vld [tilespmem:s2+$0x10]  }
0x18d: {  	v3 =	vadd.f32 v5, v3;
	v4 =	vmul.f32 v15, v7;
	v7 =	vld [tilespmem:s1+$0x20]  }
0x18e: {  	v5 =	vmul.f32 v8, v16;
	v15 =	vld [tilespmem:s2+$0x20]  }
0x18f: {  	v16 =	vld [tilespmem:s1+$0xFFFFFFC0];
	v4 =	vadd.f32 v4, v2;
	v6 =	vmul.f32 v17, v6  }
0x190: {  	v2 =	vld [tilespmem:s3+$0xFFFFFFC0];
	v9 =	vmul.f32 v12, v9  }
0x191: {  	v12 =	vld [tilespmem:s3+$0xFFFFFFD0];
	v5 =	vadd.f32 v6, v5;
	v6 =	vmul.f32 v18, v11  }
.Ltmp4:
0x192: {  	v11 =	vld [tilespmem:s3+$0xFFFFFFE0];
	v7 =	vmul.f32 v13, v7;
	(pc) =	sbr.rel @p1 .LBB2_11-.Ltmp4, $4  }
0x193: {  	v8 =	vld [tilespmem:s3+$0xFFFFFFF0];
	v6 =	vadd.f32 v6, v9;
	v13 =	vmul.f32 v20, v15  }
0x194: {  	v15 =	vmul.f32 v10, v16;
	v10 =	vld [tilespmem:s3+$0x0]  }
0x195: {  	v9 =	vld [tilespmem:s3+$0x10];
	v7 =	vadd.f32 v13, v7  }
0x196: {  	s17 =	sadd.s32 $0x80, s17;
	v13 =	vadd.f32 v14, v15;
	v14 =	vsub.f32 v21, v12;
	v12 =	vld [tilespmem:s3+$0x20]  }
0x197: {  	v3 =	vsub.f32 v3, v11  }
0x198: {  	v2 =	vsub.f32 v13, v2;
	[tilespmem:s8+$0xFFFFFFD0] =	vst v14  }
0x199: {  	v4 =	vsub.f32 v4, v8;
	[tilespmem:s8+$0xFFFFFFE0] =	vst v3  }
0x19a: {  	v3 =	vsub.f32 v5, v10;
	[tilespmem:s8+$0xFFFFFFC0] =	vst v2  }
0x19b: {  	s1 =	sshll.u32 s24, $0xC;
	v2 =	vsub.f32 v6, v9;
	[tilespmem:s8+$0xFFFFFFF0] =	vst v4  }
0x19c: {  	s1 =	sadd.s32 s9, s1;
	v63 =	vsub.f32 v7, v12;
	[tilespmem:s8+$0x0] =	vst v3  }
0x19d: {  	s1 =	sshrl.u32 s1, $0x3;
	[tilespmem:s8+$0x10] =	vst v2  }
0x19e: {  	s26 =	simm.s32 $0x0;
	s2 =	simm.s32 $0x5000;
	s1 =	sadd.s32 s15, s1;
	[tilespmem:s8+$0x20] =	vst v63  }
0x19f: {  	[hbm4b:s1+s26] =	stream.linear.scatter [tilespmem:s2], [sflag:$0x3], $0x800, $0x38;
	[tilespmem:$0x1B400] =	vst v63  }
0x1a0: {  	s23 =	simm.s32 $0x2040;
	_ =	swait.ge [sflag:s10], $0x2000  }
0x1a1: {  	s17 =	simm.s32 $0x4040;
	s13 =	simm.s32 $0x4840;
	[sflag:s10] =	ssyncset.done $0x0  }
0x1a2: {  	s2 =	simm.s32 $0xC0;
	s1 =	simm.s32 $0x2840;
	[sflag:s10] =	ssyncadd.s32 $0xFFFFE000  }
.LBB2_13:
0x1a3: {  	s3 =	sor.u32 s6, s26  }
0x1a4: {  	v2 =	vmov s3;
	_ =	sdelay $0x2  }
0x1a5: {  	s20 =	simm.s32 $0xFFFFFFF8  }
0x1a6: {  	s8 =	simm.s32 $0xB040;
	s31 =	smov.u32 s17;
	s30 =	smov.u32 s23  }
0x1a7: {  	s29 =	smov.u32 s1;
	s28 =	smov.u32 s2;
	s3 =	smov.u32 s13;
	v2 =	vld.idx.msk [tilespmem:v2+s22+$0x0], $0xffff  }
.LBB2_14:
0x1a8: {  	v3 =	vld [tilespmem:s28+$0xFFFFFFC0]  }
0x1a9: {  	v4 =	vld [tilespmem:s28+$0xFFFFFF40]  }
0x1aa: {  	v5 =	vld [tilespmem:s8+$0xFFFFFFC0];
	_ =	sdelay $0x3  }
0x1ab: {  	v3 =	vadd.f32 v3, v2  }
0x1ac: {  	v4 =	vadd.f32 v5, v4  }
0x1ad: {  	v3 =	vadd.f32 $1.000000000e+00, v3  }
0x1ae: {  	v6 =	vld [tilespmem:s28+$0xFFFFFFD0];
	v4 =	vadd.f32 $1.000000000e+00, v4  }
0x1af: {  	v19 =	vld [tilespmem:s28+$0x0];
	v3 =	vmul.f32 $5.110000000e+02, v3  }
0x1b0: {  	v61 =	vld [tilespmem:s28+$0xFFFFFF80];
	v4 =	vmul.f32 $5.110000000e+02, v4  }
0x1b1: {  	v63 =	vld [tilespmem:s8+$0x0];
	v3 =	vmul.f32 $5.000000000e-01, v3  }
0x1b2: {  	v8 =	vld [tilespmem:s28+$0xFFFFFF50];
	v4 =	vmul.f32 $5.000000000e-01, v4  }
0x1b3: {  	v29 =	vld [tilespmem:s8+$0xFFFFFFD0];
	v6 =	vadd.f32 v6, v2;
	v28 =	vmax.f32 v3, $-1.000000000e+00  }
0x1b4: {  	v19 =	vadd.f32 v19, v2;
	v4 =	vmax.f32 v4, $-1.000000000e+00;
	v5 =	vmin.f32 v28, $5.120000000e+02  }
0x1b5: {  	v31 =	vadd.f32 $1.000000000e+00, v6;
	v4 =	vmin.f32 v4, $5.120000000e+02;
	v7 =	vtrunc.f32 v5  }
0x1b6: {  	v39 =	vld [tilespmem:s28+$0xFFFFFFE0];
	v28 =	vadd.f32 v63, v61;
	v30 =	vtrunc.f32 v4;
	v9 =	vcvt.f32.s32 v7  }
0x1b7: {  	vm0 =	vlt.f32 v5, v7;
	v10 =	vcvt.f32.s32 v30;
	vm14 =	vlt.f32 v4, v30  }
0x1b8: {  	v5 =	vadd.f32 v29, v8;
	v4 =	vmul.f32 $5.110000000e+02, v31;
	v7 =	vsel vm0, $0xFFFFFFFF, v1  }
0x1b9: {  	v30 =	vadd.f32 $1.000000000e+00, v19;
	v32 =	vsel vm14, $0xFFFFFFFF, v1;
	v7 =	vadd.s32 v9, v7  }
0x1ba: {  	v5 =	vadd.f32 $1.000000000e+00, v5;
	v6 =	vadd.s32 v32, v10;
	v35 =	vmul.f32 $5.000000000e-01, v4  }
0x1bb: {  	v9 =	vadd.f32 v39, v2;
	v31 =	vmul.f32 $5.110000000e+02, v30;
	vm13 =	vgt.s32 v7, $0x0  }
0x1bc: {  	v6 =	vadd.s32 $0x1, v6;
	v11 =	vnsel vm13, $0x0, v7;
	v7 =	vadd.s32 $0x1, v7  }
0x1bd: {  	v36 =	vmul.f32 $5.110000000e+02, v5;
	vm4 =	vgt.s32 v6, $0x0;
	v38 =	vmax.f32 v35, $-1.000000000e+00  }
0x1be: {  	v9 =	vadd.f32 $1.000000000e+00, v9;
	v33 =	vmin.u32 v11, $0x1FF;
	vm15 =	vgt.s32 v7, $0x0  }
0x1bf: {  	v12 =	vld [tilespmem:s28+$0xFFFFFF60];
	v6 =	vnsel vm4, $0x0, v6;
	v7 =	vnsel vm15, $0x0, v7;
	v34 =	vcvt.s32.f32 v33  }
0x1c0: {  	v41 =	vld [tilespmem:s8+$0xFFFFFFE0];
	v4 =	vmul.f32 $5.000000000e-01, v36;
	v6 =	vmin.u32 v6, $0x1FF;
	v42 =	vshll.u32 v33, $0x9  }
0x1c1: {  	v9 =	vmul.f32 $5.110000000e+02, v9;
	v37 =	vmin.u32 v7, $0x1FF;
	v7 =	vmin.f32 v38, $5.120000000e+02  }
0x1c2: {  	v6 =	vor.u32 v0, v6;
	v3 =	vsub.f32 v34, v3;
	v4 =	vmax.f32 v4, $-1.000000000e+00  }
0x1c3: {  	v40 =	vtrunc.f32 v7;
	v5 =	vshll.u32 v37, $0x9;
	v9 =	vmul.f32 $5.000000000e-01, v9  }
0x1c4: {  	v13 =	vmin.f32 v4, $5.120000000e+02;
	v14 =	vcvt.f32.s32 v40;
	vm5 =	vlt.f32 v7, v40  }
0x1c5: {  	v50 =	vld [tilespmem:s28+$0xFFFFFFF0];
	v4 =	vor.u32 v42, v6;
	v7 =	vadd.f32 v41, v12;
	v3 =	vadd.f32 $1.000000000e+00, v3  }
0x1c6: {  	v15 =	vld [tilespmem:s28+$0xFFFFFF70];
	v43 =	vtrunc.f32 v13;
	v11 =	vsel vm5, $0xFFFFFFFF, v1;
	v49 =	vmax.f32 v9, $-1.000000000e+00  }
0x1c7: {  	v54 =	vld [tilespmem:s8+$0xFFFFFFF0];
	v11 =	vadd.s32 v14, v11;
	vm6 =	vlt.f32 v13, v43;
	v8 =	vcvt.f32.s32 v43  }
0x1c8: {  	v7 =	vadd.f32 $1.000000000e+00, v7;
	v10 =	vmin.f32 v49, $5.120000000e+02;
	vm7 =	vgt.s32 v11, $0x0  }
0x1c9: {  	v13 =	vsel vm6, $0xFFFFFFFF, v1;
	v53 =	vtrunc.f32 v10;
	v14 =	vnsel vm7, $0x0, v11  }
0x1ca: {  	v11 =	vadd.s32 $0x1, v11;
	v8 =	vadd.s32 v13, v8;
	v46 =	vmul.f32 $5.110000000e+02, v7  }
0x1cb: {  	v7 =	vor.u32 v5, v6;
	v16 =	vcvt.f32.s32 v53;
	vm10 =	vlt.f32 v10, v53  }
0x1cc: {  	v13 =	vadd.f32 v50, v2;
	v10 =	vadd.f32 v54, v15;
	v44 =	vmin.u32 v14, $0x1FF  }
0x1cd: {  	vm8 =	vgt.s32 v11, $0x0;
	v8 =	vadd.s32 $0x1, v8;
	v17 =	vsel vm10, $0xFFFFFFFF, v1  }
0x1ce: {  	v11 =	vnsel vm8, $0x0, v11;
	vm9 =	vgt.s32 v8, $0x0;
	v45 =	vcvt.s32.f32 v44  }
0x1cf: {  	v48 =	vmul.f32 $5.000000000e-01, v46;
	v52 =	vshll.u32 v44, $0x9;
	v16 =	vadd.s32 v16, v17  }
0x1d0: {  	v13 =	vadd.f32 $1.000000000e+00, v13;
	v10 =	vadd.f32 $1.000000000e+00, v10;
	v8 =	vnsel vm9, $0x0, v8  }
0x1d1: {  	v11 =	vmin.u32 v11, $0x1FF;
	vm12 =	vgt.s32 v16, $0x0;
	v58 =	vadd.s32 $0x1, v16  }
0x1d2: {  	v47 =	vmin.u32 v8, $0x1FF;
	v5 =	vsub.f32 v45, v35;
	v8 =	vmax.f32 v48, $-1.000000000e+00  }
0x1d3: {  	v11 =	vshll.u32 v11, $0x9;
	v57 =	vnsel vm12, $0x0, v16;
	vm13 =	vgt.s32 v58, $0x0  }
0x1d4: {  	v13 =	vmul.f32 $5.110000000e+02, v13;
	v10 =	vmul.f32 $5.110000000e+02, v10;
	v51 =	vor.u32 v0, v47  }
0x1d5: {  	v8 =	vmin.f32 v8, $5.120000000e+02;
	v14 =	vnsel vm13, $0x0, v58;
	v6 =	vor.u32 v52, v51  }
0x1d6: {  	v55 =	vtrunc.f32 v8;
	v13 =	vmul.f32 $5.000000000e-01, v13;
	v14 =	vmin.u32 v14, $0x1FF  }
0x1d7: {  	v10 =	vmul.f32 $5.000000000e-01, v10;
	v5 =	vadd.f32 $1.000000000e+00, v5;
	vm11 =	vlt.f32 v8, v55  }
0x1d8: {  	v12 =	vcvt.f32.s32 v55;
	v8 =	vor.u32 v11, v51;
	v11 =	vmin.u32 v57, $0x1FF  }
0x1d9: {  	v14 =	vshll.u32 v14, $0x9;
	v56 =	vsel vm11, $0xFFFFFFFF, v1;
	v59 =	vcvt.s32.f32 v11  }
0x1da: {  	v60 =	vmax.f32 v13, $-1.000000000e+00;
	v18 =	vshll.u32 v11, $0x9;
	v10 =	vmax.f32 v10, $-1.000000000e+00  }
0x1db: {  	v12 =	vadd.s32 v56, v12;
	v16 =	vmin.f32 v60, $5.120000000e+02;
	v24 =	vmin.f32 v10, $5.120000000e+02  }
0x1dc: {  	v12 =	vadd.s32 $0x1, v12;
	v11 =	vsub.f32 v59, v9;
	v62 =	vtrunc.f32 v16  }
0x1dd: {  	v21 =	vld [tilespmem:s28+$0xFFFFFF90];
	v25 =	vtrunc.f32 v24;
	vm14 =	vgt.s32 v12, $0x0;
	v20 =	vcvt.f32.s32 v62  }
0x1de: {  	v39 =	vld [tilespmem:s8+$0x10];
	vm15 =	vlt.f32 v16, v62;
	v27 =	vcvt.f32.s32 v25;
	vm5 =	vlt.f32 v24, v25  }
0x1df: {  	v36 =	vld [tilespmem:s28+$0x10];
	v12 =	vnsel vm14, $0x0, v12;
	v16 =	vsel vm15, $0xFFFFFFFF, v1;
	v15 =	vsel vm5, $0xFFFFFFFF, v1  }
0x1e0: {  	v46 =	vld [tilespmem:s28+$0xFFFFFFA0];
	v12 =	vmin.u32 v12, $0x1FF;
	v26 =	vadd.s32 v20, v16;
	v15 =	vadd.s32 v15, v27  }
0x1e1: {  	v24 =	vld [tilespmem:s8+$0x20];
	v16 =	vmul.f32 $5.000000000e-01, v31;
	v12 =	vor.u32 v0, v12;
	vm4 =	vgt.s32 v26, $0x0  }
0x1e2: {  	v15 =	vadd.s32 $0x1, v15;
	v9 =	vor.u32 v18, v12;
	v10 =	vor.u32 v14, v12  }
0x1e3: {  	v20 =	vnsel vm4, $0x0, v26;
	v14 =	vadd.s32 $0x1, v26;
	v12 =	vadd.f32 $1.000000000e+00, v28  }
0x1e4: {  	vm7 =	vgt.s32 v15, $0x0;
	v34 =	vmax.f32 v16, $-1.000000000e+00;
	v18 =	vadd.f32 v39, v21  }
0x1e5: {  	v29 =	vmin.u32 v20, $0x1FF;
	vm6 =	vgt.s32 v14, $0x0;
	v15 =	vnsel vm7, $0x0, v15  }
0x1e6: {  	v35 =	vmin.f32 v34, $5.120000000e+02;
	v20 =	vadd.f32 v36, v2;
	v21 =	vadd.f32 v24, v46  }
0x1e7: {  	v34 =	vadd.f32 $1.000000000e+00, v11;
	v14 =	vnsel vm6, $0x0, v14;
	v12 =	vmul.f32 $5.110000000e+02, v12  }
0x1e8: {  	v32 =	vcvt.s32.f32 v29;
	v15 =	vmin.u32 v15, $0x1FF;
	v17 =	vshll.u32 v29, $0x9  }
0x1e9: {  	v38 =	vtrunc.f32 v35;
	v18 =	vadd.f32 $1.000000000e+00, v18;
	v14 =	vmin.u32 v14, $0x1FF  }
0x1ea: {  	v15 =	vor.u32 v0, v15;
	v22 =	vcvt.f32.s32 v38;
	vm8 =	vlt.f32 v35, v38  }
0x1eb: {  	v44 =	vadd.f32 $1.000000000e+00, v20;
	v21 =	vadd.f32 $1.000000000e+00, v21;
	v33 =	vmul.f32 $5.000000000e-01, v12  }
0x1ec: {  	v48 =	vld [tilespmem:s28+$0x20];
	v12 =	vsub.f32 v32, v13;
	v13 =	vor.u32 v17, v15;
	v18 =	vmul.f32 $5.110000000e+02, v18  }
0x1ed: {  	v62 =	vld [tilespmem:s28+$0xFFFFFFB0];
	v14 =	vshll.u32 v14, $0x9;
	v21 =	vmul.f32 $5.110000000e+02, v21;
	v19 =	vmax.f32 v33, $-1.000000000e+00  }
0x1ee: {  	v32 =	vld [tilespmem:s8+$0x30];
	v14 =	vor.u32 v14, v15;
	v18 =	vmul.f32 $5.000000000e-01, v18;
	v37 =	vmin.f32 v19, $5.120000000e+02  }
0x1ef: {  	v19 =	vsel vm8, $0xFFFFFFFF, v1;
	v21 =	vmul.f32 $5.000000000e-01, v21;
	v23 =	vtrunc.f32 v37  }
0x1f0: {  	v19 =	vadd.s32 v22, v19;
	v18 =	vmax.f32 v18, $-1.000000000e+00;
	vm9 =	vlt.f32 v37, v23  }
0x1f1: {  	v40 =	vcvt.f32.s32 v23;
	vm10 =	vgt.s32 v19, $0x0;
	v42 =	vadd.s32 $0x1, v19  }
0x1f2: {  	v23 =	vadd.f32 v48, v2;
	v18 =	vmin.f32 v18, $5.120000000e+02;
	v21 =	vmax.f32 v21, $-1.000000000e+00  }
0x1f3: {  	v38 =	vadd.f32 v32, v62;
	v41 =	vsel vm9, $0xFFFFFFFF, v1;
	v43 =	vnsel vm10, $0x0, v19  }
0x1f4: {  	vm11 =	vgt.s32 v42, $0x0;
	v19 =	vmul.f32 $5.110000000e+02, v44;
	v51 =	vtrunc.f32 v18  }
0x1f5: {  	v21 =	vmin.f32 v21, $5.120000000e+02;
	v17 =	vadd.s32 v41, v40;
	v15 =	vmin.u32 v43, $0x1FF  }
0x1f6: {  	v45 =	vnsel vm11, $0x0, v42;
	v52 =	vadd.f32 $1.000000000e+00, v23;
	v53 =	vcvt.f32.s32 v51  }
0x1f7: {  	vm14 =	vlt.f32 v18, v51;
	v61 =	vtrunc.f32 v21;
	v44 =	vadd.f32 $1.000000000e+00, v38  }
0x1f8: {  	v17 =	vadd.s32 $0x1, v17;
	v20 =	vmin.u32 v45, $0x1FF;
	v47 =	vcvt.s32.f32 v15  }
0x1f9: {  	v19 =	vmul.f32 $5.000000000e-01, v19;
	v15 =	vshll.u32 v15, $0x9;
	v56 =	vsel vm14, $0xFFFFFFFF, v1  }
0x1fa: {  	v59 =	vld [tilespmem:s28+$0x40];
	[tilespmem:s30+$0xFFFFFFC0] =	vst v4;
	vm6 =	vlt.f32 v21, v61;
	v30 =	vcvt.f32.s32 v61;
	v45 =	vadd.f32 $1.000000000e+00, v12  }
0x1fb: {  	[tilespmem:s29+$0xFFFFFFC0] =	vst v7;
	vm12 =	vgt.s32 v17, $0x0;
	v20 =	vshll.u32 v20, $0x9;
	v55 =	vmul.f32 $5.110000000e+02, v52  }
0x1fc: {  	[tilespmem:s31+$0xFFFFFFC0] =	vst v3;
	v3 =	vsel vm6, $0xFFFFFFFF, v1;
	v17 =	vnsel vm12, $0x0, v17;
	v16 =	vsub.f32 v47, v16  }
0x1fd: {  	v49 =	vmax.f32 v19, $-1.000000000e+00;
	v3 =	vadd.s32 v3, v30;
	v17 =	vmin.u32 v17, $0x1FF  }
0x1fe: {  	v50 =	vmin.f32 v49, $5.120000000e+02;
	v18 =	vmul.f32 $5.000000000e-01, v55;
	v3 =	vadd.s32 $0x1, v3  }
0x1ff: {  	v17 =	vor.u32 v0, v17;
	v22 =	vtrunc.f32 v50;
	vm10 =	vgt.s32 v3, $0x0  }
0x200: {  	v46 =	vadd.f32 $1.000000000e+00, v16;
	v15 =	vor.u32 v15, v17;
	v17 =	vor.u32 v20, v17  }
0x201: {  	v31 =	vld [tilespmem:s28+$0x30];
	v25 =	vcvt.f32.s32 v22;
	vm13 =	vlt.f32 v50, v22;
	v20 =	vadd.s32 v56, v53  }
0x202: {  	v58 =	vmax.f32 v18, $-1.000000000e+00;
	v3 =	vnsel vm10, $0x0, v3;
	v54 =	vsel vm13, $0xFFFFFFFF, v1  }
0x203: {  	v20 =	vadd.s32 $0x1, v20;
	v22 =	vmin.f32 v58, $5.120000000e+02;
	v3 =	vmin.u32 v3, $0x1FF  }
0x204: {  	v26 =	vld [tilespmem:s28+$0x50];
	v23 =	vadd.s32 v25, v54;
	v28 =	vtrunc.f32 v22;
	vm7 =	vgt.s32 v20, $0x0  }
0x205: {  	[tilespmem:s3+$0xFFFFFFC0] =	vst v59;
	v3 =	vor.u32 v0, v3;
	vm15 =	vgt.s32 v23, $0x0;
	v60 =	vcvt.f32.s32 v28  }
0x206: {  	[tilespmem:s30+$0xFFFFFFD0] =	vst v6;
	vm5 =	vlt.f32 v22, v28;
	v33 =	vnsel vm7, $0x0, v20;
	v22 =	vadd.f32 v31, v2  }
0x207: {  	[tilespmem:s29+$0xFFFFFFD0] =	vst v8;
	v57 =	vnsel vm15, $0x0, v23;
	v23 =	vadd.s32 $0x1, v23;
	v63 =	vsel vm5, $0xFFFFFFFF, v1  }
0x208: {  	[tilespmem:s31+$0xFFFFFFD0] =	vst v5;
	v7 =	vmin.u32 v33, $0x1FF;
	v24 =	vmin.u32 v57, $0x1FF;
	vm4 =	vgt.s32 v23, $0x0  }
0x209: {  	[tilespmem:s3+$0xFFFFFFD0] =	vst v26;
	v4 =	vadd.s32 v60, v63;
	v7 =	vor.u32 v0, v7;
	v41 =	vadd.f32 $1.000000000e+00, v22  }
0x20a: {  	v37 =	vld [tilespmem:s28+$0x60];
	[tilespmem:s30+$0xFFFFFFE0] =	vst v9;
	v23 =	vnsel vm4, $0x0, v23;
	v27 =	vcvt.s32.f32 v24;
	v36 =	vshll.u32 v24, $0x9  }
0x20b: {  	[tilespmem:s29+$0xFFFFFFE0] =	vst v10;
	vm8 =	vgt.s32 v4, $0x0;
	v39 =	vadd.s32 $0x1, v4;
	v35 =	vmin.u32 v23, $0x1FF  }
0x20c: {  	[tilespmem:s31+$0xFFFFFFE0] =	vst v34;
	v43 =	vld [tilespmem:s28+$0x70];
	v11 =	vor.u32 v36, v7;
	v4 =	vnsel vm8, $0x0, v4;
	vm9 =	vgt.s32 v39, $0x0  }
0x20d: {  	[tilespmem:s30+$0xFFFFFFF0] =	vst v13;
	v10 =	vmul.f32 $5.110000000e+02, v41;
	v19 =	vsub.f32 v27, v19;
	v8 =	vshll.u32 v35, $0x9  }
0x20e: {  	[tilespmem:s29+$0xFFFFFFF0] =	vst v14;
	v40 =	vnsel vm9, $0x0, v39;
	v42 =	vor.u32 v8, v7;
	v8 =	vmul.f32 $5.110000000e+02, v44  }
0x20f: {  	[tilespmem:s3+$0xFFFFFFE0] =	vst v37;
	v4 =	vmin.u32 v4, $0x1FF;
	v9 =	vmin.u32 v40, $0x1FF;
	v10 =	vmul.f32 $5.000000000e-01, v10  }
0x210: {  	v48 =	vld [tilespmem:s28+$0x80];
	[tilespmem:s31+$0xFFFFFFF0] =	vst v45;
	v47 =	vcvt.s32.f32 v4;
	v4 =	vshll.u32 v4, $0x9;
	v8 =	vmul.f32 $5.000000000e-01, v8  }
0x211: {  	[tilespmem:s3+$0xFFFFFFF0] =	vst v43;
	v4 =	vor.u32 v4, v3;
	v9 =	vshll.u32 v9, $0x9;
	v50 =	vmax.f32 v10, $-1.000000000e+00  }
0x212: {  	[tilespmem:s30+$0x0] =	vst v15;
	v49 =	vsub.f32 v47, v18;
	v13 =	vmin.f32 v50, $5.120000000e+02;
	v8 =	vmax.f32 v8, $-1.000000000e+00  }
0x213: {  	[tilespmem:s29+$0x0] =	vst v17;
	v3 =	vor.u32 v9, v3;
	v51 =	vtrunc.f32 v13;
	v8 =	vmin.f32 v8, $5.120000000e+02  }
0x214: {  	[tilespmem:s31+$0x0] =	vst v46;
	vm11 =	vlt.f32 v13, v51;
	v9 =	vcvt.f32.s32 v51;
	v53 =	vtrunc.f32 v8  }
0x215: {  	[tilespmem:s3+$0x0] =	vst v48;
	v54 =	vsel vm11, $0xFFFFFFFF, v1;
	vm12 =	vlt.f32 v8, v53;
	v55 =	vcvt.f32.s32 v53  }
0x216: {  	v52 =	vld [tilespmem:s28+$0x90];
	[tilespmem:s30+$0x10] =	vst v11;
	v56 =	vadd.f32 $1.000000000e+00, v19;
	v5 =	vadd.s32 v9, v54;
	v57 =	vsel vm12, $0xFFFFFFFF, v1  }
0x217: {  	[tilespmem:s29+$0x10] =	vst v42;
	v61 =	vadd.f32 $1.000000000e+00, v49;
	vm13 =	vgt.s32 v5, $0x0;
	v58 =	vadd.s32 v57, v55  }
0x218: {  	v60 =	vld [tilespmem:s28+$0xA0];
	[tilespmem:s30+$0x20] =	vst v4;
	v59 =	vadd.s32 $0x1, v5;
	v5 =	vnsel vm13, $0x0, v5;
	v6 =	vadd.s32 $0x1, v58  }
0x219: {  	[tilespmem:s31+$0x10] =	vst v56;
	vm14 =	vgt.s32 v59, $0x0;
	v5 =	vmin.u32 v5, $0x1FF;
	vm15 =	vgt.s32 v6, $0x0  }
0x21a: {  	[tilespmem:s29+$0x20] =	vst v3;
	v8 =	vnsel vm14, $0x0, v59;
	v62 =	vcvt.s32.f32 v5;
	v6 =	vnsel vm15, $0x0, v6  }
0x21b: {  	s20 =	sadd.s32 $0x8, s20;
	[tilespmem:s3+$0x10] =	vst v52;
	v3 =	vmin.u32 v8, $0x1FF;
	v6 =	vmin.u32 v6, $0x1FF  }
0x21c: {  	p1 =	slt.u32 s20, $0x18;
	v63 =	vld [tilespmem:s28+$0xB0];
	[tilespmem:s31+$0x20] =	vst v61;
	v5 =	vshll.u32 v5, $0x9;
	v7 =	vsub.f32 v62, v10;
	v6 =	vor.u32 v0, v6  }
.Ltmp5:
0x21d: {  	[tilespmem:s3+$0x20] =	vst v60;
	v3 =	vshll.u32 v3, $0x9;
	v5 =	vor.u32 v5, v6;
	(pc) =	sbr.rel @p1 .LBB2_14-.Ltmp5, $4  }
0x21e: {  	v7 =	vadd.f32 $1.000000000e+00, v7;
	v3 =	vor.u32 v3, v6;
	[tilespmem:s30+$0x30] =	vst v5  }
0x21f: {  	[tilespmem:s29+$0x30] =	vst v3  }
0x220: {  	s8 =	sadd.s32 $0x80, s8;
	s28 =	sadd.s32 $0x200, s28;
	s30 =	sadd.s32 $0x80, s30;
	[tilespmem:s31+$0x30] =	vst v7  }
0x221: {  	s29 =	sadd.s32 $0x80, s29;
	s31 =	sadd.s32 $0x80, s31;
	[tilespmem:s3+$0x30] =	vst v63;
	s3 =	sadd.s32 $0x80, s3  }
0x222: {  	s26 =	sadd.s32 $0x1, s26  }
0x223: {  	p1 =	sne.s32 s26, $0x4  }
.Ltmp6:
0x224: {  	_ = 	snop;
	(pc) =	sbr.rel @p1 .LBB2_13-.Ltmp6, $3  }
0x225: {  	_ =	sdelay $0x1  }
0x226: {  	s2 =	sadd.s32 $0x800, s2;
	s1 =	sadd.s32 $0x200, s1  }
0x227: {  	s23 =	sadd.s32 $0x200, s23;
	s17 =	sadd.s32 $0x200, s17;
	s13 =	sadd.s32 $0x200, s13  }
0x228: {  	s1 =	simm.s32 $0x2000;
	s2 =	simm.s32 $0x3000;
	s30 =	rddreg [dreg:$0xa]  }
0x229: {  	[tilespmem:s2], [sflag:$0x2] =	stream.indirect.gather [spmem:s4], $0x1, s1, s25, $0xb8;
	[tilespmem:$0x1B400] =	vst v63  }
0x22a: {  	s1 =	sadd.s32 s21, s30  }
0x22b: {  	s28 =	simm.s32 $0x2800;
	s29 =	simm.s32 $0x3800;
	s1 =	sshll.u32 s1, $0xB  }
0x22c: {  	[tilespmem:s29], [sflag:$0x2] =	stream.indirect.gather [spmem:s4], $0x1, s28, s25, $0xb8;
	[tilespmem:$0x1B400] =	vst v63  }
0x22d: {  	s1 =	sadd.s32 s7, s1  }
0x22e: {  	s1 =	sshrl.u32 s1, $0x3  }
0x22f: {  	s31 =	simm.s32 $0x5800;
	s1 =	sadd.s32 s14, s1  }
0x230: {  	[tilespmem:s31], [sflag:$0x4] =	stream.linear.gather [hbm4b:s1+s5], $0x2000, $0x38;
	[tilespmem:$0x1B400] =	vst v63  }
0x231: {  	_ =	swait.ge [sflag:s18], $0x800  }
0x232: {  	[sflag:s18] =	ssyncset.done $0x0  }
0x233: {  	[sflag:s18] =	ssyncadd.s32 $0xFFFFF800  }
0x234: {  	_ =	swait.ge [sflag:s18], $0x800  }
0x235: {  	[sflag:s18] =	ssyncset.done $0x0  }
0x236: {  	s1 =	simm.s32 @!p0 $0x6;
	[sflag:s18] =	ssyncadd.s32 $0xFFFFF800  }
0x237: {  	_ =	swait.ge @!p0 [sflag:s1], $0x800  }
0x238: {  	[sflag:s1] =	ssyncset.done @!p0 $0x0  }
0x239: {  	s6 =	simm.s32 $0x9840;
	[sflag:s1] =	ssyncadd.s32 @!p0 $0xFFFFF800  }
0x23a: {  	s1 =	simm.s32 $0x8840;
	v2 =	vld [tilespmem:s6+$0x30]  }
0x23b: {  	s2 =	simm.s32 $0x9040;
	v3 =	vld [tilespmem:s1+$0x30]  }
0x23c: {  	v4 =	vld [tilespmem:s2+$0x30]  }
0x23d: {  	v6 =	vld [tilespmem:s6+$0xFFFFFFC0]  }
0x23e: {  	v5 =	vld [tilespmem:s6+$0xFFFFFFD0]  }
0x23f: {  	s3 =	simm.s32 $0xA040;
	v7 =	vld [tilespmem:s6+$0xFFFFFFE0]  }
0x240: {  	v8 =	vld [tilespmem:s3+$0x30]  }
0x241: {  	v9 =	vld [tilespmem:s6+$0xFFFFFFF0]  }
0x242: {  	v10 =	vld [tilespmem:s6+$0x0]  }
0x243: {  	v11 =	vld [tilespmem:s6+$0x10]  }
0x244: {  	v12 =	vld [tilespmem:s6+$0x20]  }
0x245: {  	v13 =	vld [tilespmem:s2+$0xFFFFFFC0]  }
0x246: {  	v14 =	vld [tilespmem:s1+$0xFFFFFFD0]  }
0x247: {  	v15 =	vld [tilespmem:s2+$0xFFFFFFD0]  }
0x248: {  	v16 =	vld [tilespmem:s1+$0xFFFFFFE0]  }
0x249: {  	v17 =	vld [tilespmem:s2+$0xFFFFFFE0]  }
0x24a: {  	v19 =	vld [tilespmem:s1+$0xFFFFFFF0]  }
0x24b: {  	v20 =	vld [tilespmem:s2+$0xFFFFFFF0];
	v18 =	vsub.f32 $1.000000000e+00, v2  }
0x24c: {  	v57 =	vld [tilespmem:s2+$0x0]  }
0x24d: {  	v23 =	vld [tilespmem:s2+$0x10];
	v2 =	vmul.f32 v2, v3;
	v3 =	vmul.f32 v18, v4  }
0x24e: {  	v58 =	vld [tilespmem:s2+$0x20];
	v21 =	vsub.f32 $1.000000000e+00, v6  }
0x24f: {  	v22 =	vsub.f32 $1.000000000e+00, v5;
	v4 =	vld [tilespmem:s1+$0x0];
	v2 =	vadd.f32 v3, v2  }
0x250: {  	v5 =	vmul.f32 v5, v14;
	v14 =	vsub.f32 $1.000000000e+00, v9;
	v9 =	vmul.f32 v9, v19;
	v3 =	vld [tilespmem:s1+$0x10]  }
0x251: {  	v61 =	vsub.f32 $1.000000000e+00, v11;
	v13 =	vmul.f32 v21, v13;
	v24 =	vsub.f32 v2, v8;
	v8 =	vld [tilespmem:s1+$0x20]  }
0x252: {  	v60 =	vld [tilespmem:s1+$0xFFFFFFC0];
	v15 =	vmul.f32 v22, v15;
	v14 =	vmul.f32 v14, v20;
	v2 =	vsub.f32 $1.000000000e+00, v7  }
0x253: {  	v62 =	vld [tilespmem:s3+$0xFFFFFFD0];
	v59 =	vsub.f32 $1.000000000e+00, v10;
	v19 =	vmul.f32 v61, v23;
	v7 =	vmul.f32 v7, v16  }
0x254: {  	v10 =	vmul.f32 v10, v4;
	v4 =	vsub.f32 $1.000000000e+00, v12;
	v17 =	vmul.f32 v2, v17;
	v2 =	vld [tilespmem:s3+$0xFFFFFFC0]  }
0x255: {  	v15 =	vadd.f32 v15, v5;
	v16 =	vmul.f32 v59, v57;
	v63 =	vmul.f32 v11, v3;
	v11 =	vld [tilespmem:s3+$0xFFFFFFE0]  }
0x256: {  	v3 =	vadd.f32 v17, v7;
	v7 =	vmul.f32 v12, v8;
	v8 =	vld [tilespmem:s3+$0xFFFFFFF0];
	v12 =	vmul.f32 v4, v58  }
0x257: {  	v5 =	vadd.f32 v16, v10;
	v10 =	vld [tilespmem:s3+$0x0];
	v4 =	vadd.f32 v14, v9;
	v14 =	vmul.f32 v6, v60  }
0x258: {  	s6 =	simm.s32 $0xA840;
	v6 =	vadd.f32 v19, v63;
	v9 =	vld [tilespmem:s3+$0x10];
	v7 =	vadd.f32 v12, v7  }
0x259: {  	s8 =	simm.s32 $0x0;
	s13 =	simm.s32 $0x98C0;
	[tilespmem:s6+$0x30] =	vst v24;
	v13 =	vadd.f32 v13, v14;
	v14 =	vsub.f32 v15, v62;
	v12 =	vld [tilespmem:s3+$0x20]  }
.LBB2_17:
0x25a: {  	v15 =	vld [tilespmem:s13+$0x30];
	s8 =	sadd.s32 $0x8, s8;
	v3 =	vsub.f32 v3, v11;
	s1 =	sadd.s32 $0x80, s1  }
0x25b: {  	s2 =	sadd.s32 $0x80, s2;
	v11 =	vld [tilespmem:s1+$0x30];
	p0 =	slt.u32 s8, $0x78;
	v2 =	vsub.f32 v13, v2;
	[tilespmem:s6+$0xFFFFFFD0] =	vst v14;
	v4 =	vsub.f32 v4, v8  }
0x25c: {  	v8 =	vld [tilespmem:s2+$0x30];
	[tilespmem:s6+$0xFFFFFFE0] =	vst v3;
	v3 =	vsub.f32 v5, v10  }
0x25d: {  	v10 =	vld [tilespmem:s13+$0xFFFFFFC0];
	[tilespmem:s6+$0xFFFFFFC0] =	vst v2;
	v2 =	vsub.f32 v6, v9  }
0x25e: {  	v5 =	vld [tilespmem:s13+$0xFFFFFFD0];
	[tilespmem:s6+$0xFFFFFFF0] =	vst v4;
	v4 =	vsub.f32 v7, v12  }
0x25f: {  	s3 =	sadd.s32 $0x80, s3;
	v6 =	vld [tilespmem:s13+$0xFFFFFFE0];
	v7 =	vsub.f32 $1.000000000e+00, v15;
	[tilespmem:s6+$0x0] =	vst v3  }
0x260: {  	v3 =	vld [tilespmem:s3+$0x30];
	[tilespmem:s6+$0x10] =	vst v2  }
0x261: {  	v9 =	vmul.f32 v15, v11;
	v2 =	vld [tilespmem:s13+$0xFFFFFFF0];
	v7 =	vmul.f32 v7, v8;
	[tilespmem:s6+$0x20] =	vst v4  }
0x262: {  	v4 =	vsub.f32 $1.000000000e+00, v10;
	v8 =	vld [tilespmem:s13+$0x0]  }
0x263: {  	v11 =	vsub.f32 $1.000000000e+00, v5;
	v12 =	vld [tilespmem:s13+$0x10];
	v7 =	vadd.f32 v7, v9  }
0x264: {  	v9 =	vsub.f32 $1.000000000e+00, v6;
	v13 =	vld [tilespmem:s13+$0x20]  }
0x265: {  	v14 =	vld [tilespmem:s2+$0xFFFFFFC0];
	v3 =	vsub.f32 v7, v3  }
0x266: {  	s6 =	sadd.s32 $0x80, s6;
	v7 =	vld [tilespmem:s1+$0xFFFFFFD0];
	v15 =	vsub.f32 $1.000000000e+00, v2  }
0x267: {  	v16 =	vld [tilespmem:s2+$0xFFFFFFD0];
	v17 =	vsub.f32 $1.000000000e+00, v8;
	[tilespmem:s6+$0x30] =	vst v3  }
0x268: {  	v3 =	vld [tilespmem:s1+$0xFFFFFFE0];
	v18 =	vsub.f32 $1.000000000e+00, v12  }
0x269: {  	v19 =	vld [tilespmem:s2+$0xFFFFFFE0];
	v20 =	vsub.f32 $1.000000000e+00, v13  }
0x26a: {  	v14 =	vmul.f32 v4, v14;
	v4 =	vld [tilespmem:s1+$0xFFFFFFF0]  }
0x26b: {  	v5 =	vmul.f32 v5, v7;
	v7 =	vld [tilespmem:s2+$0xFFFFFFF0]  }
0x26c: {  	v11 =	vmul.f32 v11, v16;
	v16 =	vld [tilespmem:s1+$0x0]  }
0x26d: {  	v3 =	vmul.f32 v6, v3;
	v6 =	vld [tilespmem:s2+$0x0]  }
0x26e: {  	v21 =	vadd.f32 v11, v5;
	v5 =	vmul.f32 v9, v19;
	v9 =	vld [tilespmem:s1+$0x10]  }
0x26f: {  	v2 =	vmul.f32 v2, v4;
	v11 =	vld [tilespmem:s2+$0x10]  }
0x270: {  	v3 =	vadd.f32 v5, v3;
	v4 =	vmul.f32 v15, v7;
	v7 =	vld [tilespmem:s1+$0x20]  }
0x271: {  	v5 =	vmul.f32 v8, v16;
	v15 =	vld [tilespmem:s2+$0x20]  }
0x272: {  	v16 =	vld [tilespmem:s1+$0xFFFFFFC0];
	v4 =	vadd.f32 v4, v2;
	v6 =	vmul.f32 v17, v6  }
0x273: {  	v2 =	vld [tilespmem:s3+$0xFFFFFFC0];
	v9 =	vmul.f32 v12, v9  }
0x274: {  	v12 =	vld [tilespmem:s3+$0xFFFFFFD0];
	v5 =	vadd.f32 v6, v5;
	v6 =	vmul.f32 v18, v11  }
.Ltmp7:
0x275: {  	v11 =	vld [tilespmem:s3+$0xFFFFFFE0];
	v7 =	vmul.f32 v13, v7;
	(pc) =	sbr.rel @p0 .LBB2_17-.Ltmp7, $4  }
0x276: {  	v8 =	vld [tilespmem:s3+$0xFFFFFFF0];
	v6 =	vadd.f32 v6, v9;
	v13 =	vmul.f32 v20, v15  }
0x277: {  	v15 =	vmul.f32 v10, v16;
	v10 =	vld [tilespmem:s3+$0x0]  }
0x278: {  	v9 =	vld [tilespmem:s3+$0x10];
	v7 =	vadd.f32 v13, v7  }
0x279: {  	s13 =	sadd.s32 $0x80, s13;
	v13 =	vadd.f32 v14, v15;
	v14 =	vsub.f32 v21, v12;
	v12 =	vld [tilespmem:s3+$0x20]  }
0x27a: {  	v3 =	vsub.f32 v3, v11  }
0x27b: {  	v2 =	vsub.f32 v13, v2;
	[tilespmem:s6+$0xFFFFFFD0] =	vst v14  }
0x27c: {  	s24 =	sadd.s32 $0x1, s24;
	v4 =	vsub.f32 v4, v8;
	[tilespmem:s6+$0xFFFFFFE0] =	vst v3  }
0x27d: {  	p0 =	sne.s32 s24, $0xF;
	v3 =	vsub.f32 v5, v10;
	[tilespmem:s6+$0xFFFFFFC0] =	vst v2  }
.Ltmp8:
0x27e: {  	s1 =	sshll.u32 s11, $0xB;
	v2 =	vsub.f32 v6, v9;
	[tilespmem:s6+$0xFFFFFFF0] =	vst v4;
	(pc) =	sbr.rel @p0 .LBB2_6-.Ltmp8, $4  }
0x27f: {  	s1 =	sadd.s32 s9, s1;
	v63 =	vsub.f32 v7, v12;
	[tilespmem:s6+$0x0] =	vst v3  }
0x280: {  	s1 =	sshrl.u32 s1, $0x3;
	[tilespmem:s6+$0x10] =	vst v2  }
0x281: {  	s2 =	simm.s32 $0xA800;
	s1 =	sadd.s32 s15, s1;
	[tilespmem:s6+$0x20] =	vst v63  }
0x282: {  	[hbm4b:s1+s5] =	stream.linear.scatter [tilespmem:s2], [sflag:$0x6], $0x800, $0x38;
	[tilespmem:$0x1B400] =	vst v63  }
0x283: {  	_ =	swait.ge [sflag:s0], $0x2000;
	s6 =	simm.s32 $0x0;
	s11 =	simm.s32 $0x58C0  }
0x284: {  	s21 =	simm.s32 $0x8040;
	s24 =	simm.s32 $0x7840;
	[sflag:s0] =	ssyncset.done $0x0  }
0x285: {  	s26 =	simm.s32 $0x9840;
	s3 =	simm.s32 $0xA040;
	[sflag:s0] =	ssyncadd.s32 $0xFFFFE000  }
.LBB2_20:
0x286: {  	s1 =	sor.u32 s19, s6  }
0x287: {  	v2 =	vmov s1;
	_ =	sdelay $0x2  }
0x288: {  	s20 =	simm.s32 $0xFFFFFFF8  }
0x289: {  	s8 =	simm.s32 $0xB040;
	s13 =	smov.u32 s3;
	s17 =	smov.u32 s26  }
0x28a: {  	s23 =	smov.u32 s24;
	s2 =	smov.u32 s11;
	s1 =	smov.u32 s21;
	v2 =	vld.idx.msk [tilespmem:v2+s22+$0x0], $0xffff  }
.LBB2_21:
0x28b: {  	v3 =	vld [tilespmem:s2+$0xFFFFFFC0]  }
0x28c: {  	v4 =	vld [tilespmem:s2+$0xFFFFFF40]  }
0x28d: {  	v5 =	vld [tilespmem:s8+$0xFFFFFFC0];
	_ =	sdelay $0x3  }
0x28e: {  	v3 =	vadd.f32 v3, v2  }
0x28f: {  	v4 =	vadd.f32 v5, v4  }
0x290: {  	v3 =	vadd.f32 $1.000000000e+00, v3  }
0x291: {  	v6 =	vld [tilespmem:s2+$0xFFFFFFD0];
	v4 =	vadd.f32 $1.000000000e+00, v4  }
0x292: {  	v19 =	vld [tilespmem:s2+$0x0];
	v3 =	vmul.f32 $5.110000000e+02, v3  }
0x293: {  	v61 =	vld [tilespmem:s2+$0xFFFFFF80];
	v4 =	vmul.f32 $5.110000000e+02, v4  }
0x294: {  	v63 =	vld [tilespmem:s8+$0x0];
	v3 =	vmul.f32 $5.000000000e-01, v3  }
0x295: {  	v8 =	vld [tilespmem:s2+$0xFFFFFF50];
	v4 =	vmul.f32 $5.000000000e-01, v4  }
0x296: {  	v29 =	vld [tilespmem:s8+$0xFFFFFFD0];
	v6 =	vadd.f32 v6, v2;
	v28 =	vmax.f32 v3, $-1.000000000e+00  }
0x297: {  	v19 =	vadd.f32 v19, v2;
	v4 =	vmax.f32 v4, $-1.000000000e+00;
	v5 =	vmin.f32 v28, $5.120000000e+02  }
0x298: {  	v31 =	vadd.f32 $1.000000000e+00, v6;
	v4 =	vmin.f32 v4, $5.120000000e+02;
	v7 =	vtrunc.f32 v5  }
0x299: {  	v39 =	vld [tilespmem:s2+$0xFFFFFFE0];
	v28 =	vadd.f32 v63, v61;
	v30 =	vtrunc.f32 v4;
	v9 =	vcvt.f32.s32 v7  }
0x29a: {  	vm0 =	vlt.f32 v5, v7;
	v10 =	vcvt.f32.s32 v30;
	vm14 =	vlt.f32 v4, v30  }
0x29b: {  	v5 =	vadd.f32 v29, v8;
	v4 =	vmul.f32 $5.110000000e+02, v31;
	v7 =	vsel vm0, $0xFFFFFFFF, v1  }
0x29c: {  	v30 =	vadd.f32 $1.000000000e+00, v19;
	v32 =	vsel vm14, $0xFFFFFFFF, v1;
	v7 =	vadd.s32 v9, v7  }
0x29d: {  	v5 =	vadd.f32 $1.000000000e+00, v5;
	v6 =	vadd.s32 v32, v10;
	v35 =	vmul.f32 $5.000000000e-01, v4  }
0x29e: {  	v9 =	vadd.f32 v39, v2;
	v31 =	vmul.f32 $5.110000000e+02, v30;
	vm13 =	vgt.s32 v7, $0x0  }
0x29f: {  	v6 =	vadd.s32 $0x1, v6;
	v11 =	vnsel vm13, $0x0, v7;
	v7 =	vadd.s32 $0x1, v7  }
0x2a0: {  	v36 =	vmul.f32 $5.110000000e+02, v5;
	vm4 =	vgt.s32 v6, $0x0;
	v38 =	vmax.f32 v35, $-1.000000000e+00  }
0x2a1: {  	v9 =	vadd.f32 $1.000000000e+00, v9;
	v33 =	vmin.u32 v11, $0x1FF;
	vm15 =	vgt.s32 v7, $0x0  }
0x2a2: {  	v12 =	vld [tilespmem:s2+$0xFFFFFF60];
	v6 =	vnsel vm4, $0x0, v6;
	v7 =	vnsel vm15, $0x0, v7;
	v34 =	vcvt.s32.f32 v33  }
0x2a3: {  	v41 =	vld [tilespmem:s8+$0xFFFFFFE0];
	v4 =	vmul.f32 $5.000000000e-01, v36;
	v6 =	vmin.u32 v6, $0x1FF;
	v42 =	vshll.u32 v33, $0x9  }
0x2a4: {  	v9 =	vmul.f32 $5.110000000e+02, v9;
	v37 =	vmin.u32 v7, $0x1FF;
	v7 =	vmin.f32 v38, $5.120000000e+02  }
0x2a5: {  	v6 =	vor.u32 v0, v6;
	v3 =	vsub.f32 v34, v3;
	v4 =	vmax.f32 v4, $-1.000000000e+00  }
0x2a6: {  	v40 =	vtrunc.f32 v7;
	v5 =	vshll.u32 v37, $0x9;
	v9 =	vmul.f32 $5.000000000e-01, v9  }
0x2a7: {  	v13 =	vmin.f32 v4, $5.120000000e+02;
	v14 =	vcvt.f32.s32 v40;
	vm5 =	vlt.f32 v7, v40  }
0x2a8: {  	v50 =	vld [tilespmem:s2+$0xFFFFFFF0];
	v4 =	vor.u32 v42, v6;
	v7 =	vadd.f32 v41, v12;
	v3 =	vadd.f32 $1.000000000e+00, v3  }
0x2a9: {  	v15 =	vld [tilespmem:s2+$0xFFFFFF70];
	v43 =	vtrunc.f32 v13;
	v11 =	vsel vm5, $0xFFFFFFFF, v1;
	v49 =	vmax.f32 v9, $-1.000000000e+00  }
0x2aa: {  	v54 =	vld [tilespmem:s8+$0xFFFFFFF0];
	v11 =	vadd.s32 v14, v11;
	vm6 =	vlt.f32 v13, v43;
	v8 =	vcvt.f32.s32 v43  }
0x2ab: {  	v7 =	vadd.f32 $1.000000000e+00, v7;
	v10 =	vmin.f32 v49, $5.120000000e+02;
	vm7 =	vgt.s32 v11, $0x0  }
0x2ac: {  	v13 =	vsel vm6, $0xFFFFFFFF, v1;
	v53 =	vtrunc.f32 v10;
	v14 =	vnsel vm7, $0x0, v11  }
0x2ad: {  	v11 =	vadd.s32 $0x1, v11;
	v8 =	vadd.s32 v13, v8;
	v46 =	vmul.f32 $5.110000000e+02, v7  }
0x2ae: {  	v7 =	vor.u32 v5, v6;
	v16 =	vcvt.f32.s32 v53;
	vm10 =	vlt.f32 v10, v53  }
0x2af: {  	v13 =	vadd.f32 v50, v2;
	v10 =	vadd.f32 v54, v15;
	v44 =	vmin.u32 v14, $0x1FF  }
0x2b0: {  	vm8 =	vgt.s32 v11, $0x0;
	v8 =	vadd.s32 $0x1, v8;
	v17 =	vsel vm10, $0xFFFFFFFF, v1  }
0x2b1: {  	v11 =	vnsel vm8, $0x0, v11;
	vm9 =	vgt.s32 v8, $0x0;
	v45 =	vcvt.s32.f32 v44  }
0x2b2: {  	v48 =	vmul.f32 $5.000000000e-01, v46;
	v52 =	vshll.u32 v44, $0x9;
	v16 =	vadd.s32 v16, v17  }
0x2b3: {  	v13 =	vadd.f32 $1.000000000e+00, v13;
	v10 =	vadd.f32 $1.000000000e+00, v10;
	v8 =	vnsel vm9, $0x0, v8  }
0x2b4: {  	v11 =	vmin.u32 v11, $0x1FF;
	vm12 =	vgt.s32 v16, $0x0;
	v58 =	vadd.s32 $0x1, v16  }
0x2b5: {  	v47 =	vmin.u32 v8, $0x1FF;
	v5 =	vsub.f32 v45, v35;
	v8 =	vmax.f32 v48, $-1.000000000e+00  }
0x2b6: {  	v11 =	vshll.u32 v11, $0x9;
	v57 =	vnsel vm12, $0x0, v16;
	vm13 =	vgt.s32 v58, $0x0  }
0x2b7: {  	v13 =	vmul.f32 $5.110000000e+02, v13;
	v10 =	vmul.f32 $5.110000000e+02, v10;
	v51 =	vor.u32 v0, v47  }
0x2b8: {  	v8 =	vmin.f32 v8, $5.120000000e+02;
	v14 =	vnsel vm13, $0x0, v58;
	v6 =	vor.u32 v52, v51  }
0x2b9: {  	v55 =	vtrunc.f32 v8;
	v13 =	vmul.f32 $5.000000000e-01, v13;
	v14 =	vmin.u32 v14, $0x1FF  }
0x2ba: {  	v10 =	vmul.f32 $5.000000000e-01, v10;
	v5 =	vadd.f32 $1.000000000e+00, v5;
	vm11 =	vlt.f32 v8, v55  }
0x2bb: {  	v12 =	vcvt.f32.s32 v55;
	v8 =	vor.u32 v11, v51;
	v11 =	vmin.u32 v57, $0x1FF  }
0x2bc: {  	v14 =	vshll.u32 v14, $0x9;
	v56 =	vsel vm11, $0xFFFFFFFF, v1;
	v59 =	vcvt.s32.f32 v11  }
0x2bd: {  	v60 =	vmax.f32 v13, $-1.000000000e+00;
	v18 =	vshll.u32 v11, $0x9;
	v10 =	vmax.f32 v10, $-1.000000000e+00  }
0x2be: {  	v12 =	vadd.s32 v56, v12;
	v16 =	vmin.f32 v60, $5.120000000e+02;
	v24 =	vmin.f32 v10, $5.120000000e+02  }
0x2bf: {  	v12 =	vadd.s32 $0x1, v12;
	v11 =	vsub.f32 v59, v9;
	v62 =	vtrunc.f32 v16  }
0x2c0: {  	v21 =	vld [tilespmem:s2+$0xFFFFFF90];
	v25 =	vtrunc.f32 v24;
	vm14 =	vgt.s32 v12, $0x0;
	v20 =	vcvt.f32.s32 v62  }
0x2c1: {  	v39 =	vld [tilespmem:s8+$0x10];
	vm15 =	vlt.f32 v16, v62;
	v27 =	vcvt.f32.s32 v25;
	vm5 =	vlt.f32 v24, v25  }
0x2c2: {  	v36 =	vld [tilespmem:s2+$0x10];
	v12 =	vnsel vm14, $0x0, v12;
	v16 =	vsel vm15, $0xFFFFFFFF, v1;
	v15 =	vsel vm5, $0xFFFFFFFF, v1  }
0x2c3: {  	v46 =	vld [tilespmem:s2+$0xFFFFFFA0];
	v12 =	vmin.u32 v12, $0x1FF;
	v26 =	vadd.s32 v20, v16;
	v15 =	vadd.s32 v15, v27  }
0x2c4: {  	v24 =	vld [tilespmem:s8+$0x20];
	v16 =	vmul.f32 $5.000000000e-01, v31;
	v12 =	vor.u32 v0, v12;
	vm4 =	vgt.s32 v26, $0x0  }
0x2c5: {  	v15 =	vadd.s32 $0x1, v15;
	v9 =	vor.u32 v18, v12;
	v10 =	vor.u32 v14, v12  }
0x2c6: {  	v20 =	vnsel vm4, $0x0, v26;
	v14 =	vadd.s32 $0x1, v26;
	v12 =	vadd.f32 $1.000000000e+00, v28  }
0x2c7: {  	vm7 =	vgt.s32 v15, $0x0;
	v34 =	vmax.f32 v16, $-1.000000000e+00;
	v18 =	vadd.f32 v39, v21  }
0x2c8: {  	v29 =	vmin.u32 v20, $0x1FF;
	vm6 =	vgt.s32 v14, $0x0;
	v15 =	vnsel vm7, $0x0, v15  }
0x2c9: {  	v35 =	vmin.f32 v34, $5.120000000e+02;
	v20 =	vadd.f32 v36, v2;
	v21 =	vadd.f32 v24, v46  }
0x2ca: {  	v34 =	vadd.f32 $1.000000000e+00, v11;
	v14 =	vnsel vm6, $0x0, v14;
	v12 =	vmul.f32 $5.110000000e+02, v12  }
0x2cb: {  	v32 =	vcvt.s32.f32 v29;
	v15 =	vmin.u32 v15, $0x1FF;
	v17 =	vshll.u32 v29, $0x9  }
0x2cc: {  	v38 =	vtrunc.f32 v35;
	v18 =	vadd.f32 $1.000000000e+00, v18;
	v14 =	vmin.u32 v14, $0x1FF  }
0x2cd: {  	v15 =	vor.u32 v0, v15;
	v22 =	vcvt.f32.s32 v38;
	vm8 =	vlt.f32 v35, v38  }
0x2ce: {  	v44 =	vadd.f32 $1.000000000e+00, v20;
	v21 =	vadd.f32 $1.000000000e+00, v21;
	v33 =	vmul.f32 $5.000000000e-01, v12  }
0x2cf: {  	v48 =	vld [tilespmem:s2+$0x20];
	v12 =	vsub.f32 v32, v13;
	v13 =	vor.u32 v17, v15;
	v18 =	vmul.f32 $5.110000000e+02, v18  }
0x2d0: {  	v62 =	vld [tilespmem:s2+$0xFFFFFFB0];
	v14 =	vshll.u32 v14, $0x9;
	v21 =	vmul.f32 $5.110000000e+02, v21;
	v19 =	vmax.f32 v33, $-1.000000000e+00  }
0x2d1: {  	v32 =	vld [tilespmem:s8+$0x30];
	v14 =	vor.u32 v14, v15;
	v18 =	vmul.f32 $5.000000000e-01, v18;
	v37 =	vmin.f32 v19, $5.120000000e+02  }
0x2d2: {  	v19 =	vsel vm8, $0xFFFFFFFF, v1;
	v21 =	vmul.f32 $5.000000000e-01, v21;
	v23 =	vtrunc.f32 v37  }
0x2d3: {  	v19 =	vadd.s32 v22, v19;
	v18 =	vmax.f32 v18, $-1.000000000e+00;
	vm9 =	vlt.f32 v37, v23  }
0x2d4: {  	v40 =	vcvt.f32.s32 v23;
	vm10 =	vgt.s32 v19, $0x0;
	v42 =	vadd.s32 $0x1, v19  }
0x2d5: {  	v23 =	vadd.f32 v48, v2;
	v18 =	vmin.f32 v18, $5.120000000e+02;
	v21 =	vmax.f32 v21, $-1.000000000e+00  }
0x2d6: {  	v38 =	vadd.f32 v32, v62;
	v41 =	vsel vm9, $0xFFFFFFFF, v1;
	v43 =	vnsel vm10, $0x0, v19  }
0x2d7: {  	vm11 =	vgt.s32 v42, $0x0;
	v19 =	vmul.f32 $5.110000000e+02, v44;
	v51 =	vtrunc.f32 v18  }
0x2d8: {  	v21 =	vmin.f32 v21, $5.120000000e+02;
	v17 =	vadd.s32 v41, v40;
	v15 =	vmin.u32 v43, $0x1FF  }
0x2d9: {  	v45 =	vnsel vm11, $0x0, v42;
	v52 =	vadd.f32 $1.000000000e+00, v23;
	v53 =	vcvt.f32.s32 v51  }
0x2da: {  	vm14 =	vlt.f32 v18, v51;
	v61 =	vtrunc.f32 v21;
	v44 =	vadd.f32 $1.000000000e+00, v38  }
0x2db: {  	v17 =	vadd.s32 $0x1, v17;
	v20 =	vmin.u32 v45, $0x1FF;
	v47 =	vcvt.s32.f32 v15  }
0x2dc: {  	v19 =	vmul.f32 $5.000000000e-01, v19;
	v15 =	vshll.u32 v15, $0x9;
	v56 =	vsel vm14, $0xFFFFFFFF, v1  }
0x2dd: {  	v59 =	vld [tilespmem:s2+$0x40];
	[tilespmem:s23+$0xFFFFFFC0] =	vst v4;
	vm6 =	vlt.f32 v21, v61;
	v30 =	vcvt.f32.s32 v61;
	v45 =	vadd.f32 $1.000000000e+00, v12  }
0x2de: {  	[tilespmem:s1+$0xFFFFFFC0] =	vst v7;
	vm12 =	vgt.s32 v17, $0x0;
	v20 =	vshll.u32 v20, $0x9;
	v55 =	vmul.f32 $5.110000000e+02, v52  }
0x2df: {  	[tilespmem:s17+$0xFFFFFFC0] =	vst v3;
	v3 =	vsel vm6, $0xFFFFFFFF, v1;
	v17 =	vnsel vm12, $0x0, v17;
	v16 =	vsub.f32 v47, v16  }
0x2e0: {  	v49 =	vmax.f32 v19, $-1.000000000e+00;
	v3 =	vadd.s32 v3, v30;
	v17 =	vmin.u32 v17, $0x1FF  }
0x2e1: {  	v50 =	vmin.f32 v49, $5.120000000e+02;
	v18 =	vmul.f32 $5.000000000e-01, v55;
	v3 =	vadd.s32 $0x1, v3  }
0x2e2: {  	v17 =	vor.u32 v0, v17;
	v22 =	vtrunc.f32 v50;
	vm10 =	vgt.s32 v3, $0x0  }
0x2e3: {  	v46 =	vadd.f32 $1.000000000e+00, v16;
	v15 =	vor.u32 v15, v17;
	v17 =	vor.u32 v20, v17  }
0x2e4: {  	v31 =	vld [tilespmem:s2+$0x30];
	v25 =	vcvt.f32.s32 v22;
	vm13 =	vlt.f32 v50, v22;
	v20 =	vadd.s32 v56, v53  }
0x2e5: {  	v58 =	vmax.f32 v18, $-1.000000000e+00;
	v3 =	vnsel vm10, $0x0, v3;
	v54 =	vsel vm13, $0xFFFFFFFF, v1  }
0x2e6: {  	v20 =	vadd.s32 $0x1, v20;
	v22 =	vmin.f32 v58, $5.120000000e+02;
	v3 =	vmin.u32 v3, $0x1FF  }
0x2e7: {  	v26 =	vld [tilespmem:s2+$0x50];
	v23 =	vadd.s32 v25, v54;
	v28 =	vtrunc.f32 v22;
	vm7 =	vgt.s32 v20, $0x0  }
0x2e8: {  	[tilespmem:s13+$0xFFFFFFC0] =	vst v59;
	v3 =	vor.u32 v0, v3;
	vm15 =	vgt.s32 v23, $0x0;
	v60 =	vcvt.f32.s32 v28  }
0x2e9: {  	[tilespmem:s23+$0xFFFFFFD0] =	vst v6;
	vm5 =	vlt.f32 v22, v28;
	v33 =	vnsel vm7, $0x0, v20;
	v22 =	vadd.f32 v31, v2  }
0x2ea: {  	[tilespmem:s1+$0xFFFFFFD0] =	vst v8;
	v57 =	vnsel vm15, $0x0, v23;
	v23 =	vadd.s32 $0x1, v23;
	v63 =	vsel vm5, $0xFFFFFFFF, v1  }
0x2eb: {  	[tilespmem:s17+$0xFFFFFFD0] =	vst v5;
	v7 =	vmin.u32 v33, $0x1FF;
	v24 =	vmin.u32 v57, $0x1FF;
	vm4 =	vgt.s32 v23, $0x0  }
0x2ec: {  	[tilespmem:s13+$0xFFFFFFD0] =	vst v26;
	v4 =	vadd.s32 v60, v63;
	v7 =	vor.u32 v0, v7;
	v41 =	vadd.f32 $1.000000000e+00, v22  }
0x2ed: {  	v37 =	vld [tilespmem:s2+$0x60];
	[tilespmem:s23+$0xFFFFFFE0] =	vst v9;
	v23 =	vnsel vm4, $0x0, v23;
	v27 =	vcvt.s32.f32 v24;
	v36 =	vshll.u32 v24, $0x9  }
0x2ee: {  	[tilespmem:s1+$0xFFFFFFE0] =	vst v10;
	vm8 =	vgt.s32 v4, $0x0;
	v39 =	vadd.s32 $0x1, v4;
	v35 =	vmin.u32 v23, $0x1FF  }
0x2ef: {  	[tilespmem:s17+$0xFFFFFFE0] =	vst v34;
	v43 =	vld [tilespmem:s2+$0x70];
	v11 =	vor.u32 v36, v7;
	v4 =	vnsel vm8, $0x0, v4;
	vm9 =	vgt.s32 v39, $0x0  }
0x2f0: {  	[tilespmem:s23+$0xFFFFFFF0] =	vst v13;
	v10 =	vmul.f32 $5.110000000e+02, v41;
	v19 =	vsub.f32 v27, v19;
	v8 =	vshll.u32 v35, $0x9  }
0x2f1: {  	[tilespmem:s1+$0xFFFFFFF0] =	vst v14;
	v40 =	vnsel vm9, $0x0, v39;
	v42 =	vor.u32 v8, v7;
	v8 =	vmul.f32 $5.110000000e+02, v44  }
0x2f2: {  	[tilespmem:s13+$0xFFFFFFE0] =	vst v37;
	v4 =	vmin.u32 v4, $0x1FF;
	v9 =	vmin.u32 v40, $0x1FF;
	v10 =	vmul.f32 $5.000000000e-01, v10  }
0x2f3: {  	v48 =	vld [tilespmem:s2+$0x80];
	[tilespmem:s17+$0xFFFFFFF0] =	vst v45;
	v47 =	vcvt.s32.f32 v4;
	v4 =	vshll.u32 v4, $0x9;
	v8 =	vmul.f32 $5.000000000e-01, v8  }
0x2f4: {  	[tilespmem:s13+$0xFFFFFFF0] =	vst v43;
	v4 =	vor.u32 v4, v3;
	v9 =	vshll.u32 v9, $0x9;
	v50 =	vmax.f32 v10, $-1.000000000e+00  }
0x2f5: {  	[tilespmem:s23+$0x0] =	vst v15;
	v49 =	vsub.f32 v47, v18;
	v13 =	vmin.f32 v50, $5.120000000e+02;
	v8 =	vmax.f32 v8, $-1.000000000e+00  }
0x2f6: {  	[tilespmem:s1+$0x0] =	vst v17;
	v3 =	vor.u32 v9, v3;
	v51 =	vtrunc.f32 v13;
	v8 =	vmin.f32 v8, $5.120000000e+02  }
0x2f7: {  	[tilespmem:s17+$0x0] =	vst v46;
	vm11 =	vlt.f32 v13, v51;
	v9 =	vcvt.f32.s32 v51;
	v53 =	vtrunc.f32 v8  }
0x2f8: {  	[tilespmem:s13+$0x0] =	vst v48;
	v54 =	vsel vm11, $0xFFFFFFFF, v1;
	vm12 =	vlt.f32 v8, v53;
	v55 =	vcvt.f32.s32 v53  }
0x2f9: {  	v52 =	vld [tilespmem:s2+$0x90];
	[tilespmem:s23+$0x10] =	vst v11;
	v56 =	vadd.f32 $1.000000000e+00, v19;
	v5 =	vadd.s32 v9, v54;
	v57 =	vsel vm12, $0xFFFFFFFF, v1  }
0x2fa: {  	[tilespmem:s1+$0x10] =	vst v42;
	v61 =	vadd.f32 $1.000000000e+00, v49;
	vm13 =	vgt.s32 v5, $0x0;
	v58 =	vadd.s32 v57, v55  }
0x2fb: {  	v60 =	vld [tilespmem:s2+$0xA0];
	[tilespmem:s23+$0x20] =	vst v4;
	v59 =	vadd.s32 $0x1, v5;
	v5 =	vnsel vm13, $0x0, v5;
	v6 =	vadd.s32 $0x1, v58  }
0x2fc: {  	[tilespmem:s17+$0x10] =	vst v56;
	vm14 =	vgt.s32 v59, $0x0;
	v5 =	vmin.u32 v5, $0x1FF;
	vm15 =	vgt.s32 v6, $0x0  }
0x2fd: {  	[tilespmem:s1+$0x20] =	vst v3;
	v8 =	vnsel vm14, $0x0, v59;
	v62 =	vcvt.s32.f32 v5;
	v6 =	vnsel vm15, $0x0, v6  }
0x2fe: {  	s20 =	sadd.s32 $0x8, s20;
	[tilespmem:s13+$0x10] =	vst v52;
	v3 =	vmin.u32 v8, $0x1FF;
	v6 =	vmin.u32 v6, $0x1FF  }
0x2ff: {  	p0 =	slt.u32 s20, $0x18;
	v63 =	vld [tilespmem:s2+$0xB0];
	[tilespmem:s17+$0x20] =	vst v61;
	v5 =	vshll.u32 v5, $0x9;
	v7 =	vsub.f32 v62, v10;
	v6 =	vor.u32 v0, v6  }
.Ltmp9:
0x300: {  	[tilespmem:s13+$0x20] =	vst v60;
	v3 =	vshll.u32 v3, $0x9;
	v5 =	vor.u32 v5, v6;
	(pc) =	sbr.rel @p0 .LBB2_21-.Ltmp9, $4  }
0x301: {  	v7 =	vadd.f32 $1.000000000e+00, v7;
	v3 =	vor.u32 v3, v6;
	[tilespmem:s23+$0x30] =	vst v5  }
0x302: {  	[tilespmem:s1+$0x30] =	vst v3  }
0x303: {  	s8 =	sadd.s32 $0x80, s8;
	s2 =	sadd.s32 $0x200, s2;
	s23 =	sadd.s32 $0x80, s23;
	[tilespmem:s17+$0x30] =	vst v7  }
0x304: {  	s1 =	sadd.s32 $0x80, s1;
	s17 =	sadd.s32 $0x80, s17;
	[tilespmem:s13+$0x30] =	vst v63;
	s13 =	sadd.s32 $0x80, s13  }
0x305: {  	s6 =	sadd.s32 $0x1, s6  }
0x306: {  	p0 =	sne.s32 s6, $0x4  }
.Ltmp10:
0x307: {  	_ = 	snop;
	(pc) =	sbr.rel @p0 .LBB2_20-.Ltmp10, $3  }
0x308: {  	_ =	sdelay $0x1  }
0x309: {  	s11 =	sadd.s32 $0x800, s11;
	s21 =	sadd.s32 $0x200, s21  }
0x30a: {  	s24 =	sadd.s32 $0x200, s24;
	s26 =	sadd.s32 $0x200, s26;
	s3 =	sadd.s32 $0x200, s3  }
0x30b: {  	s1 =	simm.s32 $0x7800;
	s2 =	simm.s32 $0x8800  }
0x30c: {  	[tilespmem:s2], [sflag:$0x5] =	stream.indirect.gather [spmem:s4], $0x1, s1, s25, $0xb8;
	[tilespmem:$0x1B400] =	vst v63  }
0x30d: {  	s30 =	simm.s32 $0x8000;
	s31 =	simm.s32 $0x9000  }
0x30e: {  	[tilespmem:s31], [sflag:$0x5] =	stream.indirect.gather [spmem:s4], $0x1, s30, s25, $0xb8;
	[tilespmem:$0x1B400] =	vst v63  }
0x30f: {  	_ =	swait.ge [sflag:s16], $0x800  }
0x310: {  	[sflag:s16] =	ssyncset.done $0x0  }
0x311: {  	[sflag:s16] =	ssyncadd.s32 $0xFFFFF800  }
0x312: {  	_ =	swait.ge [sflag:s16], $0x800  }
0x313: {  	[sflag:s16] =	ssyncset.done $0x0  }
0x314: {  	s13 =	simm.s32 $0x3;
	[sflag:s16] =	ssyncadd.s32 $0xFFFFF800  }
0x315: {  	_ =	swait.ge [sflag:s13], $0x800  }
0x316: {  	[sflag:s13] =	ssyncset.done $0x0  }
0x317: {  	s6 =	simm.s32 $0x4040;
	[sflag:s13] =	ssyncadd.s32 $0xFFFFF800  }
0x318: {  	s1 =	simm.s32 $0x3040;
	v2 =	vld [tilespmem:s6+$0x30]  }
0x319: {  	s2 =	simm.s32 $0x3840;
	v3 =	vld [tilespmem:s1+$0x30]  }
0x31a: {  	v4 =	vld [tilespmem:s2+$0x30]  }
0x31b: {  	v6 =	vld [tilespmem:s6+$0xFFFFFFC0]  }
0x31c: {  	v5 =	vld [tilespmem:s6+$0xFFFFFFD0]  }
0x31d: {  	s3 =	simm.s32 $0x4840;
	v7 =	vld [tilespmem:s6+$0xFFFFFFE0]  }
0x31e: {  	v8 =	vld [tilespmem:s3+$0x30]  }
0x31f: {  	v9 =	vld [tilespmem:s6+$0xFFFFFFF0]  }
0x320: {  	v10 =	vld [tilespmem:s6+$0x0]  }
0x321: {  	v11 =	vld [tilespmem:s6+$0x10]  }
0x322: {  	v12 =	vld [tilespmem:s6+$0x20]  }
0x323: {  	v13 =	vld [tilespmem:s2+$0xFFFFFFC0]  }
0x324: {  	v14 =	vld [tilespmem:s1+$0xFFFFFFD0]  }
0x325: {  	v15 =	vld [tilespmem:s2+$0xFFFFFFD0]  }
0x326: {  	v16 =	vld [tilespmem:s1+$0xFFFFFFE0]  }
0x327: {  	v17 =	vld [tilespmem:s2+$0xFFFFFFE0]  }
0x328: {  	v19 =	vld [tilespmem:s1+$0xFFFFFFF0]  }
0x329: {  	v20 =	vld [tilespmem:s2+$0xFFFFFFF0];
	v18 =	vsub.f32 $1.000000000e+00, v2  }
0x32a: {  	v57 =	vld [tilespmem:s2+$0x0]  }
0x32b: {  	v23 =	vld [tilespmem:s2+$0x10];
	v2 =	vmul.f32 v2, v3;
	v3 =	vmul.f32 v18, v4  }
0x32c: {  	v58 =	vld [tilespmem:s2+$0x20];
	v21 =	vsub.f32 $1.000000000e+00, v6  }
0x32d: {  	v22 =	vsub.f32 $1.000000000e+00, v5;
	v4 =	vld [tilespmem:s1+$0x0];
	v2 =	vadd.f32 v3, v2  }
0x32e: {  	v5 =	vmul.f32 v5, v14;
	v14 =	vsub.f32 $1.000000000e+00, v9;
	v9 =	vmul.f32 v9, v19;
	v3 =	vld [tilespmem:s1+$0x10]  }
0x32f: {  	v61 =	vsub.f32 $1.000000000e+00, v11;
	v13 =	vmul.f32 v21, v13;
	v24 =	vsub.f32 v2, v8;
	v8 =	vld [tilespmem:s1+$0x20]  }
0x330: {  	v60 =	vld [tilespmem:s1+$0xFFFFFFC0];
	v15 =	vmul.f32 v22, v15;
	v14 =	vmul.f32 v14, v20;
	v2 =	vsub.f32 $1.000000000e+00, v7  }
0x331: {  	v62 =	vld [tilespmem:s3+$0xFFFFFFD0];
	v59 =	vsub.f32 $1.000000000e+00, v10;
	v19 =	vmul.f32 v61, v23;
	v7 =	vmul.f32 v7, v16  }
0x332: {  	v10 =	vmul.f32 v10, v4;
	v4 =	vsub.f32 $1.000000000e+00, v12;
	v17 =	vmul.f32 v2, v17;
	v2 =	vld [tilespmem:s3+$0xFFFFFFC0]  }
0x333: {  	v15 =	vadd.f32 v15, v5;
	v16 =	vmul.f32 v59, v57;
	v63 =	vmul.f32 v11, v3;
	v11 =	vld [tilespmem:s3+$0xFFFFFFE0]  }
0x334: {  	v3 =	vadd.f32 v17, v7;
	v7 =	vmul.f32 v12, v8;
	v8 =	vld [tilespmem:s3+$0xFFFFFFF0];
	v12 =	vmul.f32 v4, v58  }
0x335: {  	v5 =	vadd.f32 v16, v10;
	v10 =	vld [tilespmem:s3+$0x0];
	v4 =	vadd.f32 v14, v9;
	v14 =	vmul.f32 v6, v60  }
0x336: {  	s6 =	simm.s32 $0x5040;
	v6 =	vadd.f32 v19, v63;
	v9 =	vld [tilespmem:s3+$0x10];
	v7 =	vadd.f32 v12, v7  }
0x337: {  	s8 =	simm.s32 $0x0;
	s11 =	simm.s32 $0x40C0;
	[tilespmem:s6+$0x30] =	vst v24;
	v13 =	vadd.f32 v13, v14;
	v14 =	vsub.f32 v15, v62;
	v12 =	vld [tilespmem:s3+$0x20]  }
.LBB2_24:
0x338: {  	v15 =	vld [tilespmem:s11+$0x30];
	s8 =	sadd.s32 $0x8, s8;
	v3 =	vsub.f32 v3, v11;
	s1 =	sadd.s32 $0x80, s1  }
0x339: {  	s2 =	sadd.s32 $0x80, s2;
	v11 =	vld [tilespmem:s1+$0x30];
	p0 =	slt.u32 s8, $0x78;
	v2 =	vsub.f32 v13, v2;
	[tilespmem:s6+$0xFFFFFFD0] =	vst v14;
	v4 =	vsub.f32 v4, v8  }
0x33a: {  	v8 =	vld [tilespmem:s2+$0x30];
	[tilespmem:s6+$0xFFFFFFE0] =	vst v3;
	v3 =	vsub.f32 v5, v10  }
0x33b: {  	v10 =	vld [tilespmem:s11+$0xFFFFFFC0];
	[tilespmem:s6+$0xFFFFFFC0] =	vst v2;
	v2 =	vsub.f32 v6, v9  }
0x33c: {  	v5 =	vld [tilespmem:s11+$0xFFFFFFD0];
	[tilespmem:s6+$0xFFFFFFF0] =	vst v4;
	v4 =	vsub.f32 v7, v12  }
0x33d: {  	s3 =	sadd.s32 $0x80, s3;
	v6 =	vld [tilespmem:s11+$0xFFFFFFE0];
	v7 =	vsub.f32 $1.000000000e+00, v15;
	[tilespmem:s6+$0x0] =	vst v3  }
0x33e: {  	v3 =	vld [tilespmem:s3+$0x30];
	[tilespmem:s6+$0x10] =	vst v2  }
0x33f: {  	v9 =	vmul.f32 v15, v11;
	v2 =	vld [tilespmem:s11+$0xFFFFFFF0];
	v7 =	vmul.f32 v7, v8;
	[tilespmem:s6+$0x20] =	vst v4  }
0x340: {  	v4 =	vsub.f32 $1.000000000e+00, v10;
	v8 =	vld [tilespmem:s11+$0x0]  }
0x341: {  	v11 =	vsub.f32 $1.000000000e+00, v5;
	v12 =	vld [tilespmem:s11+$0x10];
	v7 =	vadd.f32 v7, v9  }
0x342: {  	v9 =	vsub.f32 $1.000000000e+00, v6;
	v13 =	vld [tilespmem:s11+$0x20]  }
0x343: {  	v14 =	vld [tilespmem:s2+$0xFFFFFFC0];
	v3 =	vsub.f32 v7, v3  }
0x344: {  	s6 =	sadd.s32 $0x80, s6;
	v7 =	vld [tilespmem:s1+$0xFFFFFFD0];
	v15 =	vsub.f32 $1.000000000e+00, v2  }
0x345: {  	v16 =	vld [tilespmem:s2+$0xFFFFFFD0];
	v17 =	vsub.f32 $1.000000000e+00, v8;
	[tilespmem:s6+$0x30] =	vst v3  }
0x346: {  	v3 =	vld [tilespmem:s1+$0xFFFFFFE0];
	v18 =	vsub.f32 $1.000000000e+00, v12  }
0x347: {  	v19 =	vld [tilespmem:s2+$0xFFFFFFE0];
	v20 =	vsub.f32 $1.000000000e+00, v13  }
0x348: {  	v14 =	vmul.f32 v4, v14;
	v4 =	vld [tilespmem:s1+$0xFFFFFFF0]  }
0x349: {  	v5 =	vmul.f32 v5, v7;
	v7 =	vld [tilespmem:s2+$0xFFFFFFF0]  }
0x34a: {  	v11 =	vmul.f32 v11, v16;
	v16 =	vld [tilespmem:s1+$0x0]  }
0x34b: {  	v3 =	vmul.f32 v6, v3;
	v6 =	vld [tilespmem:s2+$0x0]  }
0x34c: {  	v21 =	vadd.f32 v11, v5;
	v5 =	vmul.f32 v9, v19;
	v9 =	vld [tilespmem:s1+$0x10]  }
0x34d: {  	v2 =	vmul.f32 v2, v4;
	v11 =	vld [tilespmem:s2+$0x10]  }
0x34e: {  	v3 =	vadd.f32 v5, v3;
	v4 =	vmul.f32 v15, v7;
	v7 =	vld [tilespmem:s1+$0x20]  }
0x34f: {  	v5 =	vmul.f32 v8, v16;
	v15 =	vld [tilespmem:s2+$0x20]  }
0x350: {  	v16 =	vld [tilespmem:s1+$0xFFFFFFC0];
	v4 =	vadd.f32 v4, v2;
	v6 =	vmul.f32 v17, v6  }
0x351: {  	v2 =	vld [tilespmem:s3+$0xFFFFFFC0];
	v9 =	vmul.f32 v12, v9  }
0x352: {  	v12 =	vld [tilespmem:s3+$0xFFFFFFD0];
	v5 =	vadd.f32 v6, v5;
	v6 =	vmul.f32 v18, v11  }
.Ltmp11:
0x353: {  	v11 =	vld [tilespmem:s3+$0xFFFFFFE0];
	v7 =	vmul.f32 v13, v7;
	(pc) =	sbr.rel @p0 .LBB2_24-.Ltmp11, $4  }
0x354: {  	v8 =	vld [tilespmem:s3+$0xFFFFFFF0];
	v6 =	vadd.f32 v6, v9;
	v13 =	vmul.f32 v20, v15  }
0x355: {  	v15 =	vmul.f32 v10, v16;
	v10 =	vld [tilespmem:s3+$0x0]  }
0x356: {  	v9 =	vld [tilespmem:s3+$0x10];
	v7 =	vadd.f32 v13, v7  }
0x357: {  	s11 =	sadd.s32 $0x80, s11;
	v13 =	vadd.f32 v14, v15;
	v14 =	vsub.f32 v21, v12;
	v12 =	vld [tilespmem:s3+$0x20]  }
0x358: {  	v3 =	vsub.f32 v3, v11  }
0x359: {  	v2 =	vsub.f32 v13, v2;
	[tilespmem:s6+$0xFFFFFFD0] =	vst v14  }
0x35a: {  	v4 =	vsub.f32 v4, v8;
	[tilespmem:s6+$0xFFFFFFE0] =	vst v3  }
0x35b: {  	v3 =	vsub.f32 v5, v10;
	[tilespmem:s6+$0xFFFFFFC0] =	vst v2  }
0x35c: {  	v2 =	vsub.f32 v6, v9;
	[tilespmem:s6+$0xFFFFFFF0] =	vst v4  }
0x35d: {  	v4 =	vsub.f32 v7, v12;
	[tilespmem:s6+$0x0] =	vst v3  }
0x35e: {  	[tilespmem:s6+$0x10] =	vst v2  }
0x35f: {  	[tilespmem:s6+$0x20] =	vst v4  }
0x360: {  	s2 =	simm.s32 $0x5000;
	s1 =	rddreg [dreg:$0xb]  }
0x361: {  	[hbm4b:s1+s5] =	stream.linear.scatter [tilespmem:s2], [sflag:$0x3], $0x800, $0x38;
	[tilespmem:$0x1B400] =	vst v63  }
0x362: {  	_ =	swait.ge [sflag:s18], $0x800  }
0x363: {  	[sflag:s18] =	ssyncset.done $0x0  }
0x364: {  	[sflag:s18] =	ssyncadd.s32 $0xFFFFF800  }
0x365: {  	_ =	swait.ge [sflag:s18], $0x800  }
0x366: {  	[sflag:s18] =	ssyncset.done $0x0  }
0x367: {  	s17 =	simm.s32 $0x6;
	[sflag:s18] =	ssyncadd.s32 $0xFFFFF800  }
0x368: {  	_ =	swait.ge [sflag:s17], $0x800  }
0x369: {  	[sflag:s17] =	ssyncset.done $0x0  }
0x36a: {  	s31 =	simm.s32 $0x9840;
	[sflag:s17] =	ssyncadd.s32 $0xFFFFF800  }
0x36b: {  	s1 =	simm.s32 $0x8840;
	v2 =	vld [tilespmem:s31+$0x30]  }
0x36c: {  	s2 =	simm.s32 $0x9040;
	v3 =	vld [tilespmem:s1+$0x30]  }
0x36d: {  	v4 =	vld [tilespmem:s2+$0x30]  }
0x36e: {  	v6 =	vld [tilespmem:s31+$0xFFFFFFC0]  }
0x36f: {  	v5 =	vld [tilespmem:s31+$0xFFFFFFD0]  }
0x370: {  	s3 =	simm.s32 $0xA040;
	v7 =	vld [tilespmem:s31+$0xFFFFFFE0]  }
0x371: {  	v8 =	vld [tilespmem:s3+$0x30]  }
0x372: {  	v9 =	vld [tilespmem:s31+$0xFFFFFFF0]  }
0x373: {  	v10 =	vld [tilespmem:s31+$0x0]  }
0x374: {  	v11 =	vld [tilespmem:s31+$0x10]  }
0x375: {  	v12 =	vld [tilespmem:s31+$0x20]  }
0x376: {  	v13 =	vld [tilespmem:s2+$0xFFFFFFC0]  }
0x377: {  	v14 =	vld [tilespmem:s1+$0xFFFFFFD0]  }
0x378: {  	v15 =	vld [tilespmem:s2+$0xFFFFFFD0]  }
0x379: {  	v16 =	vld [tilespmem:s1+$0xFFFFFFE0]  }
0x37a: {  	v17 =	vld [tilespmem:s2+$0xFFFFFFE0]  }
0x37b: {  	v19 =	vld [tilespmem:s1+$0xFFFFFFF0]  }
0x37c: {  	v20 =	vld [tilespmem:s2+$0xFFFFFFF0];
	v18 =	vsub.f32 $1.000000000e+00, v2  }
0x37d: {  	v57 =	vld [tilespmem:s2+$0x0]  }
0x37e: {  	v23 =	vld [tilespmem:s2+$0x10];
	v2 =	vmul.f32 v2, v3;
	v3 =	vmul.f32 v18, v4  }
0x37f: {  	v58 =	vld [tilespmem:s2+$0x20];
	v21 =	vsub.f32 $1.000000000e+00, v6  }
0x380: {  	v22 =	vsub.f32 $1.000000000e+00, v5;
	v4 =	vld [tilespmem:s1+$0x0];
	v2 =	vadd.f32 v3, v2  }
0x381: {  	v5 =	vmul.f32 v5, v14;
	v14 =	vsub.f32 $1.000000000e+00, v9;
	v9 =	vmul.f32 v9, v19;
	v3 =	vld [tilespmem:s1+$0x10]  }
0x382: {  	v61 =	vsub.f32 $1.000000000e+00, v11;
	v13 =	vmul.f32 v21, v13;
	v24 =	vsub.f32 v2, v8;
	v8 =	vld [tilespmem:s1+$0x20]  }
0x383: {  	v60 =	vld [tilespmem:s1+$0xFFFFFFC0];
	v15 =	vmul.f32 v22, v15;
	v14 =	vmul.f32 v14, v20;
	v2 =	vsub.f32 $1.000000000e+00, v7  }
0x384: {  	v62 =	vld [tilespmem:s3+$0xFFFFFFD0];
	v59 =	vsub.f32 $1.000000000e+00, v10;
	v19 =	vmul.f32 v61, v23;
	v7 =	vmul.f32 v7, v16  }
0x385: {  	v10 =	vmul.f32 v10, v4;
	v4 =	vsub.f32 $1.000000000e+00, v12;
	v17 =	vmul.f32 v2, v17;
	v2 =	vld [tilespmem:s3+$0xFFFFFFC0]  }
0x386: {  	v15 =	vadd.f32 v15, v5;
	v16 =	vmul.f32 v59, v57;
	v63 =	vmul.f32 v11, v3;
	v11 =	vld [tilespmem:s3+$0xFFFFFFE0]  }
0x387: {  	v3 =	vadd.f32 v17, v7;
	v7 =	vmul.f32 v12, v8;
	v8 =	vld [tilespmem:s3+$0xFFFFFFF0];
	v12 =	vmul.f32 v4, v58  }
0x388: {  	v5 =	vadd.f32 v16, v10;
	v10 =	vld [tilespmem:s3+$0x0];
	v4 =	vadd.f32 v14, v9;
	v14 =	vmul.f32 v6, v60  }
0x389: {  	s6 =	simm.s32 $0xA840;
	v6 =	vadd.f32 v19, v63;
	v9 =	vld [tilespmem:s3+$0x10];
	v7 =	vadd.f32 v12, v7  }
0x38a: {  	s8 =	simm.s32 $0x0;
	s11 =	simm.s32 $0x98C0;
	[tilespmem:s6+$0x30] =	vst v24;
	v13 =	vadd.f32 v13, v14;
	v14 =	vsub.f32 v15, v62;
	v12 =	vld [tilespmem:s3+$0x20]  }
.LBB2_26:
0x38b: {  	v15 =	vld [tilespmem:s11+$0x30];
	s8 =	sadd.s32 $0x8, s8;
	v3 =	vsub.f32 v3, v11;
	s1 =	sadd.s32 $0x80, s1  }
0x38c: {  	s2 =	sadd.s32 $0x80, s2;
	v11 =	vld [tilespmem:s1+$0x30];
	p0 =	slt.u32 s8, $0x78;
	v2 =	vsub.f32 v13, v2;
	[tilespmem:s6+$0xFFFFFFD0] =	vst v14;
	v4 =	vsub.f32 v4, v8  }
0x38d: {  	v8 =	vld [tilespmem:s2+$0x30];
	[tilespmem:s6+$0xFFFFFFE0] =	vst v3;
	v3 =	vsub.f32 v5, v10  }
0x38e: {  	v10 =	vld [tilespmem:s11+$0xFFFFFFC0];
	[tilespmem:s6+$0xFFFFFFC0] =	vst v2;
	v2 =	vsub.f32 v6, v9  }
0x38f: {  	v5 =	vld [tilespmem:s11+$0xFFFFFFD0];
	[tilespmem:s6+$0xFFFFFFF0] =	vst v4;
	v4 =	vsub.f32 v7, v12  }
0x390: {  	s3 =	sadd.s32 $0x80, s3;
	v6 =	vld [tilespmem:s11+$0xFFFFFFE0];
	v7 =	vsub.f32 $1.000000000e+00, v15;
	[tilespmem:s6+$0x0] =	vst v3  }
0x391: {  	v3 =	vld [tilespmem:s3+$0x30];
	[tilespmem:s6+$0x10] =	vst v2  }
0x392: {  	v9 =	vmul.f32 v15, v11;
	v2 =	vld [tilespmem:s11+$0xFFFFFFF0];
	v7 =	vmul.f32 v7, v8;
	[tilespmem:s6+$0x20] =	vst v4  }
0x393: {  	v4 =	vsub.f32 $1.000000000e+00, v10;
	v8 =	vld [tilespmem:s11+$0x0]  }
0x394: {  	v11 =	vsub.f32 $1.000000000e+00, v5;
	v12 =	vld [tilespmem:s11+$0x10];
	v7 =	vadd.f32 v7, v9  }
0x395: {  	v9 =	vsub.f32 $1.000000000e+00, v6;
	v13 =	vld [tilespmem:s11+$0x20]  }
0x396: {  	v14 =	vld [tilespmem:s2+$0xFFFFFFC0];
	v3 =	vsub.f32 v7, v3  }
0x397: {  	s6 =	sadd.s32 $0x80, s6;
	v7 =	vld [tilespmem:s1+$0xFFFFFFD0];
	v15 =	vsub.f32 $1.000000000e+00, v2  }
0x398: {  	v16 =	vld [tilespmem:s2+$0xFFFFFFD0];
	v17 =	vsub.f32 $1.000000000e+00, v8;
	[tilespmem:s6+$0x30] =	vst v3  }
0x399: {  	v3 =	vld [tilespmem:s1+$0xFFFFFFE0];
	v18 =	vsub.f32 $1.000000000e+00, v12  }
0x39a: {  	v19 =	vld [tilespmem:s2+$0xFFFFFFE0];
	v20 =	vsub.f32 $1.000000000e+00, v13  }
0x39b: {  	v14 =	vmul.f32 v4, v14;
	v4 =	vld [tilespmem:s1+$0xFFFFFFF0]  }
0x39c: {  	v5 =	vmul.f32 v5, v7;
	v7 =	vld [tilespmem:s2+$0xFFFFFFF0]  }
0x39d: {  	v11 =	vmul.f32 v11, v16;
	v16 =	vld [tilespmem:s1+$0x0]  }
0x39e: {  	v3 =	vmul.f32 v6, v3;
	v6 =	vld [tilespmem:s2+$0x0]  }
0x39f: {  	v21 =	vadd.f32 v11, v5;
	v5 =	vmul.f32 v9, v19;
	v9 =	vld [tilespmem:s1+$0x10]  }
0x3a0: {  	v2 =	vmul.f32 v2, v4;
	v11 =	vld [tilespmem:s2+$0x10]  }
0x3a1: {  	v3 =	vadd.f32 v5, v3;
	v4 =	vmul.f32 v15, v7;
	v7 =	vld [tilespmem:s1+$0x20]  }
0x3a2: {  	v5 =	vmul.f32 v8, v16;
	v15 =	vld [tilespmem:s2+$0x20]  }
0x3a3: {  	v16 =	vld [tilespmem:s1+$0xFFFFFFC0];
	v4 =	vadd.f32 v4, v2;
	v6 =	vmul.f32 v17, v6  }
0x3a4: {  	v2 =	vld [tilespmem:s3+$0xFFFFFFC0];
	v9 =	vmul.f32 v12, v9  }
0x3a5: {  	v12 =	vld [tilespmem:s3+$0xFFFFFFD0];
	v5 =	vadd.f32 v6, v5;
	v6 =	vmul.f32 v18, v11  }
.Ltmp12:
0x3a6: {  	v11 =	vld [tilespmem:s3+$0xFFFFFFE0];
	v7 =	vmul.f32 v13, v7;
	(pc) =	sbr.rel @p0 .LBB2_26-.Ltmp12, $4  }
0x3a7: {  	v8 =	vld [tilespmem:s3+$0xFFFFFFF0];
	v6 =	vadd.f32 v6, v9;
	v13 =	vmul.f32 v20, v15  }
0x3a8: {  	v15 =	vmul.f32 v10, v16;
	v10 =	vld [tilespmem:s3+$0x0]  }
0x3a9: {  	v9 =	vld [tilespmem:s3+$0x10];
	v7 =	vadd.f32 v13, v7  }
0x3aa: {  	s11 =	sadd.s32 $0x80, s11;
	v13 =	vadd.f32 v14, v15;
	v14 =	vsub.f32 v21, v12;
	v12 =	vld [tilespmem:s3+$0x20]  }
0x3ab: {  	v3 =	vsub.f32 v3, v11  }
0x3ac: {  	v2 =	vsub.f32 v13, v2;
	[tilespmem:s6+$0xFFFFFFD0] =	vst v14  }
0x3ad: {  	v4 =	vsub.f32 v4, v8;
	[tilespmem:s6+$0xFFFFFFE0] =	vst v3  }
0x3ae: {  	v3 =	vsub.f32 v5, v10;
	[tilespmem:s6+$0xFFFFFFC0] =	vst v2  }
0x3af: {  	v2 =	vsub.f32 v6, v9;
	[tilespmem:s6+$0xFFFFFFF0] =	vst v4  }
0x3b0: {  	v63 =	vsub.f32 v7, v12;
	[tilespmem:s6+$0x0] =	vst v3  }
0x3b1: {  	[tilespmem:s6+$0x10] =	vst v2  }
0x3b2: {  	[tilespmem:s6+$0x20] =	vst v63  }
0x3b3: {  	s2 =	simm.s32 $0xA800;
	s1 =	rddreg [dreg:$0xc]  }
0x3b4: {  	[hbm4b:s1+s5] =	stream.linear.scatter [tilespmem:s2], [sflag:$0x6], $0x800, $0x38;
	[tilespmem:$0x1B400] =	vst v63  }
0x3b5: {  	_ =	swait.ge [sflag:s13], $0x800  }
0x3b6: {  	[sflag:s13] =	ssyncset.done $0x0  }
0x3b7: {  	[sflag:s13] =	ssyncadd.s32 $0xFFFFF800  }
0x3b8: {  	_ =	swait.ge [sflag:s17], $0x800  }
0x3b9: {  	s30 =	rddreg [dreg:$0x10]  }
0x3ba: {  	s31 =	rddreg [dreg:$0xd];
	s2 =	sadd.s32 $0x1, s30  }
0x3bb: {  	p0 =	sne.s32 s2, s31  }
.Ltmp13:
0x3bc: {  	_ = 	snop;
	(pc) =	sbr.rel @p0 .LBB2_1-.Ltmp13, $3  }
0x3bd: {  	_ =	sdelay $0x1  }
0x3be: {  	[sflag:s17] =	ssyncset.done $0x0  }
0x3bf: {  	[sflag:s17] =	ssyncadd.s32 $0xFFFFF800  }
0x3c0: {  	_ =	sfence.sel $0x180000  }
0x3c1: {  	[bflag:$0x0] =	sbarrier.arrive $0xFFFF  }
0x3c2: {  	_ =	strace $0x90000047  }
0x3c3: {  	s0 =	stileid.u32;
	[bflag:$0x2] =	sbarrier.arrive $0xFFFF  }
0x3c4: {  	p0 =	sne.s32 s0, $0x0;
	s0 =	rddreg [dreg:$0x4]  }
0x3c5: {  	s0 =	sadd.s32 @!p0 $0x100000, s0  }
0x3c6: {  	[sflag:s0] =	ssyncadd.tile.s32 @!p0 $0x1;
	_ =	shalt  }
.Lfunc_end2:
_tile_overlayer_lowered:
.L_overlay_start_2:
0x3c7: {  	(tag) =	ssettag $0x2  }
0x3c8: {  	s0 =	rddreg [dreg:$0x0];
	s2 =	stileid.u32  }
0x3c9: {  	s1 =	rddreg [dreg:$0x1];
	p0 =	sne.s32 s2, $0x0  }
0x3ca: {  	s3 =	rddreg [dreg:$0x2];
	[bflag:$0x3] =	sbarrier.arrive $0xFFFF;
	s2 =	simm.s32 @!p0 $0x1C07  }
0x3cb: {  	[timem:s3], [sflag:s2] =	dma.local @!p0 [hbm:s0], s1  }
0x3cc: {  	s0 =	simm.s32 @!p0 $0x7  }
0x3cd: {  	_ =	swait.ge @!p0 [sflag:s0], s1  }
0x3ce: {  	s1 =	ssub.s32 @!p0 $0x0, s1;
	[sflag:s0] =	ssyncset.done @!p0 $0x0  }
0x3cf: {  	[sflag:s0] =	ssyncadd.s32 @!p0 s1  }
0x3d0: {  	[bflag:$0x3] =	sbarrier.arrive $0xFFFF  }
0x3d1: {  	_ =	shalt  }

</sc_bundles>
